<compile_context>
chip_gen: v7x
topology: tpu7x:2x2x1
jax: 0.10.2.dev20260603
libtpu: 0.0.44.dev20260713+nightly
codegen_flags: <defaults>
</compile_context>

<pallas_src>
import functools

import jax
import jax.numpy as jnp
from jax import lax
from jax.experimental import pallas as pl
from jax.experimental.pallas import tpu as pltpu
from jax.experimental.pallas import tpu_sc as plsc

N = 10000
E = 320000
DF = 128
DE = 16

NC = 2
NS = 16
NW = NC * NS
K = 40
NBUF = 2
NP = 10240
RPS = NP // NS

BLK = 3200
NBLK = E // BLK

PHASES = (102400, 217600)

_DN0 = (((0,), (0,)), ((), ()))


def _estats_body(efT_ref, eW1_ref, eb1c_ref, out_ref):
    e1t = lax.dot_general(eW1_ref[...], efT_ref[...], _DN0,
                          preferred_element_type=jnp.float32) + eb1c_ref[...]

    @pl.when(pl.program_id(0) == 0)
    def _():
        out_ref[...] = jnp.zeros_like(out_ref)

    out_ref[:, 0:1] += jnp.sum(e1t, axis=1, keepdims=True)
    out_ref[:, 1:2] += jnp.sum(e1t * e1t, axis=1, keepdims=True)


def _emlp_body(efT_ref, stats_ref, eW1_ref, eb1c_ref, eg1c_ref, ebt1c_ref,
               eW2_ref, eb2_ref, out_ref):
    m = stats_ref[:, 0:1] / E
    var = stats_ref[:, 1:2] / E - m * m
    scale = eg1c_ref[...] * lax.rsqrt(var + 1e-5)
    shift = ebt1c_ref[...] - m * scale
    e1t = lax.dot_general(eW1_ref[...], efT_ref[...], _DN0,
                          preferred_element_type=jnp.float32) + eb1c_ref[...]
    x = jnp.maximum(e1t * scale + shift, 0.0)
    out_ref[...] = lax.dot_general(x, eW2_ref[...], _DN0,
                                   preferred_element_type=jnp.float32) + eb2_ref[...]


def _sc_body(eph, src_hbm, dst_hbm, e_hbm, init_hbm, node_hbm, out_hbm,
             *scr):
    nchunk = eph // K
    c = lax.axis_index("c")
    s = lax.axis_index("s")
    wid = s * NC + c
    srca, dsta = scr[0], scr[1]
    nrows = scr[2:2 + NBUF]
    erows = scr[2 + NBUF:2 + 2 * NBUF]
    mrows = scr[2 + 2 * NBUF:2 + 3 * NBUF]
    acc = scr[2 + 3 * NBUF]
    sems = scr[3 + 3 * NBUF:]
    gsem = sems[0:NBUF]
    esem = sems[NBUF:2 * NBUF]
    ssem = sems[2 * NBUF:3 * NBUF]

    pltpu.sync_copy(init_hbm.at[c, pl.ds(s * RPS, RPS)],
                    acc.at[pl.ds(s * RPS, RPS)])
    pltpu.sync_copy(src_hbm.at[pl.ds(wid * eph, eph)], srca)
    pltpu.sync_copy(dst_hbm.at[pl.ds(wid * eph, eph)], dsta)
    plsc.subcore_barrier()

    def start_loads(ci, b):
        pltpu.async_copy(node_hbm.at[srca.at[pl.ds(ci * K, K)]],
                         nrows[b], gsem[b])
        pltpu.async_copy(e_hbm.at[pl.ds(wid * eph + ci * K, K)],
                         erows[b], esem[b])

    for b in range(NBUF):
        start_loads(b, b)

    def pair(g, carry):
        for b in range(NBUF):
            ci = g * NBUF + b
            pltpu.make_async_copy(node_hbm.at[srca.at[pl.ds(ci * K, K)]],
                                  nrows[b], gsem[b]).wait()
            pltpu.make_async_copy(e_hbm.at[pl.ds(wid * eph + ci * K, K)],
                                  erows[b], esem[b]).wait()

            @pl.when(g > 0)
            def _():
                pltpu.make_async_copy(mrows[b],
                                      acc.at[dsta.at[pl.ds(ci * K, K)]],
                                      ssem[b]).wait()

            @plsc.parallel_loop(0, K, unroll=4)
            def _row(i):
                for cc in range(DF // 16):
                    sl = pl.ds(cc * 16, 16)
                    mrows[b][i, sl] = jnp.maximum(
                        nrows[b][i, sl] + erows[b][i, sl], 0.0)
            pltpu.async_copy(mrows[b], acc.at[dsta.at[pl.ds(ci * K, K)]],
                             ssem[b], add=True)

            @pl.when(ci + NBUF < nchunk)
            def _():
                start_loads(ci + NBUF, b)
        return carry

    lax.fori_loop(0, nchunk // NBUF, pair, 0)
    for b in range(NBUF):
        pltpu.make_async_copy(mrows[b], acc.at[dsta.at[pl.ds(0, K)]],
                              ssem[b]).wait()
    plsc.subcore_barrier()
    pltpu.sync_copy(acc.at[pl.ds(s * RPS, RPS)],
                    out_hbm.at[c, pl.ds(s * RPS, RPS)])


def _nmlp_body(x_ref, p_ref, nW1_ref, nb1_ref, ng1_ref, nbt1_ref,
               nW2_ref, nb2_ref, eps_ref, out_ref):
    h = ((1.0 + eps_ref[0, 0]) * x_ref[...]
         + p_ref[0, :N, :] + p_ref[1, :N, :])
    z = jnp.dot(h, nW1_ref[...], preferred_element_type=jnp.float32) + nb1_ref[...]
    m = jnp.mean(z, axis=0, keepdims=True)
    v = jnp.mean((z - m) * (z - m), axis=0, keepdims=True)
    zn = ng1_ref[...] * (z - m) * lax.rsqrt(v + 1e-5) + nbt1_ref[...]
    zn = jnp.maximum(zn, 0.0)
    out_ref[...] = jnp.dot(zn, nW2_ref[...],
                           preferred_element_type=jnp.float32) + nb2_ref[...]


def kernel(node_feat, edge_feat, edge_index, eW1, eb1, eg1, ebt1, eW2, eb2,
           nW1, nb1, ng1, nbt1, nW2, nb2, eps):
    f32 = jnp.float32
    efT = edge_feat.T
    eb1c = eb1.reshape(-1, 1)
    eg1c = eg1.reshape(-1, 1)
    ebt1c = ebt1.reshape(-1, 1)
    eb2r = eb2.reshape(1, -1)
    nb1r = nb1.reshape(1, -1)
    ng1r = ng1.reshape(1, -1)
    nbt1r = nbt1.reshape(1, -1)
    nb2r = nb2.reshape(1, -1)
    epsr = eps.reshape(1, 1)

    whole = pl.BlockSpec(index_map=lambda i: (0, 0))
    stats = pl.pallas_call(
        _estats_body,
        grid=(NBLK,),
        in_specs=[
            pl.BlockSpec((DE, BLK), lambda i: (0, i)),
            whole, whole,
        ],
        out_specs=pl.BlockSpec((2 * DE, 8), lambda i: (0, 0)),
        out_shape=jax.ShapeDtypeStruct((2 * DE, 8), f32),
    )(efT, eW1, eb1c)

    def emlp(nblk, blk0):
        return pl.pallas_call(
            _emlp_body,
            grid=(nblk,),
            in_specs=[
                pl.BlockSpec((DE, BLK), lambda i: (0, i + blk0)),
                pl.BlockSpec((2 * DE, 8), lambda i: (0, 0)),
                whole, whole, whole, whole, whole, whole,
            ],
            out_specs=pl.BlockSpec((BLK, DF), lambda i: (i, 0)),
            out_shape=jax.ShapeDtypeStruct((nblk * BLK, DF), f32),
        )(efT, stats, eW1, eb1c, eg1c, ebt1c, eW2, eb2r)

    src = edge_index[0]
    dst = edge_index[1]
    zeros = jnp.zeros((NC, NP, DF), f32)

    mesh = plsc.VectorSubcoreMesh(core_axis_name="c", subcore_axis_name="s")

    def sc_call(eph, src_h, dst_h, e_h, init_h):
        return pl.kernel(
            functools.partial(_sc_body, eph),
            out_type=jax.ShapeDtypeStruct((NC, NP, DF), f32),
            mesh=mesh,
            scratch_types=(
                [pltpu.VMEM((eph,), jnp.int32)] * 2
                + [pltpu.VMEM((K, DF), f32)] * (3 * NBUF)
                + [pltpu.VMEM_SHARED((NP, DF), f32)]
                + [pltpu.SemaphoreType.DMA] * (3 * NBUF)
            ),
        )(src_h, dst_h, e_h, init_h, node_feat)

    parts = zeros
    eo = 0
    blk0 = 0
    for ne in PHASES:
        nblk_h = ne // BLK
        e_h = emlp(nblk_h, blk0)
        parts = sc_call(ne // NW, src[eo:eo + ne], dst[eo:eo + ne], e_h, parts)
        eo += ne
        blk0 += nblk_h

    out = pl.pallas_call(
        _nmlp_body,
        out_shape=jax.ShapeDtypeStruct((N, DF), f32),
    )(node_feat, parts, nW1, nb1r, ng1r, nbt1r, nW2, nb2r, epsr)
    return out

# --- scband reference (transcript-rebuilt; emitter-appended) ---
"""Pipeline reference for scband-ginelayer-39195871543376 (READ-ONLY COPY).

The authoritative reference and input builder live on the scoring server;
editing this copy changes nothing except your own understanding.
"""

import jax, jax.numpy as jnp
import numpy as np

N = 10000
E = 320000
DF = 128
DE = 16


def _bn(x, gamma, beta):
    m = jnp.mean(x, axis=0)
    v = jnp.var(x, axis=0)
    return gamma * (x - m) / jnp.sqrt(v + 1e-5) + beta


def setup_inputs(seed: int = 0) -> dict:
    key = jax.random.key(seed)
    ks = jax.random.split(key, 16)
    node_feat = jax.random.normal(ks[0], (N, DF), dtype=jnp.float32)
    edge_feat = jax.random.normal(ks[1], (E, DE), dtype=jnp.float32)
    edge_index = jax.random.randint(ks[2], (2, E), 0, N, dtype=jnp.int32)
    # edge_mlp: Linear(DE, 2*DE) -> BN -> ReLU -> Linear(2*DE, DF)
    eW1 = jax.random.normal(ks[3], (DE, 2 * DE), dtype=jnp.float32) / np.sqrt(DE)
    eb1 = jnp.zeros((2 * DE,), dtype=jnp.float32)
    eg1 = jnp.ones((2 * DE,), dtype=jnp.float32)
    ebt1 = jnp.zeros((2 * DE,), dtype=jnp.float32)
    eW2 = jax.random.normal(ks[4], (2 * DE, DF), dtype=jnp.float32) / np.sqrt(2 * DE)
    eb2 = jnp.zeros((DF,), dtype=jnp.float32)
    # node mlp: Linear(DF, 2*DF) -> BN -> ReLU -> Linear(2*DF, DF)
    nW1 = jax.random.normal(ks[5], (DF, 2 * DF), dtype=jnp.float32) / np.sqrt(DF)
    nb1 = jnp.zeros((2 * DF,), dtype=jnp.float32)
    ng1 = jnp.ones((2 * DF,), dtype=jnp.float32)
    nbt1 = jnp.zeros((2 * DF,), dtype=jnp.float32)
    nW2 = jax.random.normal(ks[6], (2 * DF, DF), dtype=jnp.float32) / np.sqrt(2 * DF)
    nb2 = jnp.zeros((DF,), dtype=jnp.float32)
    eps = jnp.zeros((1,), dtype=jnp.float32)
    return {
        "node_feat": node_feat, "edge_feat": edge_feat, "edge_index": edge_index,
        "eW1": eW1, "eb1": eb1, "eg1": eg1, "ebt1": ebt1, "eW2": eW2, "eb2": eb2,
        "nW1": nW1, "nb1": nb1, "ng1": ng1, "nbt1": nbt1, "nW2": nW2, "nb2": nb2,
        "eps": eps,
    }


def reference(node_feat, edge_feat, edge_index, eW1, eb1, eg1, ebt1, eW2, eb2,
              nW1, nb1, ng1, nbt1, nW2, nb2, eps):
    # edge MLP: projects edge features to node feature dim
    e = edge_feat @ eW1 + eb1
    e = _bn(e, eg1, ebt1)
    e = jax.nn.relu(e)
    e = e @ eW2 + eb2
    src = edge_index[0]
    dst = edge_index[1]
    # message: relu(h_src + e), then sum-aggregate onto dst nodes
    msg = jax.nn.relu(node_feat[src] + e)
    out_h = jax.ops.segment_sum(msg, dst, num_segments=N)
    h = (1.0 + eps) * node_feat + out_h
    # node MLP
    h = h @ nW1 + nb1
    h = _bn(h, ng1, nbt1)
    h = jax.nn.relu(h)
    h = h @ nW2 + nb2
    return h

if __name__ == "__main__":
    import jax
    _d = setup_inputs()
    print(jax.jit(kernel)(*tuple(_d.values())))

</pallas_src>

<mosaic_0001>
#map = affine_map<(d0, d1) -> (0)>
#map1 = affine_map<(d0, d1) -> (0, 0)>
#map2 = affine_map<(d0, d1) -> (0, 0, 0)>
module attributes {stable_mosaic.version = 14 : i64} {
  func.func @_sc_body(%arg0: i32, %arg1: i32, %arg2: memref<217600xi32, #tpu.memory_space<hbm>>, %arg3: memref<217600xi32, #tpu.memory_space<hbm>>, %arg4: memref<217600x128xf32, #tpu.memory_space<hbm>>, %arg5: memref<2x10240x128xf32, #tpu.memory_space<hbm>>, %arg6: memref<10000x128xf32, #tpu.memory_space<hbm>>, %arg7: memref<2x10240x128xf32, #tpu.memory_space<hbm>>, %arg8: memref<6800xi32, #tpu.memory_space<vmem>>, %arg9: memref<6800xi32, #tpu.memory_space<vmem>>, %arg10: memref<40x128xf32, #tpu.memory_space<vmem>>, %arg11: memref<40x128xf32, #tpu.memory_space<vmem>>, %arg12: memref<40x128xf32, #tpu.memory_space<vmem>>, %arg13: memref<40x128xf32, #tpu.memory_space<vmem>>, %arg14: memref<40x128xf32, #tpu.memory_space<vmem>>, %arg15: memref<40x128xf32, #tpu.memory_space<vmem>>, %arg16: memref<10240x128xf32, #tpu.memory_space<vmem_shared>>, %arg17: memref<!tpu.dma_semaphore, #tpu.memory_space<semaphore_mem>>, %arg18: memref<!tpu.dma_semaphore, #tpu.memory_space<semaphore_mem>>, %arg19: memref<!tpu.dma_semaphore, #tpu.memory_space<semaphore_mem>>, %arg20: memref<!tpu.dma_semaphore, #tpu.memory_space<semaphore_mem>>, %arg21: memref<!tpu.dma_semaphore, #tpu.memory_space<semaphore_mem>>, %arg22: memref<!tpu.dma_semaphore, #tpu.memory_space<semaphore_mem>>) attributes {dimension_semantics = [#tpu.dimension_semantics<core_parallel>, #tpu.dimension_semantics<subcore_parallel>], iteration_bounds = array<i64: 2, 16>, scalar_prefetch = 0 : i64, scratch_operands = 15 : i64, tpu.core_type = #tpu.core_type<sc_vector_subcore>, window_params = [{transform_indices = #map}, {transform_indices = #map}, {transform_indices = #map1}, {transform_indices = #map2}, {transform_indices = #map1}, {transform_indices = #map2}]} {
    %mul3A = arith.constant 2 : i32
    %mul3A_0 = arith.muli %arg1, %mul3A : i32
    %add3A = arith.addi %mul3A_0, %arg0 : i32
    %mul3A_1 = arith.constant 640 : i32
    %mul3A_2 = arith.muli %arg1, %mul3A_1 : i32
    %mul3A_3 = arith.constant 640 : i32
    %mul3A_4 = arith.muli %arg1, %mul3A_3 : i32
    "tpu.region"() ({
      %run_scoped3A = tpu.sem_alloc : memref<!tpu.dma_semaphore, #tpu.memory_space<semaphore_mem>>
      %dma_start3A_53 = arith.constant 0 : i32
      %dma_start3A_54 = tpu.memref_slice %arg16[%mul3A_4, %dma_start3A_53] : memref<10240x128xf32, #tpu.memory_space<vmem_shared>> -> memref<640x128xf32, #tpu.memory_space<vmem_shared>>
      %dma_start3A_55 = arith.constant 0 : i32
      %dma_start3A_56 = tpu.memref_slice %arg5[%arg0, %mul3A_2, %dma_start3A_55] : memref<2x10240x128xf32, #tpu.memory_space<hbm>> -> memref<1x640x128xf32, #tpu.memory_space<hbm>>
      %dma_start3A_57 = tpu.memref_squeeze %dma_start3A_56 : memref<1x640x128xf32, #tpu.memory_space<hbm>> -> memref<640x128xf32, #tpu.memory_space<hbm>>
      tpu.enqueue_dma source(%dma_start3A_57 : memref<640x128xf32, #tpu.memory_space<hbm>>) target(%dma_start3A_54 : memref<640x128xf32, #tpu.memory_space<vmem_shared>>) target_semaphore(%run_scoped3A : memref<!tpu.dma_semaphore, #tpu.memory_space<semaphore_mem>>)
      %dma_wait3A_58 = arith.constant 0 : i32
      %dma_wait3A_59 = tpu.memref_slice %arg16[%mul3A_4, %dma_wait3A_58] : memref<10240x128xf32, #tpu.memory_space<vmem_shared>> -> memref<640x128xf32, #tpu.memory_space<vmem_shared>>
      %dma_wait3A_60 = arith.constant 0 : i32
      %dma_wait3A_61 = tpu.memref_slice %arg5[%arg0, %mul3A_2, %dma_wait3A_60] : memref<2x10240x128xf32, #tpu.memory_space<hbm>> -> memref<1x640x128xf32, #tpu.memory_space<hbm>>
      %dma_wait3A_62 = tpu.memref_squeeze %dma_wait3A_61 : memref<1x640x128xf32, #tpu.memory_space<hbm>> -> memref<640x128xf32, #tpu.memory_space<hbm>>
      tpu.wait_dma2 semaphore(%run_scoped3A : memref<!tpu.dma_semaphore, #tpu.memory_space<semaphore_mem>>) src(%dma_wait3A_62 : memref<640x128xf32, #tpu.memory_space<hbm>>) dst(%dma_wait3A_59 : memref<640x128xf32, #tpu.memory_space<vmem_shared>>)
      tpu.yield
    }) : () -> ()
    %mul3A_5 = arith.constant 6800 : i32
    %mul3A_6 = arith.muli %add3A, %mul3A_5 : i32
    "tpu.region"() ({
      %run_scoped3A = tpu.sem_alloc : memref<!tpu.dma_semaphore, #tpu.memory_space<semaphore_mem>>
      %dma_start3A_53 = tpu.memref_slice %arg2[%mul3A_6] : memref<217600xi32, #tpu.memory_space<hbm>> -> memref<6800xi32, #tpu.memory_space<hbm>>
      %dma_start3A_54 = tpu.memref_slice %arg2[%mul3A_6] : memref<217600xi32, #tpu.memory_space<hbm>> -> memref<6800xi32, #tpu.memory_space<hbm>>
      tpu.enqueue_dma source(%dma_start3A_54 : memref<6800xi32, #tpu.memory_space<hbm>>) target(%arg8 : memref<6800xi32, #tpu.memory_space<vmem>>) target_semaphore(%run_scoped3A : memref<!tpu.dma_semaphore, #tpu.memory_space<semaphore_mem>>)
      %dma_wait3A_55 = tpu.memref_slice %arg2[%mul3A_6] : memref<217600xi32, #tpu.memory_space<hbm>> -> memref<6800xi32, #tpu.memory_space<hbm>>
      %dma_wait3A_56 = tpu.memref_slice %arg2[%mul3A_6] : memref<217600xi32, #tpu.memory_space<hbm>> -> memref<6800xi32, #tpu.memory_space<hbm>>
      tpu.wait_dma2 semaphore(%run_scoped3A : memref<!tpu.dma_semaphore, #tpu.memory_space<semaphore_mem>>) src(%dma_wait3A_56 : memref<6800xi32, #tpu.memory_space<hbm>>) dst(%arg8 : memref<6800xi32, #tpu.memory_space<vmem>>)
      tpu.yield
    }) : () -> ()
    %mul3A_7 = arith.constant 6800 : i32
    %mul3A_8 = arith.muli %add3A, %mul3A_7 : i32
    "tpu.region"() ({
      %run_scoped3A = tpu.sem_alloc : memref<!tpu.dma_semaphore, #tpu.memory_space<semaphore_mem>>
      %dma_start3A_53 = tpu.memref_slice %arg3[%mul3A_8] : memref<217600xi32, #tpu.memory_space<hbm>> -> memref<6800xi32, #tpu.memory_space<hbm>>
      %dma_start3A_54 = tpu.memref_slice %arg3[%mul3A_8] : memref<217600xi32, #tpu.memory_space<hbm>> -> memref<6800xi32, #tpu.memory_space<hbm>>
      tpu.enqueue_dma source(%dma_start3A_54 : memref<6800xi32, #tpu.memory_space<hbm>>) target(%arg9 : memref<6800xi32, #tpu.memory_space<vmem>>) target_semaphore(%run_scoped3A : memref<!tpu.dma_semaphore, #tpu.memory_space<semaphore_mem>>)
      %dma_wait3A_55 = tpu.memref_slice %arg3[%mul3A_8] : memref<217600xi32, #tpu.memory_space<hbm>> -> memref<6800xi32, #tpu.memory_space<hbm>>
      %dma_wait3A_56 = tpu.memref_slice %arg3[%mul3A_8] : memref<217600xi32, #tpu.memory_space<hbm>> -> memref<6800xi32, #tpu.memory_space<hbm>>
      tpu.wait_dma2 semaphore(%run_scoped3A : memref<!tpu.dma_semaphore, #tpu.memory_space<semaphore_mem>>) src(%dma_wait3A_56 : memref<6800xi32, #tpu.memory_space<hbm>>) dst(%arg9 : memref<6800xi32, #tpu.memory_space<vmem>>)
      tpu.yield
    }) : () -> ()
    %barrier3A = arith.constant 0 : index
    tpu.barrier barrier_id(%barrier3A)
    %dma_start3A = arith.constant 0 : i32
    %dma_start3A_9 = tpu.memref_slice %arg8[%dma_start3A] : memref<6800xi32, #tpu.memory_space<vmem>> -> memref<40xi32, #tpu.memory_space<vmem>>
    %dma_start3A_10 = arith.constant 0 : i32
    %dma_start3A_11 = arith.constant 0 : i32
    %dma_start3A_12 = tpu.memref_slice %arg6[%dma_start3A_10, %dma_start3A_11] : memref<10000x128xf32, #tpu.memory_space<hbm>> -> memref<10000x128xf32, #tpu.memory_space<hbm>>
    tpu.enqueue_indirect_dma source(%dma_start3A_12 : memref<10000x128xf32, #tpu.memory_space<hbm>>) target(%arg10 : memref<40x128xf32, #tpu.memory_space<vmem>>) offsets(%dma_start3A_9 : memref<40xi32, #tpu.memory_space<vmem>>) semaphore(%arg17 : memref<!tpu.dma_semaphore, #tpu.memory_space<semaphore_mem>>)
    %mul3A_13 = arith.constant 6800 : i32
    %mul3A_14 = arith.muli %add3A, %mul3A_13 : i32
    %add3A_15 = arith.constant 0 : i32
    %add3A_16 = arith.addi %mul3A_14, %add3A_15 : i32
    %dma_start3A_17 = arith.constant 0 : i32
    %dma_start3A_18 = tpu.memref_slice %arg4[%add3A_16, %dma_start3A_17] : memref<217600x128xf32, #tpu.memory_space<hbm>> -> memref<40x128xf32, #tpu.memory_space<hbm>>
    %dma_start3A_19 = arith.constant 0 : i32
    %dma_start3A_20 = tpu.memref_slice %arg4[%add3A_16, %dma_start3A_19] : memref<217600x128xf32, #tpu.memory_space<hbm>> -> memref<40x128xf32, #tpu.memory_space<hbm>>
    tpu.enqueue_dma source(%dma_start3A_20 : memref<40x128xf32, #tpu.memory_space<hbm>>) target(%arg12 : memref<40x128xf32, #tpu.memory_space<vmem>>) target_semaphore(%arg19 : memref<!tpu.dma_semaphore, #tpu.memory_space<semaphore_mem>>)
    %dma_start3A_21 = arith.constant 40 : i32
    %dma_start3A_22 = tpu.memref_slice %arg8[%dma_start3A_21] : memref<6800xi32, #tpu.memory_space<vmem>> -> memref<40xi32, #tpu.memory_space<vmem>>
    %dma_start3A_23 = arith.constant 0 : i32
    %dma_start3A_24 = arith.constant 0 : i32
    %dma_start3A_25 = tpu.memref_slice %arg6[%dma_start3A_23, %dma_start3A_24] : memref<10000x128xf32, #tpu.memory_space<hbm>> -> memref<10000x128xf32, #tpu.memory_space<hbm>>
    tpu.enqueue_indirect_dma source(%dma_start3A_25 : memref<10000x128xf32, #tpu.memory_space<hbm>>) target(%arg11 : memref<40x128xf32, #tpu.memory_space<vmem>>) offsets(%dma_start3A_22 : memref<40xi32, #tpu.memory_space<vmem>>) semaphore(%arg18 : memref<!tpu.dma_semaphore, #tpu.memory_space<semaphore_mem>>)
    %mul3A_26 = arith.constant 6800 : i32
    %mul3A_27 = arith.muli %add3A, %mul3A_26 : i32
    %add3A_28 = arith.constant 40 : i32
    %add3A_29 = arith.addi %mul3A_27, %add3A_28 : i32
    %dma_start3A_30 = arith.constant 0 : i32
    %dma_start3A_31 = tpu.memref_slice %arg4[%add3A_29, %dma_start3A_30] : memref<217600x128xf32, #tpu.memory_space<hbm>> -> memref<40x128xf32, #tpu.memory_space<hbm>>
    %dma_start3A_32 = arith.constant 0 : i32
    %dma_start3A_33 = tpu.memref_slice %arg4[%add3A_29, %dma_start3A_32] : memref<217600x128xf32, #tpu.memory_space<hbm>> -> memref<40x128xf32, #tpu.memory_space<hbm>>
    tpu.enqueue_dma source(%dma_start3A_33 : memref<40x128xf32, #tpu.memory_space<hbm>>) target(%arg13 : memref<40x128xf32, #tpu.memory_space<vmem>>) target_semaphore(%arg20 : memref<!tpu.dma_semaphore, #tpu.memory_space<semaphore_mem>>)
    %scan3A = arith.constant 0 : i32
    %scan3A_34 = arith.constant 0 : i32
    %scan3A_35 = arith.constant 85 : i32
    %scan3A_36 = arith.addi %scan3A_34, %scan3A_35 : i32
    %scan3A_37 = arith.constant 1 : i32
    scf.for %scan3A_53 = %scan3A_34 to %scan3A_36 step %scan3A_37  : i32 {
      %mul3A_54 = arith.constant 2 : i32
      %mul3A_55 = arith.muli %scan3A_53, %mul3A_54 : i32
      %add3A_56 = arith.constant 0 : i32
      %add3A_57 = arith.addi %mul3A_55, %add3A_56 : i32
      %mul3A_58 = arith.constant 40 : i32
      %mul3A_59 = arith.muli %add3A_57, %mul3A_58 : i32
      %dma_wait3A_60 = tpu.memref_slice %arg8[%mul3A_59] : memref<6800xi32, #tpu.memory_space<vmem>> -> memref<40xi32, #tpu.memory_space<vmem>>
      %dma_wait3A_61 = arith.constant 0 : i32
      %dma_wait3A_62 = arith.constant 0 : i32
      %dma_wait3A_63 = tpu.memref_slice %arg6[%dma_wait3A_61, %dma_wait3A_62] : memref<10000x128xf32, #tpu.memory_space<hbm>> -> memref<10000x128xf32, #tpu.memory_space<hbm>>
      tpu.wait_indirect_dma semaphore(%arg17 : memref<!tpu.dma_semaphore, #tpu.memory_space<semaphore_mem>>) src(%dma_wait3A_63 : memref<10000x128xf32, #tpu.memory_space<hbm>>) dst(%arg10 : memref<40x128xf32, #tpu.memory_space<vmem>>)
      %mul3A_64 = arith.constant 6800 : i32
      %mul3A_65 = arith.muli %add3A, %mul3A_64 : i32
      %mul3A_66 = arith.constant 40 : i32
      %mul3A_67 = arith.muli %add3A_57, %mul3A_66 : i32
      %add3A_68 = arith.addi %mul3A_65, %mul3A_67 : i32
      %dma_wait3A_69 = arith.constant 0 : i32
      %dma_wait3A_70 = tpu.memref_slice %arg4[%add3A_68, %dma_wait3A_69] : memref<217600x128xf32, #tpu.memory_space<hbm>> -> memref<40x128xf32, #tpu.memory_space<hbm>>
      %dma_wait3A_71 = arith.constant 0 : i32
      %dma_wait3A_72 = tpu.memref_slice %arg4[%add3A_68, %dma_wait3A_71] : memref<217600x128xf32, #tpu.memory_space<hbm>> -> memref<40x128xf32, #tpu.memory_space<hbm>>
      tpu.wait_dma2 semaphore(%arg19 : memref<!tpu.dma_semaphore, #tpu.memory_space<semaphore_mem>>) src(%dma_wait3A_72 : memref<40x128xf32, #tpu.memory_space<hbm>>) dst(%arg12 : memref<40x128xf32, #tpu.memory_space<vmem>>)
      %gt3A = arith.constant 0 : i32
      %gt3A_73 = arith.cmpi sgt, %scan3A_53, %gt3A : i32
      %convert_element_type3A = arith.extui %gt3A_73 : i1 to i32
      %cond3A = arith.constant 0 : i32
      %cond3A_74 = arith.cmpi ne, %convert_element_type3A, %cond3A : i32
      scf.if %cond3A_74 {
        %mul3A_129 = arith.constant 40 : i32
        %mul3A_130 = arith.muli %add3A_57, %mul3A_129 : i32
        %dma_wait3A_131 = tpu.memref_slice %arg9[%mul3A_130] : memref<6800xi32, #tpu.memory_space<vmem>> -> memref<40xi32, #tpu.memory_space<vmem>>
        %dma_wait3A_132 = arith.constant 0 : i32
        %dma_wait3A_133 = arith.constant 0 : i32
        %dma_wait3A_134 = tpu.memref_slice %arg16[%dma_wait3A_132, %dma_wait3A_133] : memref<10240x128xf32, #tpu.memory_space<vmem_shared>> -> memref<10240x128xf32, #tpu.memory_space<vmem_shared>>
        tpu.wait_indirect_dma semaphore(%arg21 : memref<!tpu.dma_semaphore, #tpu.memory_space<semaphore_mem>>) src(%arg14 : memref<40x128xf32, #tpu.memory_space<vmem>>) dst(%dma_wait3A_134 : memref<10240x128xf32, #tpu.memory_space<vmem_shared>>)
      } else {
      }
      %parallel_loop3A = arith.constant 0 : i32
      %parallel_loop3A_75 = arith.constant 40 : i32
      %parallel_loop3A_76 = arith.constant 1 : i32
      scf.for %parallel_loop3A_129 = %parallel_loop3A to %parallel_loop3A_75 step %parallel_loop3A_76  : i32 {
        %parallel_loop3A_130 = arith.index_cast %parallel_loop3A_129 : i32 to index
        %parallel_loop3A_131 = arith.constant 0 : index
        %parallel_loop3A_132 = tpu.vector_load %arg10[%parallel_loop3A_130, %parallel_loop3A_131] {strides = array<i32>} : memref<40x128xf32, #tpu.memory_space<vmem>>, vector<1x16xf32>,
        %parallel_loop3A_133 = vector.shape_cast %parallel_loop3A_132 : vector<1x16xf32> to vector<16xf32>
        %parallel_loop3A_134 = arith.index_cast %parallel_loop3A_129 : i32 to index
        %parallel_loop3A_135 = arith.constant 0 : index
        %parallel_loop3A_136 = tpu.vector_load %arg12[%parallel_loop3A_134, %parallel_loop3A_135] {strides = array<i32>} : memref<40x128xf32, #tpu.memory_space<vmem>>, vector<1x16xf32>,
        %parallel_loop3A_137 = vector.shape_cast %parallel_loop3A_136 : vector<1x16xf32> to vector<16xf32>
        %parallel_loop3A_138 = arith.addf %parallel_loop3A_133, %parallel_loop3A_137 : vector<16xf32>
        %parallel_loop3A_139 = arith.constant 0.000000e+00 : f32
        %parallel_loop3A_140 = vector.broadcast %parallel_loop3A_139 : f32 to vector<16xf32>
        %parallel_loop3A_141 = arith.maximumf %parallel_loop3A_138, %parallel_loop3A_140 : vector<16xf32>
        %parallel_loop3A_142 = arith.index_cast %parallel_loop3A_129 : i32 to index
        %parallel_loop3A_143 = arith.constant 0 : index
        %parallel_loop3A_144 = tpu.vector_load %arg14[%parallel_loop3A_142, %parallel_loop3A_143] {strides = array<i32>} : memref<40x128xf32, #tpu.memory_space<vmem>>, vector<1x16xf32>,
        %parallel_loop3A_145 = vector.shape_cast %parallel_loop3A_144 : vector<1x16xf32> to vector<16xf32>
        %parallel_loop3A_146 = vector.shape_cast %parallel_loop3A_141 : vector<16xf32> to vector<1x16xf32>
        tpu.vector_store %arg14[%parallel_loop3A_142, %parallel_loop3A_143], %parallel_loop3A_146 {strides = array<i32>} : memref<40x128xf32, #tpu.memory_space<vmem>>, vector<1x16xf32>,
        %parallel_loop3A_147 = arith.index_cast %parallel_loop3A_129 : i32 to index
        %parallel_loop3A_148 = arith.constant 16 : index
        %parallel_loop3A_149 = tpu.vector_load %arg10[%parallel_loop3A_147, %parallel_loop3A_148] {strides = array<i32>} : memref<40x128xf32, #tpu.memory_space<vmem>>, vector<1x16xf32>,
        %parallel_loop3A_150 = vector.shape_cast %parallel_loop3A_149 : vector<1x16xf32> to vector<16xf32>
        %parallel_loop3A_151 = arith.index_cast %parallel_loop3A_129 : i32 to index
        %parallel_loop3A_152 = arith.constant 16 : index
        %parallel_loop3A_153 = tpu.vector_load %arg12[%parallel_loop3A_151, %parallel_loop3A_152] {strides = array<i32>} : memref<40x128xf32, #tpu.memory_space<vmem>>, vector<1x16xf32>,
        %parallel_loop3A_154 = vector.shape_cast %parallel_loop3A_153 : vector<1x16xf32> to vector<16xf32>
        %parallel_loop3A_155 = arith.addf %parallel_loop3A_150, %parallel_loop3A_154 : vector<16xf32>
        %parallel_loop3A_156 = arith.constant 0.000000e+00 : f32
        %parallel_loop3A_157 = vector.broadcast %parallel_loop3A_156 : f32 to vector<16xf32>
        %parallel_loop3A_158 = arith.maximumf %parallel_loop3A_155, %parallel_loop3A_157 : vector<16xf32>
        %parallel_loop3A_159 = arith.index_cast %parallel_loop3A_129 : i32 to index
        %parallel_loop3A_160 = arith.constant 16 : index
        %parallel_loop3A_161 = tpu.vector_load %arg14[%parallel_loop3A_159, %parallel_loop3A_160] {strides = array<i32>} : memref<40x128xf32, #tpu.memory_space<vmem>>, vector<1x16xf32>,
        %parallel_loop3A_162 = vector.shape_cast %parallel_loop3A_161 : vector<1x16xf32> to vector<16xf32>
        %parallel_loop3A_163 = vector.shape_cast %parallel_loop3A_158 : vector<16xf32> to vector<1x16xf32>
        tpu.vector_store %arg14[%parallel_loop3A_159, %parallel_loop3A_160], %parallel_loop3A_163 {strides = array<i32>} : memref<40x128xf32, #tpu.memory_space<vmem>>, vector<1x16xf32>,
        %parallel_loop3A_164 = arith.index_cast %parallel_loop3A_129 : i32 to index
        %parallel_loop3A_165 = arith.constant 32 : index
        %parallel_loop3A_166 = tpu.vector_load %arg10[%parallel_loop3A_164, %parallel_loop3A_165] {strides = array<i32>} : memref<40x128xf32, #tpu.memory_space<vmem>>, vector<1x16xf32>,
        %parallel_loop3A_167 = vector.shape_cast %parallel_loop3A_166 : vector<1x16xf32> to vector<16xf32>
        %parallel_loop3A_168 = arith.index_cast %parallel_loop3A_129 : i32 to index
        %parallel_loop3A_169 = arith.constant 32 : index
        %parallel_loop3A_170 = tpu.vector_load %arg12[%parallel_loop3A_168, %parallel_loop3A_169] {strides = array<i32>} : memref<40x128xf32, #tpu.memory_space<vmem>>, vector<1x16xf32>,
        %parallel_loop3A_171 = vector.shape_cast %parallel_loop3A_170 : vector<1x16xf32> to vector<16xf32>
        %parallel_loop3A_172 = arith.addf %parallel_loop3A_167, %parallel_loop3A_171 : vector<16xf32>
        %parallel_loop3A_173 = arith.constant 0.000000e+00 : f32
        %parallel_loop3A_174 = vector.broadcast %parallel_loop3A_173 : f32 to vector<16xf32>
        %parallel_loop3A_175 = arith.maximumf %parallel_loop3A_172, %parallel_loop3A_174 : vector<16xf32>
        %parallel_loop3A_176 = arith.index_cast %parallel_loop3A_129 : i32 to index
        %parallel_loop3A_177 = arith.constant 32 : index
        %parallel_loop3A_178 = tpu.vector_load %arg14[%parallel_loop3A_176, %parallel_loop3A_177] {strides = array<i32>} : memref<40x128xf32, #tpu.memory_space<vmem>>, vector<1x16xf32>,
        %parallel_loop3A_179 = vector.shape_cast %parallel_loop3A_178 : vector<1x16xf32> to vector<16xf32>
        %parallel_loop3A_180 = vector.shape_cast %parallel_loop3A_175 : vector<16xf32> to vector<1x16xf32>
        tpu.vector_store %arg14[%parallel_loop3A_176, %parallel_loop3A_177], %parallel_loop3A_180 {strides = array<i32>} : memref<40x128xf32, #tpu.memory_space<vmem>>, vector<1x16xf32>,
        %parallel_loop3A_181 = arith.index_cast %parallel_loop3A_129 : i32 to index
        %parallel_loop3A_182 = arith.constant 48 : index
        %parallel_loop3A_183 = tpu.vector_load %arg10[%parallel_loop3A_181, %parallel_loop3A_182] {strides = array<i32>} : memref<40x128xf32, #tpu.memory_space<vmem>>, vector<1x16xf32>,
        %parallel_loop3A_184 = vector.shape_cast %parallel_loop3A_183 : vector<1x16xf32> to vector<16xf32>
        %parallel_loop3A_185 = arith.index_cast %parallel_loop3A_129 : i32 to index
        %parallel_loop3A_186 = arith.constant 48 : index
        %parallel_loop3A_187 = tpu.vector_load %arg12[%parallel_loop3A_185, %parallel_loop3A_186] {strides = array<i32>} : memref<40x128xf32, #tpu.memory_space<vmem>>, vector<1x16xf32>,
        %parallel_loop3A_188 = vector.shape_cast %parallel_loop3A_187 : vector<1x16xf32> to vector<16xf32>
        %parallel_loop3A_189 = arith.addf %parallel_loop3A_184, %parallel_loop3A_188 : vector<16xf32>
        %parallel_loop3A_190 = arith.constant 0.000000e+00 : f32
        %parallel_loop3A_191 = vector.broadcast %parallel_loop3A_190 : f32 to vector<16xf32>
        %parallel_loop3A_192 = arith.maximumf %parallel_loop3A_189, %parallel_loop3A_191 : vector<16xf32>
        %parallel_loop3A_193 = arith.index_cast %parallel_loop3A_129 : i32 to index
        %parallel_loop3A_194 = arith.constant 48 : index
        %parallel_loop3A_195 = tpu.vector_load %arg14[%parallel_loop3A_193, %parallel_loop3A_194] {strides = array<i32>} : memref<40x128xf32, #tpu.memory_space<vmem>>, vector<1x16xf32>,
        %parallel_loop3A_196 = vector.shape_cast %parallel_loop3A_195 : vector<1x16xf32> to vector<16xf32>
        %parallel_loop3A_197 = vector.shape_cast %parallel_loop3A_192 : vector<16xf32> to vector<1x16xf32>
        tpu.vector_store %arg14[%parallel_loop3A_193, %parallel_loop3A_194], %parallel_loop3A_197 {strides = array<i32>} : memref<40x128xf32, #tpu.memory_space<vmem>>, vector<1x16xf32>,
        %parallel_loop3A_198 = arith.index_cast %parallel_loop3A_129 : i32 to index
        %parallel_loop3A_199 = arith.constant 64 : index
        %parallel_loop3A_200 = tpu.vector_load %arg10[%parallel_loop3A_198, %parallel_loop3A_199] {strides = array<i32>} : memref<40x128xf32, #tpu.memory_space<vmem>>, vector<1x16xf32>,
        %parallel_loop3A_201 = vector.shape_cast %parallel_loop3A_200 : vector<1x16xf32> to vector<16xf32>
        %parallel_loop3A_202 = arith.index_cast %parallel_loop3A_129 : i32 to index
        %parallel_loop3A_203 = arith.constant 64 : index
        %parallel_loop3A_204 = tpu.vector_load %arg12[%parallel_loop3A_202, %parallel_loop3A_203] {strides = array<i32>} : memref<40x128xf32, #tpu.memory_space<vmem>>, vector<1x16xf32>,
        %parallel_loop3A_205 = vector.shape_cast %parallel_loop3A_204 : vector<1x16xf32> to vector<16xf32>
        %parallel_loop3A_206 = arith.addf %parallel_loop3A_201, %parallel_loop3A_205 : vector<16xf32>
        %parallel_loop3A_207 = arith.constant 0.000000e+00 : f32
        %parallel_loop3A_208 = vector.broadcast %parallel_loop3A_207 : f32 to vector<16xf32>
        %parallel_loop3A_209 = arith.maximumf %parallel_loop3A_206, %parallel_loop3A_208 : vector<16xf32>
        %parallel_loop3A_210 = arith.index_cast %parallel_loop3A_129 : i32 to index
        %parallel_loop3A_211 = arith.constant 64 : index
        %parallel_loop3A_212 = tpu.vector_load %arg14[%parallel_loop3A_210, %parallel_loop3A_211] {strides = array<i32>} : memref<40x128xf32, #tpu.memory_space<vmem>>, vector<1x16xf32>,
        %parallel_loop3A_213 = vector.shape_cast %parallel_loop3A_212 : vector<1x16xf32> to vector<16xf32>
        %parallel_loop3A_214 = vector.shape_cast %parallel_loop3A_209 : vector<16xf32> to vector<1x16xf32>
        tpu.vector_store %arg14[%parallel_loop3A_210, %parallel_loop3A_211], %parallel_loop3A_214 {strides = array<i32>} : memref<40x128xf32, #tpu.memory_space<vmem>>, vector<1x16xf32>,
        %parallel_loop3A_215 = arith.index_cast %parallel_loop3A_129 : i32 to index
        %parallel_loop3A_216 = arith.constant 80 : index
        %parallel_loop3A_217 = tpu.vector_load %arg10[%parallel_loop3A_215, %parallel_loop3A_216] {strides = array<i32>} : memref<40x128xf32, #tpu.memory_space<vmem>>, vector<1x16xf32>,
        %parallel_loop3A_218 = vector.shape_cast %parallel_loop3A_217 : vector<1x16xf32> to vector<16xf32>
        %parallel_loop3A_219 = arith.index_cast %parallel_loop3A_129 : i32 to index
        %parallel_loop3A_220 = arith.constant 80 : index
        %parallel_loop3A_221 = tpu.vector_load %arg12[%parallel_loop3A_219, %parallel_loop3A_220] {strides = array<i32>} : memref<40x128xf32, #tpu.memory_space<vmem>>, vector<1x16xf32>,
        %parallel_loop3A_222 = vector.shape_cast %parallel_loop3A_221 : vector<1x16xf32> to vector<16xf32>
        %parallel_loop3A_223 = arith.addf %parallel_loop3A_218, %parallel_loop3A_222 : vector<16xf32>
        %parallel_loop3A_224 = arith.constant 0.000000e+00 : f32
        %parallel_loop3A_225 = vector.broadcast %parallel_loop3A_224 : f32 to vector<16xf32>
        %parallel_loop3A_226 = arith.maximumf %parallel_loop3A_223, %parallel_loop3A_225 : vector<16xf32>
        %parallel_loop3A_227 = arith.index_cast %parallel_loop3A_129 : i32 to index
        %parallel_loop3A_228 = arith.constant 80 : index
        %parallel_loop3A_229 = tpu.vector_load %arg14[%parallel_loop3A_227, %parallel_loop3A_228] {strides = array<i32>} : memref<40x128xf32, #tpu.memory_space<vmem>>, vector<1x16xf32>,
        %parallel_loop3A_230 = vector.shape_cast %parallel_loop3A_229 : vector<1x16xf32> to vector<16xf32>
        %parallel_loop3A_231 = vector.shape_cast %parallel_loop3A_226 : vector<16xf32> to vector<1x16xf32>
        tpu.vector_store %arg14[%parallel_loop3A_227, %parallel_loop3A_228], %parallel_loop3A_231 {strides = array<i32>} : memref<40x128xf32, #tpu.memory_space<vmem>>, vector<1x16xf32>,
        %parallel_loop3A_232 = arith.index_cast %parallel_loop3A_129 : i32 to index
        %parallel_loop3A_233 = arith.constant 96 : index
        %parallel_loop3A_234 = tpu.vector_load %arg10[%parallel_loop3A_232, %parallel_loop3A_233] {strides = array<i32>} : memref<40x128xf32, #tpu.memory_space<vmem>>, vector<1x16xf32>,
        %parallel_loop3A_235 = vector.shape_cast %parallel_loop3A_234 : vector<1x16xf32> to vector<16xf32>
        %parallel_loop3A_236 = arith.index_cast %parallel_loop3A_129 : i32 to index
        %parallel_loop3A_237 = arith.constant 96 : index
        %parallel_loop3A_238 = tpu.vector_load %arg12[%parallel_loop3A_236, %parallel_loop3A_237] {strides = array<i32>} : memref<40x128xf32, #tpu.memory_space<vmem>>, vector<1x16xf32>,
        %parallel_loop3A_239 = vector.shape_cast %parallel_loop3A_238 : vector<1x16xf32> to vector<16xf32>
        %parallel_loop3A_240 = arith.addf %parallel_loop3A_235, %parallel_loop3A_239 : vector<16xf32>
        %parallel_loop3A_241 = arith.constant 0.000000e+00 : f32
        %parallel_loop3A_242 = vector.broadcast %parallel_loop3A_241 : f32 to vector<16xf32>
        %parallel_loop3A_243 = arith.maximumf %parallel_loop3A_240, %parallel_loop3A_242 : vector<16xf32>
        %parallel_loop3A_244 = arith.index_cast %parallel_loop3A_129 : i32 to index
        %parallel_loop3A_245 = arith.constant 96 : index
        %parallel_loop3A_246 = tpu.vector_load %arg14[%parallel_loop3A_244, %parallel_loop3A_245] {strides = array<i32>} : memref<40x128xf32, #tpu.memory_space<vmem>>, vector<1x16xf32>,
        %parallel_loop3A_247 = vector.shape_cast %parallel_loop3A_246 : vector<1x16xf32> to vector<16xf32>
        %parallel_loop3A_248 = vector.shape_cast %parallel_loop3A_243 : vector<16xf32> to vector<1x16xf32>
        tpu.vector_store %arg14[%parallel_loop3A_244, %parallel_loop3A_245], %parallel_loop3A_248 {strides = array<i32>} : memref<40x128xf32, #tpu.memory_space<vmem>>, vector<1x16xf32>,
        %parallel_loop3A_249 = arith.index_cast %parallel_loop3A_129 : i32 to index
        %parallel_loop3A_250 = arith.constant 112 : index
        %parallel_loop3A_251 = tpu.vector_load %arg10[%parallel_loop3A_249, %parallel_loop3A_250] {strides = array<i32>} : memref<40x128xf32, #tpu.memory_space<vmem>>, vector<1x16xf32>,
        %parallel_loop3A_252 = vector.shape_cast %parallel_loop3A_251 : vector<1x16xf32> to vector<16xf32>
        %parallel_loop3A_253 = arith.index_cast %parallel_loop3A_129 : i32 to index
        %parallel_loop3A_254 = arith.constant 112 : index
        %parallel_loop3A_255 = tpu.vector_load %arg12[%parallel_loop3A_253, %parallel_loop3A_254] {strides = array<i32>} : memref<40x128xf32, #tpu.memory_space<vmem>>, vector<1x16xf32>,
        %parallel_loop3A_256 = vector.shape_cast %parallel_loop3A_255 : vector<1x16xf32> to vector<16xf32>
        %parallel_loop3A_257 = arith.addf %parallel_loop3A_252, %parallel_loop3A_256 : vector<16xf32>
        %parallel_loop3A_258 = arith.constant 0.000000e+00 : f32
        %parallel_loop3A_259 = vector.broadcast %parallel_loop3A_258 : f32 to vector<16xf32>
        %parallel_loop3A_260 = arith.maximumf %parallel_loop3A_257, %parallel_loop3A_259 : vector<16xf32>
        %parallel_loop3A_261 = arith.index_cast %parallel_loop3A_129 : i32 to index
        %parallel_loop3A_262 = arith.constant 112 : index
        %parallel_loop3A_263 = tpu.vector_load %arg14[%parallel_loop3A_261, %parallel_loop3A_262] {strides = array<i32>} : memref<40x128xf32, #tpu.memory_space<vmem>>, vector<1x16xf32>,
        %parallel_loop3A_264 = vector.shape_cast %parallel_loop3A_263 : vector<1x16xf32> to vector<16xf32>
        %parallel_loop3A_265 = vector.shape_cast %parallel_loop3A_260 : vector<16xf32> to vector<1x16xf32>
        tpu.vector_store %arg14[%parallel_loop3A_261, %parallel_loop3A_262], %parallel_loop3A_265 {strides = array<i32>} : memref<40x128xf32, #tpu.memory_space<vmem>>, vector<1x16xf32>,
      } {sc.loop_unroll_factor = 4 : i64, sc.parallel_access}
      %mul3A_77 = arith.constant 40 : i32
      %mul3A_78 = arith.muli %add3A_57, %mul3A_77 : i32
      %dma_start3A_79 = tpu.memref_slice %arg9[%mul3A_78] : memref<6800xi32, #tpu.memory_space<vmem>> -> memref<40xi32, #tpu.memory_space<vmem>>
      %dma_start3A_80 = arith.constant 0 : i32
      %dma_start3A_81 = arith.constant 0 : i32
      %dma_start3A_82 = tpu.memref_slice %arg16[%dma_start3A_80, %dma_start3A_81] : memref<10240x128xf32, #tpu.memory_space<vmem_shared>> -> memref<10240x128xf32, #tpu.memory_space<vmem_shared>>
      tpu.enqueue_indirect_dma source(%arg14 : memref<40x128xf32, #tpu.memory_space<vmem>>) target(%dma_start3A_82 : memref<10240x128xf32, #tpu.memory_space<vmem_shared>>) offsets(%dma_start3A_79 : memref<40xi32, #tpu.memory_space<vmem>>) semaphore(%arg21 : memref<!tpu.dma_semaphore, #tpu.memory_space<semaphore_mem>>) {add = true}
      %add3A_83 = arith.constant 2 : i32
      %add3A_84 = arith.addi %add3A_57, %add3A_83 : i32
      %lt3A = arith.constant 170 : i32
      %lt3A_85 = arith.cmpi slt, %add3A_84, %lt3A : i32
      %convert_element_type3A_86 = arith.extui %lt3A_85 : i1 to i32
      %cond3A_87 = arith.constant 0 : i32
      %cond3A_88 = arith.cmpi ne, %convert_element_type3A_86, %cond3A_87 : i32
      scf.if %cond3A_88 {
        %add3A_129 = arith.constant 2 : i32
        %add3A_130 = arith.addi %add3A_57, %add3A_129 : i32
        %mul3A_131 = arith.constant 40 : i32
        %mul3A_132 = arith.muli %add3A_130, %mul3A_131 : i32
        %dma_start3A_133 = tpu.memref_slice %arg8[%mul3A_132] : memref<6800xi32, #tpu.memory_space<vmem>> -> memref<40xi32, #tpu.memory_space<vmem>>
        %dma_start3A_134 = arith.constant 0 : i32
        %dma_start3A_135 = arith.constant 0 : i32
        %dma_start3A_136 = tpu.memref_slice %arg6[%dma_start3A_134, %dma_start3A_135] : memref<10000x128xf32, #tpu.memory_space<hbm>> -> memref<10000x128xf32, #tpu.memory_space<hbm>>
        tpu.enqueue_indirect_dma source(%dma_start3A_136 : memref<10000x128xf32, #tpu.memory_space<hbm>>) target(%arg10 : memref<40x128xf32, #tpu.memory_space<vmem>>) offsets(%dma_start3A_133 : memref<40xi32, #tpu.memory_space<vmem>>) semaphore(%arg17 : memref<!tpu.dma_semaphore, #tpu.memory_space<semaphore_mem>>)
        %mul3A_137 = arith.constant 6800 : i32
        %mul3A_138 = arith.muli %add3A, %mul3A_137 : i32
        %mul3A_139 = arith.constant 40 : i32
        %mul3A_140 = arith.muli %add3A_130, %mul3A_139 : i32
        %add3A_141 = arith.addi %mul3A_138, %mul3A_140 : i32
        %dma_start3A_142 = arith.constant 0 : i32
        %dma_start3A_143 = tpu.memref_slice %arg4[%add3A_141, %dma_start3A_142] : memref<217600x128xf32, #tpu.memory_space<hbm>> -> memref<40x128xf32, #tpu.memory_space<hbm>>
        %dma_start3A_144 = arith.constant 0 : i32
        %dma_start3A_145 = tpu.memref_slice %arg4[%add3A_141, %dma_start3A_144] : memref<217600x128xf32, #tpu.memory_space<hbm>> -> memref<40x128xf32, #tpu.memory_space<hbm>>
        tpu.enqueue_dma source(%dma_start3A_145 : memref<40x128xf32, #tpu.memory_space<hbm>>) target(%arg12 : memref<40x128xf32, #tpu.memory_space<vmem>>) target_semaphore(%arg19 : memref<!tpu.dma_semaphore, #tpu.memory_space<semaphore_mem>>)
      } else {
      }
      %mul3A_89 = arith.constant 2 : i32
      %mul3A_90 = arith.muli %scan3A_53, %mul3A_89 : i32
      %add3A_91 = arith.constant 1 : i32
      %add3A_92 = arith.addi %mul3A_90, %add3A_91 : i32
      %mul3A_93 = arith.constant 40 : i32
      %mul3A_94 = arith.muli %add3A_92, %mul3A_93 : i32
      %dma_wait3A_95 = tpu.memref_slice %arg8[%mul3A_94] : memref<6800xi32, #tpu.memory_space<vmem>> -> memref<40xi32, #tpu.memory_space<vmem>>
      %dma_wait3A_96 = arith.constant 0 : i32
      %dma_wait3A_97 = arith.constant 0 : i32
      %dma_wait3A_98 = tpu.memref_slice %arg6[%dma_wait3A_96, %dma_wait3A_97] : memref<10000x128xf32, #tpu.memory_space<hbm>> -> memref<10000x128xf32, #tpu.memory_space<hbm>>
      tpu.wait_indirect_dma semaphore(%arg18 : memref<!tpu.dma_semaphore, #tpu.memory_space<semaphore_mem>>) src(%dma_wait3A_98 : memref<10000x128xf32, #tpu.memory_space<hbm>>) dst(%arg11 : memref<40x128xf32, #tpu.memory_space<vmem>>)
      %mul3A_99 = arith.constant 6800 : i32
      %mul3A_100 = arith.muli %add3A, %mul3A_99 : i32
      %mul3A_101 = arith.constant 40 : i32
      %mul3A_102 = arith.muli %add3A_92, %mul3A_101 : i32
      %add3A_103 = arith.addi %mul3A_100, %mul3A_102 : i32
      %dma_wait3A_104 = arith.constant 0 : i32
      %dma_wait3A_105 = tpu.memref_slice %arg4[%add3A_103, %dma_wait3A_104] : memref<217600x128xf32, #tpu.memory_space<hbm>> -> memref<40x128xf32, #tpu.memory_space<hbm>>
      %dma_wait3A_106 = arith.constant 0 : i32
      %dma_wait3A_107 = tpu.memref_slice %arg4[%add3A_103, %dma_wait3A_106] : memref<217600x128xf32, #tpu.memory_space<hbm>> -> memref<40x128xf32, #tpu.memory_space<hbm>>
      tpu.wait_dma2 semaphore(%arg20 : memref<!tpu.dma_semaphore, #tpu.memory_space<semaphore_mem>>) src(%dma_wait3A_107 : memref<40x128xf32, #tpu.memory_space<hbm>>) dst(%arg13 : memref<40x128xf32, #tpu.memory_space<vmem>>)
      %gt3A_108 = arith.constant 0 : i32
      %gt3A_109 = arith.cmpi sgt, %scan3A_53, %gt3A_108 : i32
      %convert_element_type3A_110 = arith.extui %gt3A_109 : i1 to i32
      %cond3A_111 = arith.constant 0 : i32
      %cond3A_112 = arith.cmpi ne, %convert_element_type3A_110, %cond3A_111 : i32
      scf.if %cond3A_112 {
        %mul3A_129 = arith.constant 40 : i32
        %mul3A_130 = arith.muli %add3A_92, %mul3A_129 : i32
        %dma_wait3A_131 = tpu.memref_slice %arg9[%mul3A_130] : memref<6800xi32, #tpu.memory_space<vmem>> -> memref<40xi32, #tpu.memory_space<vmem>>
        %dma_wait3A_132 = arith.constant 0 : i32
        %dma_wait3A_133 = arith.constant 0 : i32
        %dma_wait3A_134 = tpu.memref_slice %arg16[%dma_wait3A_132, %dma_wait3A_133] : memref<10240x128xf32, #tpu.memory_space<vmem_shared>> -> memref<10240x128xf32, #tpu.memory_space<vmem_shared>>
        tpu.wait_indirect_dma semaphore(%arg22 : memref<!tpu.dma_semaphore, #tpu.memory_space<semaphore_mem>>) src(%arg15 : memref<40x128xf32, #tpu.memory_space<vmem>>) dst(%dma_wait3A_134 : memref<10240x128xf32, #tpu.memory_space<vmem_shared>>)
      } else {
      }
      %parallel_loop3A_113 = arith.constant 0 : i32
      %parallel_loop3A_114 = arith.constant 40 : i32
      %parallel_loop3A_115 = arith.constant 1 : i32
      scf.for %parallel_loop3A_129 = %parallel_loop3A_113 to %parallel_loop3A_114 step %parallel_loop3A_115  : i32 {
        %parallel_loop3A_130 = arith.index_cast %parallel_loop3A_129 : i32 to index
        %parallel_loop3A_131 = arith.constant 0 : index
        %parallel_loop3A_132 = tpu.vector_load %arg11[%parallel_loop3A_130, %parallel_loop3A_131] {strides = array<i32>} : memref<40x128xf32, #tpu.memory_space<vmem>>, vector<1x16xf32>,
        %parallel_loop3A_133 = vector.shape_cast %parallel_loop3A_132 : vector<1x16xf32> to vector<16xf32>
        %parallel_loop3A_134 = arith.index_cast %parallel_loop3A_129 : i32 to index
        %parallel_loop3A_135 = arith.constant 0 : index
        %parallel_loop3A_136 = tpu.vector_load %arg13[%parallel_loop3A_134, %parallel_loop3A_135] {strides = array<i32>} : memref<40x128xf32, #tpu.memory_space<vmem>>, vector<1x16xf32>,
        %parallel_loop3A_137 = vector.shape_cast %parallel_loop3A_136 : vector<1x16xf32> to vector<16xf32>
        %parallel_loop3A_138 = arith.addf %parallel_loop3A_133, %parallel_loop3A_137 : vector<16xf32>
        %parallel_loop3A_139 = arith.constant 0.000000e+00 : f32
        %parallel_loop3A_140 = vector.broadcast %parallel_loop3A_139 : f32 to vector<16xf32>
        %parallel_loop3A_141 = arith.maximumf %parallel_loop3A_138, %parallel_loop3A_140 : vector<16xf32>
        %parallel_loop3A_142 = arith.index_cast %parallel_loop3A_129 : i32 to index
        %parallel_loop3A_143 = arith.constant 0 : index
        %parallel_loop3A_144 = tpu.vector_load %arg15[%parallel_loop3A_142, %parallel_loop3A_143] {strides = array<i32>} : memref<40x128xf32, #tpu.memory_space<vmem>>, vector<1x16xf32>,
        %parallel_loop3A_145 = vector.shape_cast %parallel_loop3A_144 : vector<1x16xf32> to vector<16xf32>
        %parallel_loop3A_146 = vector.shape_cast %parallel_loop3A_141 : vector<16xf32> to vector<1x16xf32>
        tpu.vector_store %arg15[%parallel_loop3A_142, %parallel_loop3A_143], %parallel_loop3A_146 {strides = array<i32>} : memref<40x128xf32, #tpu.memory_space<vmem>>, vector<1x16xf32>,
        %parallel_loop3A_147 = arith.index_cast %parallel_loop3A_129 : i32 to index
        %parallel_loop3A_148 = arith.constant 16 : index
        %parallel_loop3A_149 = tpu.vector_load %arg11[%parallel_loop3A_147, %parallel_loop3A_148] {strides = array<i32>} : memref<40x128xf32, #tpu.memory_space<vmem>>, vector<1x16xf32>,
        %parallel_loop3A_150 = vector.shape_cast %parallel_loop3A_149 : vector<1x16xf32> to vector<16xf32>
        %parallel_loop3A_151 = arith.index_cast %parallel_loop3A_129 : i32 to index
        %parallel_loop3A_152 = arith.constant 16 : index
        %parallel_loop3A_153 = tpu.vector_load %arg13[%parallel_loop3A_151, %parallel_loop3A_152] {strides = array<i32>} : memref<40x128xf32, #tpu.memory_space<vmem>>, vector<1x16xf32>,
        %parallel_loop3A_154 = vector.shape_cast %parallel_loop3A_153 : vector<1x16xf32> to vector<16xf32>
        %parallel_loop3A_155 = arith.addf %parallel_loop3A_150, %parallel_loop3A_154 : vector<16xf32>
        %parallel_loop3A_156 = arith.constant 0.000000e+00 : f32
        %parallel_loop3A_157 = vector.broadcast %parallel_loop3A_156 : f32 to vector<16xf32>
        %parallel_loop3A_158 = arith.maximumf %parallel_loop3A_155, %parallel_loop3A_157 : vector<16xf32>
        %parallel_loop3A_159 = arith.index_cast %parallel_loop3A_129 : i32 to index
        %parallel_loop3A_160 = arith.constant 16 : index
        %parallel_loop3A_161 = tpu.vector_load %arg15[%parallel_loop3A_159, %parallel_loop3A_160] {strides = array<i32>} : memref<40x128xf32, #tpu.memory_space<vmem>>, vector<1x16xf32>,
        %parallel_loop3A_162 = vector.shape_cast %parallel_loop3A_161 : vector<1x16xf32> to vector<16xf32>
        %parallel_loop3A_163 = vector.shape_cast %parallel_loop3A_158 : vector<16xf32> to vector<1x16xf32>
        tpu.vector_store %arg15[%parallel_loop3A_159, %parallel_loop3A_160], %parallel_loop3A_163 {strides = array<i32>} : memref<40x128xf32, #tpu.memory_space<vmem>>, vector<1x16xf32>,
        %parallel_loop3A_164 = arith.index_cast %parallel_loop3A_129 : i32 to index
        %parallel_loop3A_165 = arith.constant 32 : index
        %parallel_loop3A_166 = tpu.vector_load %arg11[%parallel_loop3A_164, %parallel_loop3A_165] {strides = array<i32>} : memref<40x128xf32, #tpu.memory_space<vmem>>, vector<1x16xf32>,
        %parallel_loop3A_167 = vector.shape_cast %parallel_loop3A_166 : vector<1x16xf32> to vector<16xf32>
        %parallel_loop3A_168 = arith.index_cast %parallel_loop3A_129 : i32 to index
        %parallel_loop3A_169 = arith.constant 32 : index
        %parallel_loop3A_170 = tpu.vector_load %arg13[%parallel_loop3A_168, %parallel_loop3A_169] {strides = array<i32>} : memref<40x128xf32, #tpu.memory_space<vmem>>, vector<1x16xf32>,
        %parallel_loop3A_171 = vector.shape_cast %parallel_loop3A_170 : vector<1x16xf32> to vector<16xf32>
        %parallel_loop3A_172 = arith.addf %parallel_loop3A_167, %parallel_loop3A_171 : vector<16xf32>
        %parallel_loop3A_173 = arith.constant 0.000000e+00 : f32
        %parallel_loop3A_174 = vector.broadcast %parallel_loop3A_173 : f32 to vector<16xf32>
        %parallel_loop3A_175 = arith.maximumf %parallel_loop3A_172, %parallel_loop3A_174 : vector<16xf32>
        %parallel_loop3A_176 = arith.index_cast %parallel_loop3A_129 : i32 to index
        %parallel_loop3A_177 = arith.constant 32 : index
        %parallel_loop3A_178 = tpu.vector_load %arg15[%parallel_loop3A_176, %parallel_loop3A_177] {strides = array<i32>} : memref<40x128xf32, #tpu.memory_space<vmem>>, vector<1x16xf32>,
        %parallel_loop3A_179 = vector.shape_cast %parallel_loop3A_178 : vector<1x16xf32> to vector<16xf32>
        %parallel_loop3A_180 = vector.shape_cast %parallel_loop3A_175 : vector<16xf32> to vector<1x16xf32>
        tpu.vector_store %arg15[%parallel_loop3A_176, %parallel_loop3A_177], %parallel_loop3A_180 {strides = array<i32>} : memref<40x128xf32, #tpu.memory_space<vmem>>, vector<1x16xf32>,
        %parallel_loop3A_181 = arith.index_cast %parallel_loop3A_129 : i32 to index
        %parallel_loop3A_182 = arith.constant 48 : index
        %parallel_loop3A_183 = tpu.vector_load %arg11[%parallel_loop3A_181, %parallel_loop3A_182] {strides = array<i32>} : memref<40x128xf32, #tpu.memory_space<vmem>>, vector<1x16xf32>,
        %parallel_loop3A_184 = vector.shape_cast %parallel_loop3A_183 : vector<1x16xf32> to vector<16xf32>
        %parallel_loop3A_185 = arith.index_cast %parallel_loop3A_129 : i32 to index
        %parallel_loop3A_186 = arith.constant 48 : index
        %parallel_loop3A_187 = tpu.vector_load %arg13[%parallel_loop3A_185, %parallel_loop3A_186] {strides = array<i32>} : memref<40x128xf32, #tpu.memory_space<vmem>>, vector<1x16xf32>,
        %parallel_loop3A_188 = vector.shape_cast %parallel_loop3A_187 : vector<1x16xf32> to vector<16xf32>
        %parallel_loop3A_189 = arith.addf %parallel_loop3A_184, %parallel_loop3A_188 : vector<16xf32>
        %parallel_loop3A_190 = arith.constant 0.000000e+00 : f32
        %parallel_loop3A_191 = vector.broadcast %parallel_loop3A_190 : f32 to vector<16xf32>
        %parallel_loop3A_192 = arith.maximumf %parallel_loop3A_189, %parallel_loop3A_191 : vector<16xf32>
        %parallel_loop3A_193 = arith.index_cast %parallel_loop3A_129 : i32 to index
        %parallel_loop3A_194 = arith.constant 48 : index
        %parallel_loop3A_195 = tpu.vector_load %arg15[%parallel_loop3A_193, %parallel_loop3A_194] {strides = array<i32>} : memref<40x128xf32, #tpu.memory_space<vmem>>, vector<1x16xf32>,
        %parallel_loop3A_196 = vector.shape_cast %parallel_loop3A_195 : vector<1x16xf32> to vector<16xf32>
        %parallel_loop3A_197 = vector.shape_cast %parallel_loop3A_192 : vector<16xf32> to vector<1x16xf32>
        tpu.vector_store %arg15[%parallel_loop3A_193, %parallel_loop3A_194], %parallel_loop3A_197 {strides = array<i32>} : memref<40x128xf32, #tpu.memory_space<vmem>>, vector<1x16xf32>,
        %parallel_loop3A_198 = arith.index_cast %parallel_loop3A_129 : i32 to index
        %parallel_loop3A_199 = arith.constant 64 : index
        %parallel_loop3A_200 = tpu.vector_load %arg11[%parallel_loop3A_198, %parallel_loop3A_199] {strides = array<i32>} : memref<40x128xf32, #tpu.memory_space<vmem>>, vector<1x16xf32>,
        %parallel_loop3A_201 = vector.shape_cast %parallel_loop3A_200 : vector<1x16xf32> to vector<16xf32>
        %parallel_loop3A_202 = arith.index_cast %parallel_loop3A_129 : i32 to index
        %parallel_loop3A_203 = arith.constant 64 : index
        %parallel_loop3A_204 = tpu.vector_load %arg13[%parallel_loop3A_202, %parallel_loop3A_203] {strides = array<i32>} : memref<40x128xf32, #tpu.memory_space<vmem>>, vector<1x16xf32>,
        %parallel_loop3A_205 = vector.shape_cast %parallel_loop3A_204 : vector<1x16xf32> to vector<16xf32>
        %parallel_loop3A_206 = arith.addf %parallel_loop3A_201, %parallel_loop3A_205 : vector<16xf32>
        %parallel_loop3A_207 = arith.constant 0.000000e+00 : f32
        %parallel_loop3A_208 = vector.broadcast %parallel_loop3A_207 : f32 to vector<16xf32>
        %parallel_loop3A_209 = arith.maximumf %parallel_loop3A_206, %parallel_loop3A_208 : vector<16xf32>
        %parallel_loop3A_210 = arith.index_cast %parallel_loop3A_129 : i32 to index
        %parallel_loop3A_211 = arith.constant 64 : index
        %parallel_loop3A_212 = tpu.vector_load %arg15[%parallel_loop3A_210, %parallel_loop3A_211] {strides = array<i32>} : memref<40x128xf32, #tpu.memory_space<vmem>>, vector<1x16xf32>,
        %parallel_loop3A_213 = vector.shape_cast %parallel_loop3A_212 : vector<1x16xf32> to vector<16xf32>
        %parallel_loop3A_214 = vector.shape_cast %parallel_loop3A_209 : vector<16xf32> to vector<1x16xf32>
        tpu.vector_store %arg15[%parallel_loop3A_210, %parallel_loop3A_211], %parallel_loop3A_214 {strides = array<i32>} : memref<40x128xf32, #tpu.memory_space<vmem>>, vector<1x16xf32>,
        %parallel_loop3A_215 = arith.index_cast %parallel_loop3A_129 : i32 to index
        %parallel_loop3A_216 = arith.constant 80 : index
        %parallel_loop3A_217 = tpu.vector_load %arg11[%parallel_loop3A_215, %parallel_loop3A_216] {strides = array<i32>} : memref<40x128xf32, #tpu.memory_space<vmem>>, vector<1x16xf32>,
        %parallel_loop3A_218 = vector.shape_cast %parallel_loop3A_217 : vector<1x16xf32> to vector<16xf32>
        %parallel_loop3A_219 = arith.index_cast %parallel_loop3A_129 : i32 to index
        %parallel_loop3A_220 = arith.constant 80 : index
        %parallel_loop3A_221 = tpu.vector_load %arg13[%parallel_loop3A_219, %parallel_loop3A_220] {strides = array<i32>} : memref<40x128xf32, #tpu.memory_space<vmem>>, vector<1x16xf32>,
        %parallel_loop3A_222 = vector.shape_cast %parallel_loop3A_221 : vector<1x16xf32> to vector<16xf32>
        %parallel_loop3A_223 = arith.addf %parallel_loop3A_218, %parallel_loop3A_222 : vector<16xf32>
        %parallel_loop3A_224 = arith.constant 0.000000e+00 : f32
        %parallel_loop3A_225 = vector.broadcast %parallel_loop3A_224 : f32 to vector<16xf32>
        %parallel_loop3A_226 = arith.maximumf %parallel_loop3A_223, %parallel_loop3A_225 : vector<16xf32>
        %parallel_loop3A_227 = arith.index_cast %parallel_loop3A_129 : i32 to index
        %parallel_loop3A_228 = arith.constant 80 : index
        %parallel_loop3A_229 = tpu.vector_load %arg15[%parallel_loop3A_227, %parallel_loop3A_228] {strides = array<i32>} : memref<40x128xf32, #tpu.memory_space<vmem>>, vector<1x16xf32>,
        %parallel_loop3A_230 = vector.shape_cast %parallel_loop3A_229 : vector<1x16xf32> to vector<16xf32>
        %parallel_loop3A_231 = vector.shape_cast %parallel_loop3A_226 : vector<16xf32> to vector<1x16xf32>
        tpu.vector_store %arg15[%parallel_loop3A_227, %parallel_loop3A_228], %parallel_loop3A_231 {strides = array<i32>} : memref<40x128xf32, #tpu.memory_space<vmem>>, vector<1x16xf32>,
        %parallel_loop3A_232 = arith.index_cast %parallel_loop3A_129 : i32 to index
        %parallel_loop3A_233 = arith.constant 96 : index
        %parallel_loop3A_234 = tpu.vector_load %arg11[%parallel_loop3A_232, %parallel_loop3A_233] {strides = array<i32>} : memref<40x128xf32, #tpu.memory_space<vmem>>, vector<1x16xf32>,
        %parallel_loop3A_235 = vector.shape_cast %parallel_loop3A_234 : vector<1x16xf32> to vector<16xf32>
        %parallel_loop3A_236 = arith.index_cast %parallel_loop3A_129 : i32 to index
        %parallel_loop3A_237 = arith.constant 96 : index
        %parallel_loop3A_238 = tpu.vector_load %arg13[%parallel_loop3A_236, %parallel_loop3A_237] {strides = array<i32>} : memref<40x128xf32, #tpu.memory_space<vmem>>, vector<1x16xf32>,
        %parallel_loop3A_239 = vector.shape_cast %parallel_loop3A_238 : vector<1x16xf32> to vector<16xf32>
        %parallel_loop3A_240 = arith.addf %parallel_loop3A_235, %parallel_loop3A_239 : vector<16xf32>
        %parallel_loop3A_241 = arith.constant 0.000000e+00 : f32
        %parallel_loop3A_242 = vector.broadcast %parallel_loop3A_241 : f32 to vector<16xf32>
        %parallel_loop3A_243 = arith.maximumf %parallel_loop3A_240, %parallel_loop3A_242 : vector<16xf32>
        %parallel_loop3A_244 = arith.index_cast %parallel_loop3A_129 : i32 to index
        %parallel_loop3A_245 = arith.constant 96 : index
        %parallel_loop3A_246 = tpu.vector_load %arg15[%parallel_loop3A_244, %parallel_loop3A_245] {strides = array<i32>} : memref<40x128xf32, #tpu.memory_space<vmem>>, vector<1x16xf32>,
        %parallel_loop3A_247 = vector.shape_cast %parallel_loop3A_246 : vector<1x16xf32> to vector<16xf32>
        %parallel_loop3A_248 = vector.shape_cast %parallel_loop3A_243 : vector<16xf32> to vector<1x16xf32>
        tpu.vector_store %arg15[%parallel_loop3A_244, %parallel_loop3A_245], %parallel_loop3A_248 {strides = array<i32>} : memref<40x128xf32, #tpu.memory_space<vmem>>, vector<1x16xf32>,
        %parallel_loop3A_249 = arith.index_cast %parallel_loop3A_129 : i32 to index
        %parallel_loop3A_250 = arith.constant 112 : index
        %parallel_loop3A_251 = tpu.vector_load %arg11[%parallel_loop3A_249, %parallel_loop3A_250] {strides = array<i32>} : memref<40x128xf32, #tpu.memory_space<vmem>>, vector<1x16xf32>,
        %parallel_loop3A_252 = vector.shape_cast %parallel_loop3A_251 : vector<1x16xf32> to vector<16xf32>
        %parallel_loop3A_253 = arith.index_cast %parallel_loop3A_129 : i32 to index
        %parallel_loop3A_254 = arith.constant 112 : index
        %parallel_loop3A_255 = tpu.vector_load %arg13[%parallel_loop3A_253, %parallel_loop3A_254] {strides = array<i32>} : memref<40x128xf32, #tpu.memory_space<vmem>>, vector<1x16xf32>,
        %parallel_loop3A_256 = vector.shape_cast %parallel_loop3A_255 : vector<1x16xf32> to vector<16xf32>
        %parallel_loop3A_257 = arith.addf %parallel_loop3A_252, %parallel_loop3A_256 : vector<16xf32>
        %parallel_loop3A_258 = arith.constant 0.000000e+00 : f32
        %parallel_loop3A_259 = vector.broadcast %parallel_loop3A_258 : f32 to vector<16xf32>
        %parallel_loop3A_260 = arith.maximumf %parallel_loop3A_257, %parallel_loop3A_259 : vector<16xf32>
        %parallel_loop3A_261 = arith.index_cast %parallel_loop3A_129 : i32 to index
        %parallel_loop3A_262 = arith.constant 112 : index
        %parallel_loop3A_263 = tpu.vector_load %arg15[%parallel_loop3A_261, %parallel_loop3A_262] {strides = array<i32>} : memref<40x128xf32, #tpu.memory_space<vmem>>, vector<1x16xf32>,
        %parallel_loop3A_264 = vector.shape_cast %parallel_loop3A_263 : vector<1x16xf32> to vector<16xf32>
        %parallel_loop3A_265 = vector.shape_cast %parallel_loop3A_260 : vector<16xf32> to vector<1x16xf32>
        tpu.vector_store %arg15[%parallel_loop3A_261, %parallel_loop3A_262], %parallel_loop3A_265 {strides = array<i32>} : memref<40x128xf32, #tpu.memory_space<vmem>>, vector<1x16xf32>,
      } {sc.loop_unroll_factor = 4 : i64, sc.parallel_access}
      %mul3A_116 = arith.constant 40 : i32
      %mul3A_117 = arith.muli %add3A_92, %mul3A_116 : i32
      %dma_start3A_118 = tpu.memref_slice %arg9[%mul3A_117] : memref<6800xi32, #tpu.memory_space<vmem>> -> memref<40xi32, #tpu.memory_space<vmem>>
      %dma_start3A_119 = arith.constant 0 : i32
      %dma_start3A_120 = arith.constant 0 : i32
      %dma_start3A_121 = tpu.memref_slice %arg16[%dma_start3A_119, %dma_start3A_120] : memref<10240x128xf32, #tpu.memory_space<vmem_shared>> -> memref<10240x128xf32, #tpu.memory_space<vmem_shared>>
      tpu.enqueue_indirect_dma source(%arg15 : memref<40x128xf32, #tpu.memory_space<vmem>>) target(%dma_start3A_121 : memref<10240x128xf32, #tpu.memory_space<vmem_shared>>) offsets(%dma_start3A_118 : memref<40xi32, #tpu.memory_space<vmem>>) semaphore(%arg22 : memref<!tpu.dma_semaphore, #tpu.memory_space<semaphore_mem>>) {add = true}
      %add3A_122 = arith.constant 2 : i32
      %add3A_123 = arith.addi %add3A_92, %add3A_122 : i32
      %lt3A_124 = arith.constant 170 : i32
      %lt3A_125 = arith.cmpi slt, %add3A_123, %lt3A_124 : i32
      %convert_element_type3A_126 = arith.extui %lt3A_125 : i1 to i32
      %cond3A_127 = arith.constant 0 : i32
      %cond3A_128 = arith.cmpi ne, %convert_element_type3A_126, %cond3A_127 : i32
      scf.if %cond3A_128 {
        %add3A_129 = arith.constant 2 : i32
        %add3A_130 = arith.addi %add3A_92, %add3A_129 : i32
        %mul3A_131 = arith.constant 40 : i32
        %mul3A_132 = arith.muli %add3A_130, %mul3A_131 : i32
        %dma_start3A_133 = tpu.memref_slice %arg8[%mul3A_132] : memref<6800xi32, #tpu.memory_space<vmem>> -> memref<40xi32, #tpu.memory_space<vmem>>
        %dma_start3A_134 = arith.constant 0 : i32
        %dma_start3A_135 = arith.constant 0 : i32
        %dma_start3A_136 = tpu.memref_slice %arg6[%dma_start3A_134, %dma_start3A_135] : memref<10000x128xf32, #tpu.memory_space<hbm>> -> memref<10000x128xf32, #tpu.memory_space<hbm>>
        tpu.enqueue_indirect_dma source(%dma_start3A_136 : memref<10000x128xf32, #tpu.memory_space<hbm>>) target(%arg11 : memref<40x128xf32, #tpu.memory_space<vmem>>) offsets(%dma_start3A_133 : memref<40xi32, #tpu.memory_space<vmem>>) semaphore(%arg18 : memref<!tpu.dma_semaphore, #tpu.memory_space<semaphore_mem>>)
        %mul3A_137 = arith.constant 6800 : i32
        %mul3A_138 = arith.muli %add3A, %mul3A_137 : i32
        %mul3A_139 = arith.constant 40 : i32
        %mul3A_140 = arith.muli %add3A_130, %mul3A_139 : i32
        %add3A_141 = arith.addi %mul3A_138, %mul3A_140 : i32
        %dma_start3A_142 = arith.constant 0 : i32
        %dma_start3A_143 = tpu.memref_slice %arg4[%add3A_141, %dma_start3A_142] : memref<217600x128xf32, #tpu.memory_space<hbm>> -> memref<40x128xf32, #tpu.memory_space<hbm>>
        %dma_start3A_144 = arith.constant 0 : i32
        %dma_start3A_145 = tpu.memref_slice %arg4[%add3A_141, %dma_start3A_144] : memref<217600x128xf32, #tpu.memory_space<hbm>> -> memref<40x128xf32, #tpu.memory_space<hbm>>
        tpu.enqueue_dma source(%dma_start3A_145 : memref<40x128xf32, #tpu.memory_space<hbm>>) target(%arg13 : memref<40x128xf32, #tpu.memory_space<vmem>>) target_semaphore(%arg20 : memref<!tpu.dma_semaphore, #tpu.memory_space<semaphore_mem>>)
      } else {
      }
    }
    %scan3A_38 = arith.constant 85 : i32
    %dma_wait3A = arith.constant 0 : i32
    %dma_wait3A_39 = tpu.memref_slice %arg9[%dma_wait3A] : memref<6800xi32, #tpu.memory_space<vmem>> -> memref<40xi32, #tpu.memory_space<vmem>>
    %dma_wait3A_40 = arith.constant 0 : i32
    %dma_wait3A_41 = arith.constant 0 : i32
    %dma_wait3A_42 = tpu.memref_slice %arg16[%dma_wait3A_40, %dma_wait3A_41] : memref<10240x128xf32, #tpu.memory_space<vmem_shared>> -> memref<10240x128xf32, #tpu.memory_space<vmem_shared>>
    tpu.wait_indirect_dma semaphore(%arg21 : memref<!tpu.dma_semaphore, #tpu.memory_space<semaphore_mem>>) src(%arg14 : memref<40x128xf32, #tpu.memory_space<vmem>>) dst(%dma_wait3A_42 : memref<10240x128xf32, #tpu.memory_space<vmem_shared>>)
    %dma_wait3A_43 = arith.constant 0 : i32
    %dma_wait3A_44 = tpu.memref_slice %arg9[%dma_wait3A_43] : memref<6800xi32, #tpu.memory_space<vmem>> -> memref<40xi32, #tpu.memory_space<vmem>>
    %dma_wait3A_45 = arith.constant 0 : i32
    %dma_wait3A_46 = arith.constant 0 : i32
    %dma_wait3A_47 = tpu.memref_slice %arg16[%dma_wait3A_45, %dma_wait3A_46] : memref<10240x128xf32, #tpu.memory_space<vmem_shared>> -> memref<10240x128xf32, #tpu.memory_space<vmem_shared>>
    tpu.wait_indirect_dma semaphore(%arg22 : memref<!tpu.dma_semaphore, #tpu.memory_space<semaphore_mem>>) src(%arg15 : memref<40x128xf32, #tpu.memory_space<vmem>>) dst(%dma_wait3A_47 : memref<10240x128xf32, #tpu.memory_space<vmem_shared>>)
    %barrier3A_48 = arith.constant 0 : index
    tpu.barrier barrier_id(%barrier3A_48)
    %mul3A_49 = arith.constant 640 : i32
    %mul3A_50 = arith.muli %arg1, %mul3A_49 : i32
    %mul3A_51 = arith.constant 640 : i32
    %mul3A_52 = arith.muli %arg1, %mul3A_51 : i32
    "tpu.region"() ({
      %run_scoped3A = tpu.sem_alloc : memref<!tpu.dma_semaphore, #tpu.memory_space<semaphore_mem>>
      %dma_start3A_53 = arith.constant 0 : i32
      %dma_start3A_54 = tpu.memref_slice %arg7[%arg0, %mul3A_52, %dma_start3A_53] : memref<2x10240x128xf32, #tpu.memory_space<hbm>> -> memref<1x640x128xf32, #tpu.memory_space<hbm>>
      %dma_start3A_55 = tpu.memref_squeeze %dma_start3A_54 : memref<1x640x128xf32, #tpu.memory_space<hbm>> -> memref<640x128xf32, #tpu.memory_space<hbm>>
      %dma_start3A_56 = arith.constant 0 : i32
      %dma_start3A_57 = tpu.memref_slice %arg16[%mul3A_50, %dma_start3A_56] : memref<10240x128xf32, #tpu.memory_space<vmem_shared>> -> memref<640x128xf32, #tpu.memory_space<vmem_shared>>
      tpu.enqueue_dma source(%dma_start3A_57 : memref<640x128xf32, #tpu.memory_space<vmem_shared>>) target(%dma_start3A_55 : memref<640x128xf32, #tpu.memory_space<hbm>>) target_semaphore(%run_scoped3A : memref<!tpu.dma_semaphore, #tpu.memory_space<semaphore_mem>>)
      %dma_wait3A_58 = arith.constant 0 : i32
      %dma_wait3A_59 = tpu.memref_slice %arg7[%arg0, %mul3A_52, %dma_wait3A_58] : memref<2x10240x128xf32, #tpu.memory_space<hbm>> -> memref<1x640x128xf32, #tpu.memory_space<hbm>>
      %dma_wait3A_60 = tpu.memref_squeeze %dma_wait3A_59 : memref<1x640x128xf32, #tpu.memory_space<hbm>> -> memref<640x128xf32, #tpu.memory_space<hbm>>
      %dma_wait3A_61 = arith.constant 0 : i32
      %dma_wait3A_62 = tpu.memref_slice %arg16[%mul3A_50, %dma_wait3A_61] : memref<10240x128xf32, #tpu.memory_space<vmem_shared>> -> memref<640x128xf32, #tpu.memory_space<vmem_shared>>
      tpu.wait_dma2 semaphore(%run_scoped3A : memref<!tpu.dma_semaphore, #tpu.memory_space<semaphore_mem>>) src(%dma_wait3A_62 : memref<640x128xf32, #tpu.memory_space<vmem_shared>>) dst(%dma_wait3A_60 : memref<640x128xf32, #tpu.memory_space<hbm>>)
      tpu.yield
    }) : () -> ()
    return
  }
}

#map = affine_map<(d0, d1) -> (0)>
#map1 = affine_map<(d0, d1) -> (0, 0)>
#map2 = affine_map<(d0, d1) -> (0, 0, 0)>
module attributes {stable_mosaic.version = 14 : i64} {
  func.func @_sc_body(%arg0: i32, %arg1: i32, %arg2: memref<102400xi32, #tpu.memory_space<hbm>>, %arg3: memref<102400xi32, #tpu.memory_space<hbm>>, %arg4: memref<102400x128xf32, #tpu.memory_space<hbm>>, %arg5: memref<2x10240x128xf32, #tpu.memory_space<hbm>>, %arg6: memref<10000x128xf32, #tpu.memory_space<hbm>>, %arg7: memref<2x10240x128xf32, #tpu.memory_space<hbm>>, %arg8: memref<3200xi32, #tpu.memory_space<vmem>>, %arg9: memref<3200xi32, #tpu.memory_space<vmem>>, %arg10: memref<40x128xf32, #tpu.memory_space<vmem>>, %arg11: memref<40x128xf32, #tpu.memory_space<vmem>>, %arg12: memref<40x128xf32, #tpu.memory_space<vmem>>, %arg13: memref<40x128xf32, #tpu.memory_space<vmem>>, %arg14: memref<40x128xf32, #tpu.memory_space<vmem>>, %arg15: memref<40x128xf32, #tpu.memory_space<vmem>>, %arg16: memref<10240x128xf32, #tpu.memory_space<vmem_shared>>, %arg17: memref<!tpu.dma_semaphore, #tpu.memory_space<semaphore_mem>>, %arg18: memref<!tpu.dma_semaphore, #tpu.memory_space<semaphore_mem>>, %arg19: memref<!tpu.dma_semaphore, #tpu.memory_space<semaphore_mem>>, %arg20: memref<!tpu.dma_semaphore, #tpu.memory_space<semaphore_mem>>, %arg21: memref<!tpu.dma_semaphore, #tpu.memory_space<semaphore_mem>>, %arg22: memref<!tpu.dma_semaphore, #tpu.memory_space<semaphore_mem>>) attributes {dimension_semantics = [#tpu.dimension_semantics<core_parallel>, #tpu.dimension_semantics<subcore_parallel>], iteration_bounds = array<i64: 2, 16>, scalar_prefetch = 0 : i64, scratch_operands = 15 : i64, tpu.core_type = #tpu.core_type<sc_vector_subcore>, window_params = [{transform_indices = #map}, {transform_indices = #map}, {transform_indices = #map1}, {transform_indices = #map2}, {transform_indices = #map1}, {transform_indices = #map2}]} {
    %mul3A = arith.constant 2 : i32
    %mul3A_0 = arith.muli %arg1, %mul3A : i32
    %add3A = arith.addi %mul3A_0, %arg0 : i32
    %mul3A_1 = arith.constant 640 : i32
    %mul3A_2 = arith.muli %arg1, %mul3A_1 : i32
    %mul3A_3 = arith.constant 640 : i32
    %mul3A_4 = arith.muli %arg1, %mul3A_3 : i32
    "tpu.region"() ({
      %run_scoped3A = tpu.sem_alloc : memref<!tpu.dma_semaphore, #tpu.memory_space<semaphore_mem>>
      %dma_start3A_53 = arith.constant 0 : i32
      %dma_start3A_54 = tpu.memref_slice %arg16[%mul3A_4, %dma_start3A_53] : memref<10240x128xf32, #tpu.memory_space<vmem_shared>> -> memref<640x128xf32, #tpu.memory_space<vmem_shared>>
      %dma_start3A_55 = arith.constant 0 : i32
      %dma_start3A_56 = tpu.memref_slice %arg5[%arg0, %mul3A_2, %dma_start3A_55] : memref<2x10240x128xf32, #tpu.memory_space<hbm>> -> memref<1x640x128xf32, #tpu.memory_space<hbm>>
      %dma_start3A_57 = tpu.memref_squeeze %dma_start3A_56 : memref<1x640x128xf32, #tpu.memory_space<hbm>> -> memref<640x128xf32, #tpu.memory_space<hbm>>
      tpu.enqueue_dma source(%dma_start3A_57 : memref<640x128xf32, #tpu.memory_space<hbm>>) target(%dma_start3A_54 : memref<640x128xf32, #tpu.memory_space<vmem_shared>>) target_semaphore(%run_scoped3A : memref<!tpu.dma_semaphore, #tpu.memory_space<semaphore_mem>>)
      %dma_wait3A_58 = arith.constant 0 : i32
      %dma_wait3A_59 = tpu.memref_slice %arg16[%mul3A_4, %dma_wait3A_58] : memref<10240x128xf32, #tpu.memory_space<vmem_shared>> -> memref<640x128xf32, #tpu.memory_space<vmem_shared>>
      %dma_wait3A_60 = arith.constant 0 : i32
      %dma_wait3A_61 = tpu.memref_slice %arg5[%arg0, %mul3A_2, %dma_wait3A_60] : memref<2x10240x128xf32, #tpu.memory_space<hbm>> -> memref<1x640x128xf32, #tpu.memory_space<hbm>>
      %dma_wait3A_62 = tpu.memref_squeeze %dma_wait3A_61 : memref<1x640x128xf32, #tpu.memory_space<hbm>> -> memref<640x128xf32, #tpu.memory_space<hbm>>
      tpu.wait_dma2 semaphore(%run_scoped3A : memref<!tpu.dma_semaphore, #tpu.memory_space<semaphore_mem>>) src(%dma_wait3A_62 : memref<640x128xf32, #tpu.memory_space<hbm>>) dst(%dma_wait3A_59 : memref<640x128xf32, #tpu.memory_space<vmem_shared>>)
      tpu.yield
    }) : () -> ()
    %mul3A_5 = arith.constant 3200 : i32
    %mul3A_6 = arith.muli %add3A, %mul3A_5 : i32
    "tpu.region"() ({
      %run_scoped3A = tpu.sem_alloc : memref<!tpu.dma_semaphore, #tpu.memory_space<semaphore_mem>>
      %dma_start3A_53 = tpu.memref_slice %arg2[%mul3A_6] : memref<102400xi32, #tpu.memory_space<hbm>> -> memref<3200xi32, #tpu.memory_space<hbm>>
      %dma_start3A_54 = tpu.memref_slice %arg2[%mul3A_6] : memref<102400xi32, #tpu.memory_space<hbm>> -> memref<3200xi32, #tpu.memory_space<hbm>>
      tpu.enqueue_dma source(%dma_start3A_54 : memref<3200xi32, #tpu.memory_space<hbm>>) target(%arg8 : memref<3200xi32, #tpu.memory_space<vmem>>) target_semaphore(%run_scoped3A : memref<!tpu.dma_semaphore, #tpu.memory_space<semaphore_mem>>)
      %dma_wait3A_55 = tpu.memref_slice %arg2[%mul3A_6] : memref<102400xi32, #tpu.memory_space<hbm>> -> memref<3200xi32, #tpu.memory_space<hbm>>
      %dma_wait3A_56 = tpu.memref_slice %arg2[%mul3A_6] : memref<102400xi32, #tpu.memory_space<hbm>> -> memref<3200xi32, #tpu.memory_space<hbm>>
      tpu.wait_dma2 semaphore(%run_scoped3A : memref<!tpu.dma_semaphore, #tpu.memory_space<semaphore_mem>>) src(%dma_wait3A_56 : memref<3200xi32, #tpu.memory_space<hbm>>) dst(%arg8 : memref<3200xi32, #tpu.memory_space<vmem>>)
      tpu.yield
    }) : () -> ()
    %mul3A_7 = arith.constant 3200 : i32
    %mul3A_8 = arith.muli %add3A, %mul3A_7 : i32
    "tpu.region"() ({
      %run_scoped3A = tpu.sem_alloc : memref<!tpu.dma_semaphore, #tpu.memory_space<semaphore_mem>>
      %dma_start3A_53 = tpu.memref_slice %arg3[%mul3A_8] : memref<102400xi32, #tpu.memory_space<hbm>> -> memref<3200xi32, #tpu.memory_space<hbm>>
      %dma_start3A_54 = tpu.memref_slice %arg3[%mul3A_8] : memref<102400xi32, #tpu.memory_space<hbm>> -> memref<3200xi32, #tpu.memory_space<hbm>>
      tpu.enqueue_dma source(%dma_start3A_54 : memref<3200xi32, #tpu.memory_space<hbm>>) target(%arg9 : memref<3200xi32, #tpu.memory_space<vmem>>) target_semaphore(%run_scoped3A : memref<!tpu.dma_semaphore, #tpu.memory_space<semaphore_mem>>)
      %dma_wait3A_55 = tpu.memref_slice %arg3[%mul3A_8] : memref<102400xi32, #tpu.memory_space<hbm>> -> memref<3200xi32, #tpu.memory_space<hbm>>
      %dma_wait3A_56 = tpu.memref_slice %arg3[%mul3A_8] : memref<102400xi32, #tpu.memory_space<hbm>> -> memref<3200xi32, #tpu.memory_space<hbm>>
      tpu.wait_dma2 semaphore(%run_scoped3A : memref<!tpu.dma_semaphore, #tpu.memory_space<semaphore_mem>>) src(%dma_wait3A_56 : memref<3200xi32, #tpu.memory_space<hbm>>) dst(%arg9 : memref<3200xi32, #tpu.memory_space<vmem>>)
      tpu.yield
    }) : () -> ()
    %barrier3A = arith.constant 0 : index
    tpu.barrier barrier_id(%barrier3A)
    %dma_start3A = arith.constant 0 : i32
    %dma_start3A_9 = tpu.memref_slice %arg8[%dma_start3A] : memref<3200xi32, #tpu.memory_space<vmem>> -> memref<40xi32, #tpu.memory_space<vmem>>
    %dma_start3A_10 = arith.constant 0 : i32
    %dma_start3A_11 = arith.constant 0 : i32
    %dma_start3A_12 = tpu.memref_slice %arg6[%dma_start3A_10, %dma_start3A_11] : memref<10000x128xf32, #tpu.memory_space<hbm>> -> memref<10000x128xf32, #tpu.memory_space<hbm>>
    tpu.enqueue_indirect_dma source(%dma_start3A_12 : memref<10000x128xf32, #tpu.memory_space<hbm>>) target(%arg10 : memref<40x128xf32, #tpu.memory_space<vmem>>) offsets(%dma_start3A_9 : memref<40xi32, #tpu.memory_space<vmem>>) semaphore(%arg17 : memref<!tpu.dma_semaphore, #tpu.memory_space<semaphore_mem>>)
    %mul3A_13 = arith.constant 3200 : i32
    %mul3A_14 = arith.muli %add3A, %mul3A_13 : i32
    %add3A_15 = arith.constant 0 : i32
    %add3A_16 = arith.addi %mul3A_14, %add3A_15 : i32
    %dma_start3A_17 = arith.constant 0 : i32
    %dma_start3A_18 = tpu.memref_slice %arg4[%add3A_16, %dma_start3A_17] : memref<102400x128xf32, #tpu.memory_space<hbm>> -> memref<40x128xf32, #tpu.memory_space<hbm>>
    %dma_start3A_19 = arith.constant 0 : i32
    %dma_start3A_20 = tpu.memref_slice %arg4[%add3A_16, %dma_start3A_19] : memref<102400x128xf32, #tpu.memory_space<hbm>> -> memref<40x128xf32, #tpu.memory_space<hbm>>
    tpu.enqueue_dma source(%dma_start3A_20 : memref<40x128xf32, #tpu.memory_space<hbm>>) target(%arg12 : memref<40x128xf32, #tpu.memory_space<vmem>>) target_semaphore(%arg19 : memref<!tpu.dma_semaphore, #tpu.memory_space<semaphore_mem>>)
    %dma_start3A_21 = arith.constant 40 : i32
    %dma_start3A_22 = tpu.memref_slice %arg8[%dma_start3A_21] : memref<3200xi32, #tpu.memory_space<vmem>> -> memref<40xi32, #tpu.memory_space<vmem>>
    %dma_start3A_23 = arith.constant 0 : i32
    %dma_start3A_24 = arith.constant 0 : i32
    %dma_start3A_25 = tpu.memref_slice %arg6[%dma_start3A_23, %dma_start3A_24] : memref<10000x128xf32, #tpu.memory_space<hbm>> -> memref<10000x128xf32, #tpu.memory_space<hbm>>
    tpu.enqueue_indirect_dma source(%dma_start3A_25 : memref<10000x128xf32, #tpu.memory_space<hbm>>) target(%arg11 : memref<40x128xf32, #tpu.memory_space<vmem>>) offsets(%dma_start3A_22 : memref<40xi32, #tpu.memory_space<vmem>>) semaphore(%arg18 : memref<!tpu.dma_semaphore, #tpu.memory_space<semaphore_mem>>)
    %mul3A_26 = arith.constant 3200 : i32
    %mul3A_27 = arith.muli %add3A, %mul3A_26 : i32
    %add3A_28 = arith.constant 40 : i32
    %add3A_29 = arith.addi %mul3A_27, %add3A_28 : i32
    %dma_start3A_30 = arith.constant 0 : i32
    %dma_start3A_31 = tpu.memref_slice %arg4[%add3A_29, %dma_start3A_30] : memref<102400x128xf32, #tpu.memory_space<hbm>> -> memref<40x128xf32, #tpu.memory_space<hbm>>
    %dma_start3A_32 = arith.constant 0 : i32
    %dma_start3A_33 = tpu.memref_slice %arg4[%add3A_29, %dma_start3A_32] : memref<102400x128xf32, #tpu.memory_space<hbm>> -> memref<40x128xf32, #tpu.memory_space<hbm>>
    tpu.enqueue_dma source(%dma_start3A_33 : memref<40x128xf32, #tpu.memory_space<hbm>>) target(%arg13 : memref<40x128xf32, #tpu.memory_space<vmem>>) target_semaphore(%arg20 : memref<!tpu.dma_semaphore, #tpu.memory_space<semaphore_mem>>)
    %scan3A = arith.constant 0 : i32
    %scan3A_34 = arith.constant 0 : i32
    %scan3A_35 = arith.constant 40 : i32
    %scan3A_36 = arith.addi %scan3A_34, %scan3A_35 : i32
    %scan3A_37 = arith.constant 1 : i32
    scf.for %scan3A_53 = %scan3A_34 to %scan3A_36 step %scan3A_37  : i32 {
      %mul3A_54 = arith.constant 2 : i32
      %mul3A_55 = arith.muli %scan3A_53, %mul3A_54 : i32
      %add3A_56 = arith.constant 0 : i32
      %add3A_57 = arith.addi %mul3A_55, %add3A_56 : i32
      %mul3A_58 = arith.constant 40 : i32
      %mul3A_59 = arith.muli %add3A_57, %mul3A_58 : i32
      %dma_wait3A_60 = tpu.memref_slice %arg8[%mul3A_59] : memref<3200xi32, #tpu.memory_space<vmem>> -> memref<40xi32, #tpu.memory_space<vmem>>
      %dma_wait3A_61 = arith.constant 0 : i32
      %dma_wait3A_62 = arith.constant 0 : i32
      %dma_wait3A_63 = tpu.memref_slice %arg6[%dma_wait3A_61, %dma_wait3A_62] : memref<10000x128xf32, #tpu.memory_space<hbm>> -> memref<10000x128xf32, #tpu.memory_space<hbm>>
      tpu.wait_indirect_dma semaphore(%arg17 : memref<!tpu.dma_semaphore, #tpu.memory_space<semaphore_mem>>) src(%dma_wait3A_63 : memref<10000x128xf32, #tpu.memory_space<hbm>>) dst(%arg10 : memref<40x128xf32, #tpu.memory_space<vmem>>)
      %mul3A_64 = arith.constant 3200 : i32
      %mul3A_65 = arith.muli %add3A, %mul3A_64 : i32
      %mul3A_66 = arith.constant 40 : i32
      %mul3A_67 = arith.muli %add3A_57, %mul3A_66 : i32
      %add3A_68 = arith.addi %mul3A_65, %mul3A_67 : i32
      %dma_wait3A_69 = arith.constant 0 : i32
      %dma_wait3A_70 = tpu.memref_slice %arg4[%add3A_68, %dma_wait3A_69] : memref<102400x128xf32, #tpu.memory_space<hbm>> -> memref<40x128xf32, #tpu.memory_space<hbm>>
      %dma_wait3A_71 = arith.constant 0 : i32
      %dma_wait3A_72 = tpu.memref_slice %arg4[%add3A_68, %dma_wait3A_71] : memref<102400x128xf32, #tpu.memory_space<hbm>> -> memref<40x128xf32, #tpu.memory_space<hbm>>
      tpu.wait_dma2 semaphore(%arg19 : memref<!tpu.dma_semaphore, #tpu.memory_space<semaphore_mem>>) src(%dma_wait3A_72 : memref<40x128xf32, #tpu.memory_space<hbm>>) dst(%arg12 : memref<40x128xf32, #tpu.memory_space<vmem>>)
      %gt3A = arith.constant 0 : i32
      %gt3A_73 = arith.cmpi sgt, %scan3A_53, %gt3A : i32
      %convert_element_type3A = arith.extui %gt3A_73 : i1 to i32
      %cond3A = arith.constant 0 : i32
      %cond3A_74 = arith.cmpi ne, %convert_element_type3A, %cond3A : i32
      scf.if %cond3A_74 {
        %mul3A_129 = arith.constant 40 : i32
        %mul3A_130 = arith.muli %add3A_57, %mul3A_129 : i32
        %dma_wait3A_131 = tpu.memref_slice %arg9[%mul3A_130] : memref<3200xi32, #tpu.memory_space<vmem>> -> memref<40xi32, #tpu.memory_space<vmem>>
        %dma_wait3A_132 = arith.constant 0 : i32
        %dma_wait3A_133 = arith.constant 0 : i32
        %dma_wait3A_134 = tpu.memref_slice %arg16[%dma_wait3A_132, %dma_wait3A_133] : memref<10240x128xf32, #tpu.memory_space<vmem_shared>> -> memref<10240x128xf32, #tpu.memory_space<vmem_shared>>
        tpu.wait_indirect_dma semaphore(%arg21 : memref<!tpu.dma_semaphore, #tpu.memory_space<semaphore_mem>>) src(%arg14 : memref<40x128xf32, #tpu.memory_space<vmem>>) dst(%dma_wait3A_134 : memref<10240x128xf32, #tpu.memory_space<vmem_shared>>)
      } else {
      }
      %parallel_loop3A = arith.constant 0 : i32
      %parallel_loop3A_75 = arith.constant 40 : i32
      %parallel_loop3A_76 = arith.constant 1 : i32
      scf.for %parallel_loop3A_129 = %parallel_loop3A to %parallel_loop3A_75 step %parallel_loop3A_76  : i32 {
        %parallel_loop3A_130 = arith.index_cast %parallel_loop3A_129 : i32 to index
        %parallel_loop3A_131 = arith.constant 0 : index
        %parallel_loop3A_132 = tpu.vector_load %arg10[%parallel_loop3A_130, %parallel_loop3A_131] {strides = array<i32>} : memref<40x128xf32, #tpu.memory_space<vmem>>, vector<1x16xf32>,
        %parallel_loop3A_133 = vector.shape_cast %parallel_loop3A_132 : vector<1x16xf32> to vector<16xf32>
        %parallel_loop3A_134 = arith.index_cast %parallel_loop3A_129 : i32 to index
        %parallel_loop3A_135 = arith.constant 0 : index
        %parallel_loop3A_136 = tpu.vector_load %arg12[%parallel_loop3A_134, %parallel_loop3A_135] {strides = array<i32>} : memref<40x128xf32, #tpu.memory_space<vmem>>, vector<1x16xf32>,
        %parallel_loop3A_137 = vector.shape_cast %parallel_loop3A_136 : vector<1x16xf32> to vector<16xf32>
        %parallel_loop3A_138 = arith.addf %parallel_loop3A_133, %parallel_loop3A_137 : vector<16xf32>
        %parallel_loop3A_139 = arith.constant 0.000000e+00 : f32
        %parallel_loop3A_140 = vector.broadcast %parallel_loop3A_139 : f32 to vector<16xf32>
        %parallel_loop3A_141 = arith.maximumf %parallel_loop3A_138, %parallel_loop3A_140 : vector<16xf32>
        %parallel_loop3A_142 = arith.index_cast %parallel_loop3A_129 : i32 to index
        %parallel_loop3A_143 = arith.constant 0 : index
        %parallel_loop3A_144 = tpu.vector_load %arg14[%parallel_loop3A_142, %parallel_loop3A_143] {strides = array<i32>} : memref<40x128xf32, #tpu.memory_space<vmem>>, vector<1x16xf32>,
        %parallel_loop3A_145 = vector.shape_cast %parallel_loop3A_144 : vector<1x16xf32> to vector<16xf32>
        %parallel_loop3A_146 = vector.shape_cast %parallel_loop3A_141 : vector<16xf32> to vector<1x16xf32>
        tpu.vector_store %arg14[%parallel_loop3A_142, %parallel_loop3A_143], %parallel_loop3A_146 {strides = array<i32>} : memref<40x128xf32, #tpu.memory_space<vmem>>, vector<1x16xf32>,
        %parallel_loop3A_147 = arith.index_cast %parallel_loop3A_129 : i32 to index
        %parallel_loop3A_148 = arith.constant 16 : index
        %parallel_loop3A_149 = tpu.vector_load %arg10[%parallel_loop3A_147, %parallel_loop3A_148] {strides = array<i32>} : memref<40x128xf32, #tpu.memory_space<vmem>>, vector<1x16xf32>,
        %parallel_loop3A_150 = vector.shape_cast %parallel_loop3A_149 : vector<1x16xf32> to vector<16xf32>
        %parallel_loop3A_151 = arith.index_cast %parallel_loop3A_129 : i32 to index
        %parallel_loop3A_152 = arith.constant 16 : index
        %parallel_loop3A_153 = tpu.vector_load %arg12[%parallel_loop3A_151, %parallel_loop3A_152] {strides = array<i32>} : memref<40x128xf32, #tpu.memory_space<vmem>>, vector<1x16xf32>,
        %parallel_loop3A_154 = vector.shape_cast %parallel_loop3A_153 : vector<1x16xf32> to vector<16xf32>
        %parallel_loop3A_155 = arith.addf %parallel_loop3A_150, %parallel_loop3A_154 : vector<16xf32>
        %parallel_loop3A_156 = arith.constant 0.000000e+00 : f32
        %parallel_loop3A_157 = vector.broadcast %parallel_loop3A_156 : f32 to vector<16xf32>
        %parallel_loop3A_158 = arith.maximumf %parallel_loop3A_155, %parallel_loop3A_157 : vector<16xf32>
        %parallel_loop3A_159 = arith.index_cast %parallel_loop3A_129 : i32 to index
        %parallel_loop3A_160 = arith.constant 16 : index
        %parallel_loop3A_161 = tpu.vector_load %arg14[%parallel_loop3A_159, %parallel_loop3A_160] {strides = array<i32>} : memref<40x128xf32, #tpu.memory_space<vmem>>, vector<1x16xf32>,
        %parallel_loop3A_162 = vector.shape_cast %parallel_loop3A_161 : vector<1x16xf32> to vector<16xf32>
        %parallel_loop3A_163 = vector.shape_cast %parallel_loop3A_158 : vector<16xf32> to vector<1x16xf32>
        tpu.vector_store %arg14[%parallel_loop3A_159, %parallel_loop3A_160], %parallel_loop3A_163 {strides = array<i32>} : memref<40x128xf32, #tpu.memory_space<vmem>>, vector<1x16xf32>,
        %parallel_loop3A_164 = arith.index_cast %parallel_loop3A_129 : i32 to index
        %parallel_loop3A_165 = arith.constant 32 : index
        %parallel_loop3A_166 = tpu.vector_load %arg10[%parallel_loop3A_164, %parallel_loop3A_165] {strides = array<i32>} : memref<40x128xf32, #tpu.memory_space<vmem>>, vector<1x16xf32>,
        %parallel_loop3A_167 = vector.shape_cast %parallel_loop3A_166 : vector<1x16xf32> to vector<16xf32>
        %parallel_loop3A_168 = arith.index_cast %parallel_loop3A_129 : i32 to index
        %parallel_loop3A_169 = arith.constant 32 : index
        %parallel_loop3A_170 = tpu.vector_load %arg12[%parallel_loop3A_168, %parallel_loop3A_169] {strides = array<i32>} : memref<40x128xf32, #tpu.memory_space<vmem>>, vector<1x16xf32>,
        %parallel_loop3A_171 = vector.shape_cast %parallel_loop3A_170 : vector<1x16xf32> to vector<16xf32>
        %parallel_loop3A_172 = arith.addf %parallel_loop3A_167, %parallel_loop3A_171 : vector<16xf32>
        %parallel_loop3A_173 = arith.constant 0.000000e+00 : f32
        %parallel_loop3A_174 = vector.broadcast %parallel_loop3A_173 : f32 to vector<16xf32>
        %parallel_loop3A_175 = arith.maximumf %parallel_loop3A_172, %parallel_loop3A_174 : vector<16xf32>
        %parallel_loop3A_176 = arith.index_cast %parallel_loop3A_129 : i32 to index
        %parallel_loop3A_177 = arith.constant 32 : index
        %parallel_loop3A_178 = tpu.vector_load %arg14[%parallel_loop3A_176, %parallel_loop3A_177] {strides = array<i32>} : memref<40x128xf32, #tpu.memory_space<vmem>>, vector<1x16xf32>,
        %parallel_loop3A_179 = vector.shape_cast %parallel_loop3A_178 : vector<1x16xf32> to vector<16xf32>
        %parallel_loop3A_180 = vector.shape_cast %parallel_loop3A_175 : vector<16xf32> to vector<1x16xf32>
        tpu.vector_store %arg14[%parallel_loop3A_176, %parallel_loop3A_177], %parallel_loop3A_180 {strides = array<i32>} : memref<40x128xf32, #tpu.memory_space<vmem>>, vector<1x16xf32>,
        %parallel_loop3A_181 = arith.index_cast %parallel_loop3A_129 : i32 to index
        %parallel_loop3A_182 = arith.constant 48 : index
        %parallel_loop3A_183 = tpu.vector_load %arg10[%parallel_loop3A_181, %parallel_loop3A_182] {strides = array<i32>} : memref<40x128xf32, #tpu.memory_space<vmem>>, vector<1x16xf32>,
        %parallel_loop3A_184 = vector.shape_cast %parallel_loop3A_183 : vector<1x16xf32> to vector<16xf32>
        %parallel_loop3A_185 = arith.index_cast %parallel_loop3A_129 : i32 to index
        %parallel_loop3A_186 = arith.constant 48 : index
        %parallel_loop3A_187 = tpu.vector_load %arg12[%parallel_loop3A_185, %parallel_loop3A_186] {strides = array<i32>} : memref<40x128xf32, #tpu.memory_space<vmem>>, vector<1x16xf32>,
        %parallel_loop3A_188 = vector.shape_cast %parallel_loop3A_187 : vector<1x16xf32> to vector<16xf32>
        %parallel_loop3A_189 = arith.addf %parallel_loop3A_184, %parallel_loop3A_188 : vector<16xf32>
        %parallel_loop3A_190 = arith.constant 0.000000e+00 : f32
        %parallel_loop3A_191 = vector.broadcast %parallel_loop3A_190 : f32 to vector<16xf32>
        %parallel_loop3A_192 = arith.maximumf %parallel_loop3A_189, %parallel_loop3A_191 : vector<16xf32>
        %parallel_loop3A_193 = arith.index_cast %parallel_loop3A_129 : i32 to index
        %parallel_loop3A_194 = arith.constant 48 : index
        %parallel_loop3A_195 = tpu.vector_load %arg14[%parallel_loop3A_193, %parallel_loop3A_194] {strides = array<i32>} : memref<40x128xf32, #tpu.memory_space<vmem>>, vector<1x16xf32>,
        %parallel_loop3A_196 = vector.shape_cast %parallel_loop3A_195 : vector<1x16xf32> to vector<16xf32>
        %parallel_loop3A_197 = vector.shape_cast %parallel_loop3A_192 : vector<16xf32> to vector<1x16xf32>
        tpu.vector_store %arg14[%parallel_loop3A_193, %parallel_loop3A_194], %parallel_loop3A_197 {strides = array<i32>} : memref<40x128xf32, #tpu.memory_space<vmem>>, vector<1x16xf32>,
        %parallel_loop3A_198 = arith.index_cast %parallel_loop3A_129 : i32 to index
        %parallel_loop3A_199 = arith.constant 64 : index
        %parallel_loop3A_200 = tpu.vector_load %arg10[%parallel_loop3A_198, %parallel_loop3A_199] {strides = array<i32>} : memref<40x128xf32, #tpu.memory_space<vmem>>, vector<1x16xf32>,
        %parallel_loop3A_201 = vector.shape_cast %parallel_loop3A_200 : vector<1x16xf32> to vector<16xf32>
        %parallel_loop3A_202 = arith.index_cast %parallel_loop3A_129 : i32 to index
        %parallel_loop3A_203 = arith.constant 64 : index
        %parallel_loop3A_204 = tpu.vector_load %arg12[%parallel_loop3A_202, %parallel_loop3A_203] {strides = array<i32>} : memref<40x128xf32, #tpu.memory_space<vmem>>, vector<1x16xf32>,
        %parallel_loop3A_205 = vector.shape_cast %parallel_loop3A_204 : vector<1x16xf32> to vector<16xf32>
        %parallel_loop3A_206 = arith.addf %parallel_loop3A_201, %parallel_loop3A_205 : vector<16xf32>
        %parallel_loop3A_207 = arith.constant 0.000000e+00 : f32
        %parallel_loop3A_208 = vector.broadcast %parallel_loop3A_207 : f32 to vector<16xf32>
        %parallel_loop3A_209 = arith.maximumf %parallel_loop3A_206, %parallel_loop3A_208 : vector<16xf32>
        %parallel_loop3A_210 = arith.index_cast %parallel_loop3A_129 : i32 to index
        %parallel_loop3A_211 = arith.constant 64 : index
        %parallel_loop3A_212 = tpu.vector_load %arg14[%parallel_loop3A_210, %parallel_loop3A_211] {strides = array<i32>} : memref<40x128xf32, #tpu.memory_space<vmem>>, vector<1x16xf32>,
        %parallel_loop3A_213 = vector.shape_cast %parallel_loop3A_212 : vector<1x16xf32> to vector<16xf32>
        %parallel_loop3A_214 = vector.shape_cast %parallel_loop3A_209 : vector<16xf32> to vector<1x16xf32>
        tpu.vector_store %arg14[%parallel_loop3A_210, %parallel_loop3A_211], %parallel_loop3A_214 {strides = array<i32>} : memref<40x128xf32, #tpu.memory_space<vmem>>, vector<1x16xf32>,
        %parallel_loop3A_215 = arith.index_cast %parallel_loop3A_129 : i32 to index
        %parallel_loop3A_216 = arith.constant 80 : index
        %parallel_loop3A_217 = tpu.vector_load %arg10[%parallel_loop3A_215, %parallel_loop3A_216] {strides = array<i32>} : memref<40x128xf32, #tpu.memory_space<vmem>>, vector<1x16xf32>,
        %parallel_loop3A_218 = vector.shape_cast %parallel_loop3A_217 : vector<1x16xf32> to vector<16xf32>
        %parallel_loop3A_219 = arith.index_cast %parallel_loop3A_129 : i32 to index
        %parallel_loop3A_220 = arith.constant 80 : index
        %parallel_loop3A_221 = tpu.vector_load %arg12[%parallel_loop3A_219, %parallel_loop3A_220] {strides = array<i32>} : memref<40x128xf32, #tpu.memory_space<vmem>>, vector<1x16xf32>,
        %parallel_loop3A_222 = vector.shape_cast %parallel_loop3A_221 : vector<1x16xf32> to vector<16xf32>
        %parallel_loop3A_223 = arith.addf %parallel_loop3A_218, %parallel_loop3A_222 : vector<16xf32>
        %parallel_loop3A_224 = arith.constant 0.000000e+00 : f32
        %parallel_loop3A_225 = vector.broadcast %parallel_loop3A_224 : f32 to vector<16xf32>
        %parallel_loop3A_226 = arith.maximumf %parallel_loop3A_223, %parallel_loop3A_225 : vector<16xf32>
        %parallel_loop3A_227 = arith.index_cast %parallel_loop3A_129 : i32 to index
        %parallel_loop3A_228 = arith.constant 80 : index
        %parallel_loop3A_229 = tpu.vector_load %arg14[%parallel_loop3A_227, %parallel_loop3A_228] {strides = array<i32>} : memref<40x128xf32, #tpu.memory_space<vmem>>, vector<1x16xf32>,
        %parallel_loop3A_230 = vector.shape_cast %parallel_loop3A_229 : vector<1x16xf32> to vector<16xf32>
        %parallel_loop3A_231 = vector.shape_cast %parallel_loop3A_226 : vector<16xf32> to vector<1x16xf32>
        tpu.vector_store %arg14[%parallel_loop3A_227, %parallel_loop3A_228], %parallel_loop3A_231 {strides = array<i32>} : memref<40x128xf32, #tpu.memory_space<vmem>>, vector<1x16xf32>,
        %parallel_loop3A_232 = arith.index_cast %parallel_loop3A_129 : i32 to index
        %parallel_loop3A_233 = arith.constant 96 : index
        %parallel_loop3A_234 = tpu.vector_load %arg10[%parallel_loop3A_232, %parallel_loop3A_233] {strides = array<i32>} : memref<40x128xf32, #tpu.memory_space<vmem>>, vector<1x16xf32>,
        %parallel_loop3A_235 = vector.shape_cast %parallel_loop3A_234 : vector<1x16xf32> to vector<16xf32>
        %parallel_loop3A_236 = arith.index_cast %parallel_loop3A_129 : i32 to index
        %parallel_loop3A_237 = arith.constant 96 : index
        %parallel_loop3A_238 = tpu.vector_load %arg12[%parallel_loop3A_236, %parallel_loop3A_237] {strides = array<i32>} : memref<40x128xf32, #tpu.memory_space<vmem>>, vector<1x16xf32>,
        %parallel_loop3A_239 = vector.shape_cast %parallel_loop3A_238 : vector<1x16xf32> to vector<16xf32>
        %parallel_loop3A_240 = arith.addf %parallel_loop3A_235, %parallel_loop3A_239 : vector<16xf32>
        %parallel_loop3A_241 = arith.constant 0.000000e+00 : f32
        %parallel_loop3A_242 = vector.broadcast %parallel_loop3A_241 : f32 to vector<16xf32>
        %parallel_loop3A_243 = arith.maximumf %parallel_loop3A_240, %parallel_loop3A_242 : vector<16xf32>
        %parallel_loop3A_244 = arith.index_cast %parallel_loop3A_129 : i32 to index
        %parallel_loop3A_245 = arith.constant 96 : index
        %parallel_loop3A_246 = tpu.vector_load %arg14[%parallel_loop3A_244, %parallel_loop3A_245] {strides = array<i32>} : memref<40x128xf32, #tpu.memory_space<vmem>>, vector<1x16xf32>,
        %parallel_loop3A_247 = vector.shape_cast %parallel_loop3A_246 : vector<1x16xf32> to vector<16xf32>
        %parallel_loop3A_248 = vector.shape_cast %parallel_loop3A_243 : vector<16xf32> to vector<1x16xf32>
        tpu.vector_store %arg14[%parallel_loop3A_244, %parallel_loop3A_245], %parallel_loop3A_248 {strides = array<i32>} : memref<40x128xf32, #tpu.memory_space<vmem>>, vector<1x16xf32>,
        %parallel_loop3A_249 = arith.index_cast %parallel_loop3A_129 : i32 to index
        %parallel_loop3A_250 = arith.constant 112 : index
        %parallel_loop3A_251 = tpu.vector_load %arg10[%parallel_loop3A_249, %parallel_loop3A_250] {strides = array<i32>} : memref<40x128xf32, #tpu.memory_space<vmem>>, vector<1x16xf32>,
        %parallel_loop3A_252 = vector.shape_cast %parallel_loop3A_251 : vector<1x16xf32> to vector<16xf32>
        %parallel_loop3A_253 = arith.index_cast %parallel_loop3A_129 : i32 to index
        %parallel_loop3A_254 = arith.constant 112 : index
        %parallel_loop3A_255 = tpu.vector_load %arg12[%parallel_loop3A_253, %parallel_loop3A_254] {strides = array<i32>} : memref<40x128xf32, #tpu.memory_space<vmem>>, vector<1x16xf32>,
        %parallel_loop3A_256 = vector.shape_cast %parallel_loop3A_255 : vector<1x16xf32> to vector<16xf32>
        %parallel_loop3A_257 = arith.addf %parallel_loop3A_252, %parallel_loop3A_256 : vector<16xf32>
        %parallel_loop3A_258 = arith.constant 0.000000e+00 : f32
        %parallel_loop3A_259 = vector.broadcast %parallel_loop3A_258 : f32 to vector<16xf32>
        %parallel_loop3A_260 = arith.maximumf %parallel_loop3A_257, %parallel_loop3A_259 : vector<16xf32>
        %parallel_loop3A_261 = arith.index_cast %parallel_loop3A_129 : i32 to index
        %parallel_loop3A_262 = arith.constant 112 : index
        %parallel_loop3A_263 = tpu.vector_load %arg14[%parallel_loop3A_261, %parallel_loop3A_262] {strides = array<i32>} : memref<40x128xf32, #tpu.memory_space<vmem>>, vector<1x16xf32>,
        %parallel_loop3A_264 = vector.shape_cast %parallel_loop3A_263 : vector<1x16xf32> to vector<16xf32>
        %parallel_loop3A_265 = vector.shape_cast %parallel_loop3A_260 : vector<16xf32> to vector<1x16xf32>
        tpu.vector_store %arg14[%parallel_loop3A_261, %parallel_loop3A_262], %parallel_loop3A_265 {strides = array<i32>} : memref<40x128xf32, #tpu.memory_space<vmem>>, vector<1x16xf32>,
      } {sc.loop_unroll_factor = 4 : i64, sc.parallel_access}
      %mul3A_77 = arith.constant 40 : i32
      %mul3A_78 = arith.muli %add3A_57, %mul3A_77 : i32
      %dma_start3A_79 = tpu.memref_slice %arg9[%mul3A_78] : memref<3200xi32, #tpu.memory_space<vmem>> -> memref<40xi32, #tpu.memory_space<vmem>>
      %dma_start3A_80 = arith.constant 0 : i32
      %dma_start3A_81 = arith.constant 0 : i32
      %dma_start3A_82 = tpu.memref_slice %arg16[%dma_start3A_80, %dma_start3A_81] : memref<10240x128xf32, #tpu.memory_space<vmem_shared>> -> memref<10240x128xf32, #tpu.memory_space<vmem_shared>>
      tpu.enqueue_indirect_dma source(%arg14 : memref<40x128xf32, #tpu.memory_space<vmem>>) target(%dma_start3A_82 : memref<10240x128xf32, #tpu.memory_space<vmem_shared>>) offsets(%dma_start3A_79 : memref<40xi32, #tpu.memory_space<vmem>>) semaphore(%arg21 : memref<!tpu.dma_semaphore, #tpu.memory_space<semaphore_mem>>) {add = true}
      %add3A_83 = arith.constant 2 : i32
      %add3A_84 = arith.addi %add3A_57, %add3A_83 : i32
      %lt3A = arith.constant 80 : i32
      %lt3A_85 = arith.cmpi slt, %add3A_84, %lt3A : i32
      %convert_element_type3A_86 = arith.extui %lt3A_85 : i1 to i32
      %cond3A_87 = arith.constant 0 : i32
      %cond3A_88 = arith.cmpi ne, %convert_element_type3A_86, %cond3A_87 : i32
      scf.if %cond3A_88 {
        %add3A_129 = arith.constant 2 : i32
        %add3A_130 = arith.addi %add3A_57, %add3A_129 : i32
        %mul3A_131 = arith.constant 40 : i32
        %mul3A_132 = arith.muli %add3A_130, %mul3A_131 : i32
        %dma_start3A_133 = tpu.memref_slice %arg8[%mul3A_132] : memref<3200xi32, #tpu.memory_space<vmem>> -> memref<40xi32, #tpu.memory_space<vmem>>
        %dma_start3A_134 = arith.constant 0 : i32
        %dma_start3A_135 = arith.constant 0 : i32
        %dma_start3A_136 = tpu.memref_slice %arg6[%dma_start3A_134, %dma_start3A_135] : memref<10000x128xf32, #tpu.memory_space<hbm>> -> memref<10000x128xf32, #tpu.memory_space<hbm>>
        tpu.enqueue_indirect_dma source(%dma_start3A_136 : memref<10000x128xf32, #tpu.memory_space<hbm>>) target(%arg10 : memref<40x128xf32, #tpu.memory_space<vmem>>) offsets(%dma_start3A_133 : memref<40xi32, #tpu.memory_space<vmem>>) semaphore(%arg17 : memref<!tpu.dma_semaphore, #tpu.memory_space<semaphore_mem>>)
        %mul3A_137 = arith.constant 3200 : i32
        %mul3A_138 = arith.muli %add3A, %mul3A_137 : i32
        %mul3A_139 = arith.constant 40 : i32
        %mul3A_140 = arith.muli %add3A_130, %mul3A_139 : i32
        %add3A_141 = arith.addi %mul3A_138, %mul3A_140 : i32
        %dma_start3A_142 = arith.constant 0 : i32
        %dma_start3A_143 = tpu.memref_slice %arg4[%add3A_141, %dma_start3A_142] : memref<102400x128xf32, #tpu.memory_space<hbm>> -> memref<40x128xf32, #tpu.memory_space<hbm>>
        %dma_start3A_144 = arith.constant 0 : i32
        %dma_start3A_145 = tpu.memref_slice %arg4[%add3A_141, %dma_start3A_144] : memref<102400x128xf32, #tpu.memory_space<hbm>> -> memref<40x128xf32, #tpu.memory_space<hbm>>
        tpu.enqueue_dma source(%dma_start3A_145 : memref<40x128xf32, #tpu.memory_space<hbm>>) target(%arg12 : memref<40x128xf32, #tpu.memory_space<vmem>>) target_semaphore(%arg19 : memref<!tpu.dma_semaphore, #tpu.memory_space<semaphore_mem>>)
      } else {
      }
      %mul3A_89 = arith.constant 2 : i32
      %mul3A_90 = arith.muli %scan3A_53, %mul3A_89 : i32
      %add3A_91 = arith.constant 1 : i32
      %add3A_92 = arith.addi %mul3A_90, %add3A_91 : i32
      %mul3A_93 = arith.constant 40 : i32
      %mul3A_94 = arith.muli %add3A_92, %mul3A_93 : i32
      %dma_wait3A_95 = tpu.memref_slice %arg8[%mul3A_94] : memref<3200xi32, #tpu.memory_space<vmem>> -> memref<40xi32, #tpu.memory_space<vmem>>
      %dma_wait3A_96 = arith.constant 0 : i32
      %dma_wait3A_97 = arith.constant 0 : i32
      %dma_wait3A_98 = tpu.memref_slice %arg6[%dma_wait3A_96, %dma_wait3A_97] : memref<10000x128xf32, #tpu.memory_space<hbm>> -> memref<10000x128xf32, #tpu.memory_space<hbm>>
      tpu.wait_indirect_dma semaphore(%arg18 : memref<!tpu.dma_semaphore, #tpu.memory_space<semaphore_mem>>) src(%dma_wait3A_98 : memref<10000x128xf32, #tpu.memory_space<hbm>>) dst(%arg11 : memref<40x128xf32, #tpu.memory_space<vmem>>)
      %mul3A_99 = arith.constant 3200 : i32
      %mul3A_100 = arith.muli %add3A, %mul3A_99 : i32
      %mul3A_101 = arith.constant 40 : i32
      %mul3A_102 = arith.muli %add3A_92, %mul3A_101 : i32
      %add3A_103 = arith.addi %mul3A_100, %mul3A_102 : i32
      %dma_wait3A_104 = arith.constant 0 : i32
      %dma_wait3A_105 = tpu.memref_slice %arg4[%add3A_103, %dma_wait3A_104] : memref<102400x128xf32, #tpu.memory_space<hbm>> -> memref<40x128xf32, #tpu.memory_space<hbm>>
      %dma_wait3A_106 = arith.constant 0 : i32
      %dma_wait3A_107 = tpu.memref_slice %arg4[%add3A_103, %dma_wait3A_106] : memref<102400x128xf32, #tpu.memory_space<hbm>> -> memref<40x128xf32, #tpu.memory_space<hbm>>
      tpu.wait_dma2 semaphore(%arg20 : memref<!tpu.dma_semaphore, #tpu.memory_space<semaphore_mem>>) src(%dma_wait3A_107 : memref<40x128xf32, #tpu.memory_space<hbm>>) dst(%arg13 : memref<40x128xf32, #tpu.memory_space<vmem>>)
      %gt3A_108 = arith.constant 0 : i32
      %gt3A_109 = arith.cmpi sgt, %scan3A_53, %gt3A_108 : i32
      %convert_element_type3A_110 = arith.extui %gt3A_109 : i1 to i32
      %cond3A_111 = arith.constant 0 : i32
      %cond3A_112 = arith.cmpi ne, %convert_element_type3A_110, %cond3A_111 : i32
      scf.if %cond3A_112 {
        %mul3A_129 = arith.constant 40 : i32
        %mul3A_130 = arith.muli %add3A_92, %mul3A_129 : i32
        %dma_wait3A_131 = tpu.memref_slice %arg9[%mul3A_130] : memref<3200xi32, #tpu.memory_space<vmem>> -> memref<40xi32, #tpu.memory_space<vmem>>
        %dma_wait3A_132 = arith.constant 0 : i32
        %dma_wait3A_133 = arith.constant 0 : i32
        %dma_wait3A_134 = tpu.memref_slice %arg16[%dma_wait3A_132, %dma_wait3A_133] : memref<10240x128xf32, #tpu.memory_space<vmem_shared>> -> memref<10240x128xf32, #tpu.memory_space<vmem_shared>>
        tpu.wait_indirect_dma semaphore(%arg22 : memref<!tpu.dma_semaphore, #tpu.memory_space<semaphore_mem>>) src(%arg15 : memref<40x128xf32, #tpu.memory_space<vmem>>) dst(%dma_wait3A_134 : memref<10240x128xf32, #tpu.memory_space<vmem_shared>>)
      } else {
      }
      %parallel_loop3A_113 = arith.constant 0 : i32
      %parallel_loop3A_114 = arith.constant 40 : i32
      %parallel_loop3A_115 = arith.constant 1 : i32
      scf.for %parallel_loop3A_129 = %parallel_loop3A_113 to %parallel_loop3A_114 step %parallel_loop3A_115  : i32 {
        %parallel_loop3A_130 = arith.index_cast %parallel_loop3A_129 : i32 to index
        %parallel_loop3A_131 = arith.constant 0 : index
        %parallel_loop3A_132 = tpu.vector_load %arg11[%parallel_loop3A_130, %parallel_loop3A_131] {strides = array<i32>} : memref<40x128xf32, #tpu.memory_space<vmem>>, vector<1x16xf32>,
        %parallel_loop3A_133 = vector.shape_cast %parallel_loop3A_132 : vector<1x16xf32> to vector<16xf32>
        %parallel_loop3A_134 = arith.index_cast %parallel_loop3A_129 : i32 to index
        %parallel_loop3A_135 = arith.constant 0 : index
        %parallel_loop3A_136 = tpu.vector_load %arg13[%parallel_loop3A_134, %parallel_loop3A_135] {strides = array<i32>} : memref<40x128xf32, #tpu.memory_space<vmem>>, vector<1x16xf32>,
        %parallel_loop3A_137 = vector.shape_cast %parallel_loop3A_136 : vector<1x16xf32> to vector<16xf32>
        %parallel_loop3A_138 = arith.addf %parallel_loop3A_133, %parallel_loop3A_137 : vector<16xf32>
        %parallel_loop3A_139 = arith.constant 0.000000e+00 : f32
        %parallel_loop3A_140 = vector.broadcast %parallel_loop3A_139 : f32 to vector<16xf32>
        %parallel_loop3A_141 = arith.maximumf %parallel_loop3A_138, %parallel_loop3A_140 : vector<16xf32>
        %parallel_loop3A_142 = arith.index_cast %parallel_loop3A_129 : i32 to index
        %parallel_loop3A_143 = arith.constant 0 : index
        %parallel_loop3A_144 = tpu.vector_load %arg15[%parallel_loop3A_142, %parallel_loop3A_143] {strides = array<i32>} : memref<40x128xf32, #tpu.memory_space<vmem>>, vector<1x16xf32>,
        %parallel_loop3A_145 = vector.shape_cast %parallel_loop3A_144 : vector<1x16xf32> to vector<16xf32>
        %parallel_loop3A_146 = vector.shape_cast %parallel_loop3A_141 : vector<16xf32> to vector<1x16xf32>
        tpu.vector_store %arg15[%parallel_loop3A_142, %parallel_loop3A_143], %parallel_loop3A_146 {strides = array<i32>} : memref<40x128xf32, #tpu.memory_space<vmem>>, vector<1x16xf32>,
        %parallel_loop3A_147 = arith.index_cast %parallel_loop3A_129 : i32 to index
        %parallel_loop3A_148 = arith.constant 16 : index
        %parallel_loop3A_149 = tpu.vector_load %arg11[%parallel_loop3A_147, %parallel_loop3A_148] {strides = array<i32>} : memref<40x128xf32, #tpu.memory_space<vmem>>, vector<1x16xf32>,
        %parallel_loop3A_150 = vector.shape_cast %parallel_loop3A_149 : vector<1x16xf32> to vector<16xf32>
        %parallel_loop3A_151 = arith.index_cast %parallel_loop3A_129 : i32 to index
        %parallel_loop3A_152 = arith.constant 16 : index
        %parallel_loop3A_153 = tpu.vector_load %arg13[%parallel_loop3A_151, %parallel_loop3A_152] {strides = array<i32>} : memref<40x128xf32, #tpu.memory_space<vmem>>, vector<1x16xf32>,
        %parallel_loop3A_154 = vector.shape_cast %parallel_loop3A_153 : vector<1x16xf32> to vector<16xf32>
        %parallel_loop3A_155 = arith.addf %parallel_loop3A_150, %parallel_loop3A_154 : vector<16xf32>
        %parallel_loop3A_156 = arith.constant 0.000000e+00 : f32
        %parallel_loop3A_157 = vector.broadcast %parallel_loop3A_156 : f32 to vector<16xf32>
        %parallel_loop3A_158 = arith.maximumf %parallel_loop3A_155, %parallel_loop3A_157 : vector<16xf32>
        %parallel_loop3A_159 = arith.index_cast %parallel_loop3A_129 : i32 to index
        %parallel_loop3A_160 = arith.constant 16 : index
        %parallel_loop3A_161 = tpu.vector_load %arg15[%parallel_loop3A_159, %parallel_loop3A_160] {strides = array<i32>} : memref<40x128xf32, #tpu.memory_space<vmem>>, vector<1x16xf32>,
        %parallel_loop3A_162 = vector.shape_cast %parallel_loop3A_161 : vector<1x16xf32> to vector<16xf32>
        %parallel_loop3A_163 = vector.shape_cast %parallel_loop3A_158 : vector<16xf32> to vector<1x16xf32>
        tpu.vector_store %arg15[%parallel_loop3A_159, %parallel_loop3A_160], %parallel_loop3A_163 {strides = array<i32>} : memref<40x128xf32, #tpu.memory_space<vmem>>, vector<1x16xf32>,
        %parallel_loop3A_164 = arith.index_cast %parallel_loop3A_129 : i32 to index
        %parallel_loop3A_165 = arith.constant 32 : index
        %parallel_loop3A_166 = tpu.vector_load %arg11[%parallel_loop3A_164, %parallel_loop3A_165] {strides = array<i32>} : memref<40x128xf32, #tpu.memory_space<vmem>>, vector<1x16xf32>,
        %parallel_loop3A_167 = vector.shape_cast %parallel_loop3A_166 : vector<1x16xf32> to vector<16xf32>
        %parallel_loop3A_168 = arith.index_cast %parallel_loop3A_129 : i32 to index
        %parallel_loop3A_169 = arith.constant 32 : index
        %parallel_loop3A_170 = tpu.vector_load %arg13[%parallel_loop3A_168, %parallel_loop3A_169] {strides = array<i32>} : memref<40x128xf32, #tpu.memory_space<vmem>>, vector<1x16xf32>,
        %parallel_loop3A_171 = vector.shape_cast %parallel_loop3A_170 : vector<1x16xf32> to vector<16xf32>
        %parallel_loop3A_172 = arith.addf %parallel_loop3A_167, %parallel_loop3A_171 : vector<16xf32>
        %parallel_loop3A_173 = arith.constant 0.000000e+00 : f32
        %parallel_loop3A_174 = vector.broadcast %parallel_loop3A_173 : f32 to vector<16xf32>
        %parallel_loop3A_175 = arith.maximumf %parallel_loop3A_172, %parallel_loop3A_174 : vector<16xf32>
        %parallel_loop3A_176 = arith.index_cast %parallel_loop3A_129 : i32 to index
        %parallel_loop3A_177 = arith.constant 32 : index
        %parallel_loop3A_178 = tpu.vector_load %arg15[%parallel_loop3A_176, %parallel_loop3A_177] {strides = array<i32>} : memref<40x128xf32, #tpu.memory_space<vmem>>, vector<1x16xf32>,
        %parallel_loop3A_179 = vector.shape_cast %parallel_loop3A_178 : vector<1x16xf32> to vector<16xf32>
        %parallel_loop3A_180 = vector.shape_cast %parallel_loop3A_175 : vector<16xf32> to vector<1x16xf32>
        tpu.vector_store %arg15[%parallel_loop3A_176, %parallel_loop3A_177], %parallel_loop3A_180 {strides = array<i32>} : memref<40x128xf32, #tpu.memory_space<vmem>>, vector<1x16xf32>,
        %parallel_loop3A_181 = arith.index_cast %parallel_loop3A_129 : i32 to index
        %parallel_loop3A_182 = arith.constant 48 : index
        %parallel_loop3A_183 = tpu.vector_load %arg11[%parallel_loop3A_181, %parallel_loop3A_182] {strides = array<i32>} : memref<40x128xf32, #tpu.memory_space<vmem>>, vector<1x16xf32>,
        %parallel_loop3A_184 = vector.shape_cast %parallel_loop3A_183 : vector<1x16xf32> to vector<16xf32>
        %parallel_loop3A_185 = arith.index_cast %parallel_loop3A_129 : i32 to index
        %parallel_loop3A_186 = arith.constant 48 : index
        %parallel_loop3A_187 = tpu.vector_load %arg13[%parallel_loop3A_185, %parallel_loop3A_186] {strides = array<i32>} : memref<40x128xf32, #tpu.memory_space<vmem>>, vector<1x16xf32>,
        %parallel_loop3A_188 = vector.shape_cast %parallel_loop3A_187 : vector<1x16xf32> to vector<16xf32>
        %parallel_loop3A_189 = arith.addf %parallel_loop3A_184, %parallel_loop3A_188 : vector<16xf32>
        %parallel_loop3A_190 = arith.constant 0.000000e+00 : f32
        %parallel_loop3A_191 = vector.broadcast %parallel_loop3A_190 : f32 to vector<16xf32>
        %parallel_loop3A_192 = arith.maximumf %parallel_loop3A_189, %parallel_loop3A_191 : vector<16xf32>
        %parallel_loop3A_193 = arith.index_cast %parallel_loop3A_129 : i32 to index
        %parallel_loop3A_194 = arith.constant 48 : index
        %parallel_loop3A_195 = tpu.vector_load %arg15[%parallel_loop3A_193, %parallel_loop3A_194] {strides = array<i32>} : memref<40x128xf32, #tpu.memory_space<vmem>>, vector<1x16xf32>,
        %parallel_loop3A_196 = vector.shape_cast %parallel_loop3A_195 : vector<1x16xf32> to vector<16xf32>
        %parallel_loop3A_197 = vector.shape_cast %parallel_loop3A_192 : vector<16xf32> to vector<1x16xf32>
        tpu.vector_store %arg15[%parallel_loop3A_193, %parallel_loop3A_194], %parallel_loop3A_197 {strides = array<i32>} : memref<40x128xf32, #tpu.memory_space<vmem>>, vector<1x16xf32>,
        %parallel_loop3A_198 = arith.index_cast %parallel_loop3A_129 : i32 to index
        %parallel_loop3A_199 = arith.constant 64 : index
        %parallel_loop3A_200 = tpu.vector_load %arg11[%parallel_loop3A_198, %parallel_loop3A_199] {strides = array<i32>} : memref<40x128xf32, #tpu.memory_space<vmem>>, vector<1x16xf32>,
        %parallel_loop3A_201 = vector.shape_cast %parallel_loop3A_200 : vector<1x16xf32> to vector<16xf32>
        %parallel_loop3A_202 = arith.index_cast %parallel_loop3A_129 : i32 to index
        %parallel_loop3A_203 = arith.constant 64 : index
        %parallel_loop3A_204 = tpu.vector_load %arg13[%parallel_loop3A_202, %parallel_loop3A_203] {strides = array<i32>} : memref<40x128xf32, #tpu.memory_space<vmem>>, vector<1x16xf32>,
        %parallel_loop3A_205 = vector.shape_cast %parallel_loop3A_204 : vector<1x16xf32> to vector<16xf32>
        %parallel_loop3A_206 = arith.addf %parallel_loop3A_201, %parallel_loop3A_205 : vector<16xf32>
        %parallel_loop3A_207 = arith.constant 0.000000e+00 : f32
        %parallel_loop3A_208 = vector.broadcast %parallel_loop3A_207 : f32 to vector<16xf32>
        %parallel_loop3A_209 = arith.maximumf %parallel_loop3A_206, %parallel_loop3A_208 : vector<16xf32>
        %parallel_loop3A_210 = arith.index_cast %parallel_loop3A_129 : i32 to index
        %parallel_loop3A_211 = arith.constant 64 : index
        %parallel_loop3A_212 = tpu.vector_load %arg15[%parallel_loop3A_210, %parallel_loop3A_211] {strides = array<i32>} : memref<40x128xf32, #tpu.memory_space<vmem>>, vector<1x16xf32>,
        %parallel_loop3A_213 = vector.shape_cast %parallel_loop3A_212 : vector<1x16xf32> to vector<16xf32>
        %parallel_loop3A_214 = vector.shape_cast %parallel_loop3A_209 : vector<16xf32> to vector<1x16xf32>
        tpu.vector_store %arg15[%parallel_loop3A_210, %parallel_loop3A_211], %parallel_loop3A_214 {strides = array<i32>} : memref<40x128xf32, #tpu.memory_space<vmem>>, vector<1x16xf32>,
        %parallel_loop3A_215 = arith.index_cast %parallel_loop3A_129 : i32 to index
        %parallel_loop3A_216 = arith.constant 80 : index
        %parallel_loop3A_217 = tpu.vector_load %arg11[%parallel_loop3A_215, %parallel_loop3A_216] {strides = array<i32>} : memref<40x128xf32, #tpu.memory_space<vmem>>, vector<1x16xf32>,
        %parallel_loop3A_218 = vector.shape_cast %parallel_loop3A_217 : vector<1x16xf32> to vector<16xf32>
        %parallel_loop3A_219 = arith.index_cast %parallel_loop3A_129 : i32 to index
        %parallel_loop3A_220 = arith.constant 80 : index
        %parallel_loop3A_221 = tpu.vector_load %arg13[%parallel_loop3A_219, %parallel_loop3A_220] {strides = array<i32>} : memref<40x128xf32, #tpu.memory_space<vmem>>, vector<1x16xf32>,
        %parallel_loop3A_222 = vector.shape_cast %parallel_loop3A_221 : vector<1x16xf32> to vector<16xf32>
        %parallel_loop3A_223 = arith.addf %parallel_loop3A_218, %parallel_loop3A_222 : vector<16xf32>
        %parallel_loop3A_224 = arith.constant 0.000000e+00 : f32
        %parallel_loop3A_225 = vector.broadcast %parallel_loop3A_224 : f32 to vector<16xf32>
        %parallel_loop3A_226 = arith.maximumf %parallel_loop3A_223, %parallel_loop3A_225 : vector<16xf32>
        %parallel_loop3A_227 = arith.index_cast %parallel_loop3A_129 : i32 to index
        %parallel_loop3A_228 = arith.constant 80 : index
        %parallel_loop3A_229 = tpu.vector_load %arg15[%parallel_loop3A_227, %parallel_loop3A_228] {strides = array<i32>} : memref<40x128xf32, #tpu.memory_space<vmem>>, vector<1x16xf32>,
        %parallel_loop3A_230 = vector.shape_cast %parallel_loop3A_229 : vector<1x16xf32> to vector<16xf32>
        %parallel_loop3A_231 = vector.shape_cast %parallel_loop3A_226 : vector<16xf32> to vector<1x16xf32>
        tpu.vector_store %arg15[%parallel_loop3A_227, %parallel_loop3A_228], %parallel_loop3A_231 {strides = array<i32>} : memref<40x128xf32, #tpu.memory_space<vmem>>, vector<1x16xf32>,
        %parallel_loop3A_232 = arith.index_cast %parallel_loop3A_129 : i32 to index
        %parallel_loop3A_233 = arith.constant 96 : index
        %parallel_loop3A_234 = tpu.vector_load %arg11[%parallel_loop3A_232, %parallel_loop3A_233] {strides = array<i32>} : memref<40x128xf32, #tpu.memory_space<vmem>>, vector<1x16xf32>,
        %parallel_loop3A_235 = vector.shape_cast %parallel_loop3A_234 : vector<1x16xf32> to vector<16xf32>
        %parallel_loop3A_236 = arith.index_cast %parallel_loop3A_129 : i32 to index
        %parallel_loop3A_237 = arith.constant 96 : index
        %parallel_loop3A_238 = tpu.vector_load %arg13[%parallel_loop3A_236, %parallel_loop3A_237] {strides = array<i32>} : memref<40x128xf32, #tpu.memory_space<vmem>>, vector<1x16xf32>,
        %parallel_loop3A_239 = vector.shape_cast %parallel_loop3A_238 : vector<1x16xf32> to vector<16xf32>
        %parallel_loop3A_240 = arith.addf %parallel_loop3A_235, %parallel_loop3A_239 : vector<16xf32>
        %parallel_loop3A_241 = arith.constant 0.000000e+00 : f32
        %parallel_loop3A_242 = vector.broadcast %parallel_loop3A_241 : f32 to vector<16xf32>
        %parallel_loop3A_243 = arith.maximumf %parallel_loop3A_240, %parallel_loop3A_242 : vector<16xf32>
        %parallel_loop3A_244 = arith.index_cast %parallel_loop3A_129 : i32 to index
        %parallel_loop3A_245 = arith.constant 96 : index
        %parallel_loop3A_246 = tpu.vector_load %arg15[%parallel_loop3A_244, %parallel_loop3A_245] {strides = array<i32>} : memref<40x128xf32, #tpu.memory_space<vmem>>, vector<1x16xf32>,
        %parallel_loop3A_247 = vector.shape_cast %parallel_loop3A_246 : vector<1x16xf32> to vector<16xf32>
        %parallel_loop3A_248 = vector.shape_cast %parallel_loop3A_243 : vector<16xf32> to vector<1x16xf32>
        tpu.vector_store %arg15[%parallel_loop3A_244, %parallel_loop3A_245], %parallel_loop3A_248 {strides = array<i32>} : memref<40x128xf32, #tpu.memory_space<vmem>>, vector<1x16xf32>,
        %parallel_loop3A_249 = arith.index_cast %parallel_loop3A_129 : i32 to index
        %parallel_loop3A_250 = arith.constant 112 : index
        %parallel_loop3A_251 = tpu.vector_load %arg11[%parallel_loop3A_249, %parallel_loop3A_250] {strides = array<i32>} : memref<40x128xf32, #tpu.memory_space<vmem>>, vector<1x16xf32>,
        %parallel_loop3A_252 = vector.shape_cast %parallel_loop3A_251 : vector<1x16xf32> to vector<16xf32>
        %parallel_loop3A_253 = arith.index_cast %parallel_loop3A_129 : i32 to index
        %parallel_loop3A_254 = arith.constant 112 : index
        %parallel_loop3A_255 = tpu.vector_load %arg13[%parallel_loop3A_253, %parallel_loop3A_254] {strides = array<i32>} : memref<40x128xf32, #tpu.memory_space<vmem>>, vector<1x16xf32>,
        %parallel_loop3A_256 = vector.shape_cast %parallel_loop3A_255 : vector<1x16xf32> to vector<16xf32>
        %parallel_loop3A_257 = arith.addf %parallel_loop3A_252, %parallel_loop3A_256 : vector<16xf32>
        %parallel_loop3A_258 = arith.constant 0.000000e+00 : f32
        %parallel_loop3A_259 = vector.broadcast %parallel_loop3A_258 : f32 to vector<16xf32>
        %parallel_loop3A_260 = arith.maximumf %parallel_loop3A_257, %parallel_loop3A_259 : vector<16xf32>
        %parallel_loop3A_261 = arith.index_cast %parallel_loop3A_129 : i32 to index
        %parallel_loop3A_262 = arith.constant 112 : index
        %parallel_loop3A_263 = tpu.vector_load %arg15[%parallel_loop3A_261, %parallel_loop3A_262] {strides = array<i32>} : memref<40x128xf32, #tpu.memory_space<vmem>>, vector<1x16xf32>,
        %parallel_loop3A_264 = vector.shape_cast %parallel_loop3A_263 : vector<1x16xf32> to vector<16xf32>
        %parallel_loop3A_265 = vector.shape_cast %parallel_loop3A_260 : vector<16xf32> to vector<1x16xf32>
        tpu.vector_store %arg15[%parallel_loop3A_261, %parallel_loop3A_262], %parallel_loop3A_265 {strides = array<i32>} : memref<40x128xf32, #tpu.memory_space<vmem>>, vector<1x16xf32>,
      } {sc.loop_unroll_factor = 4 : i64, sc.parallel_access}
      %mul3A_116 = arith.constant 40 : i32
      %mul3A_117 = arith.muli %add3A_92, %mul3A_116 : i32
      %dma_start3A_118 = tpu.memref_slice %arg9[%mul3A_117] : memref<3200xi32, #tpu.memory_space<vmem>> -> memref<40xi32, #tpu.memory_space<vmem>>
      %dma_start3A_119 = arith.constant 0 : i32
      %dma_start3A_120 = arith.constant 0 : i32
      %dma_start3A_121 = tpu.memref_slice %arg16[%dma_start3A_119, %dma_start3A_120] : memref<10240x128xf32, #tpu.memory_space<vmem_shared>> -> memref<10240x128xf32, #tpu.memory_space<vmem_shared>>
      tpu.enqueue_indirect_dma source(%arg15 : memref<40x128xf32, #tpu.memory_space<vmem>>) target(%dma_start3A_121 : memref<10240x128xf32, #tpu.memory_space<vmem_shared>>) offsets(%dma_start3A_118 : memref<40xi32, #tpu.memory_space<vmem>>) semaphore(%arg22 : memref<!tpu.dma_semaphore, #tpu.memory_space<semaphore_mem>>) {add = true}
      %add3A_122 = arith.constant 2 : i32
      %add3A_123 = arith.addi %add3A_92, %add3A_122 : i32
      %lt3A_124 = arith.constant 80 : i32
      %lt3A_125 = arith.cmpi slt, %add3A_123, %lt3A_124 : i32
      %convert_element_type3A_126 = arith.extui %lt3A_125 : i1 to i32
      %cond3A_127 = arith.constant 0 : i32
      %cond3A_128 = arith.cmpi ne, %convert_element_type3A_126, %cond3A_127 : i32
      scf.if %cond3A_128 {
        %add3A_129 = arith.constant 2 : i32
        %add3A_130 = arith.addi %add3A_92, %add3A_129 : i32
        %mul3A_131 = arith.constant 40 : i32
        %mul3A_132 = arith.muli %add3A_130, %mul3A_131 : i32
        %dma_start3A_133 = tpu.memref_slice %arg8[%mul3A_132] : memref<3200xi32, #tpu.memory_space<vmem>> -> memref<40xi32, #tpu.memory_space<vmem>>
        %dma_start3A_134 = arith.constant 0 : i32
        %dma_start3A_135 = arith.constant 0 : i32
        %dma_start3A_136 = tpu.memref_slice %arg6[%dma_start3A_134, %dma_start3A_135] : memref<10000x128xf32, #tpu.memory_space<hbm>> -> memref<10000x128xf32, #tpu.memory_space<hbm>>
        tpu.enqueue_indirect_dma source(%dma_start3A_136 : memref<10000x128xf32, #tpu.memory_space<hbm>>) target(%arg11 : memref<40x128xf32, #tpu.memory_space<vmem>>) offsets(%dma_start3A_133 : memref<40xi32, #tpu.memory_space<vmem>>) semaphore(%arg18 : memref<!tpu.dma_semaphore, #tpu.memory_space<semaphore_mem>>)
        %mul3A_137 = arith.constant 3200 : i32
        %mul3A_138 = arith.muli %add3A, %mul3A_137 : i32
        %mul3A_139 = arith.constant 40 : i32
        %mul3A_140 = arith.muli %add3A_130, %mul3A_139 : i32
        %add3A_141 = arith.addi %mul3A_138, %mul3A_140 : i32
        %dma_start3A_142 = arith.constant 0 : i32
        %dma_start3A_143 = tpu.memref_slice %arg4[%add3A_141, %dma_start3A_142] : memref<102400x128xf32, #tpu.memory_space<hbm>> -> memref<40x128xf32, #tpu.memory_space<hbm>>
        %dma_start3A_144 = arith.constant 0 : i32
        %dma_start3A_145 = tpu.memref_slice %arg4[%add3A_141, %dma_start3A_144] : memref<102400x128xf32, #tpu.memory_space<hbm>> -> memref<40x128xf32, #tpu.memory_space<hbm>>
        tpu.enqueue_dma source(%dma_start3A_145 : memref<40x128xf32, #tpu.memory_space<hbm>>) target(%arg13 : memref<40x128xf32, #tpu.memory_space<vmem>>) target_semaphore(%arg20 : memref<!tpu.dma_semaphore, #tpu.memory_space<semaphore_mem>>)
      } else {
      }
    }
    %scan3A_38 = arith.constant 40 : i32
    %dma_wait3A = arith.constant 0 : i32
    %dma_wait3A_39 = tpu.memref_slice %arg9[%dma_wait3A] : memref<3200xi32, #tpu.memory_space<vmem>> -> memref<40xi32, #tpu.memory_space<vmem>>
    %dma_wait3A_40 = arith.constant 0 : i32
    %dma_wait3A_41 = arith.constant 0 : i32
    %dma_wait3A_42 = tpu.memref_slice %arg16[%dma_wait3A_40, %dma_wait3A_41] : memref<10240x128xf32, #tpu.memory_space<vmem_shared>> -> memref<10240x128xf32, #tpu.memory_space<vmem_shared>>
    tpu.wait_indirect_dma semaphore(%arg21 : memref<!tpu.dma_semaphore, #tpu.memory_space<semaphore_mem>>) src(%arg14 : memref<40x128xf32, #tpu.memory_space<vmem>>) dst(%dma_wait3A_42 : memref<10240x128xf32, #tpu.memory_space<vmem_shared>>)
    %dma_wait3A_43 = arith.constant 0 : i32
    %dma_wait3A_44 = tpu.memref_slice %arg9[%dma_wait3A_43] : memref<3200xi32, #tpu.memory_space<vmem>> -> memref<40xi32, #tpu.memory_space<vmem>>
    %dma_wait3A_45 = arith.constant 0 : i32
    %dma_wait3A_46 = arith.constant 0 : i32
    %dma_wait3A_47 = tpu.memref_slice %arg16[%dma_wait3A_45, %dma_wait3A_46] : memref<10240x128xf32, #tpu.memory_space<vmem_shared>> -> memref<10240x128xf32, #tpu.memory_space<vmem_shared>>
    tpu.wait_indirect_dma semaphore(%arg22 : memref<!tpu.dma_semaphore, #tpu.memory_space<semaphore_mem>>) src(%arg15 : memref<40x128xf32, #tpu.memory_space<vmem>>) dst(%dma_wait3A_47 : memref<10240x128xf32, #tpu.memory_space<vmem_shared>>)
    %barrier3A_48 = arith.constant 0 : index
    tpu.barrier barrier_id(%barrier3A_48)
    %mul3A_49 = arith.constant 640 : i32
    %mul3A_50 = arith.muli %arg1, %mul3A_49 : i32
    %mul3A_51 = arith.constant 640 : i32
    %mul3A_52 = arith.muli %arg1, %mul3A_51 : i32
    "tpu.region"() ({
      %run_scoped3A = tpu.sem_alloc : memref<!tpu.dma_semaphore, #tpu.memory_space<semaphore_mem>>
      %dma_start3A_53 = arith.constant 0 : i32
      %dma_start3A_54 = tpu.memref_slice %arg7[%arg0, %mul3A_52, %dma_start3A_53] : memref<2x10240x128xf32, #tpu.memory_space<hbm>> -> memref<1x640x128xf32, #tpu.memory_space<hbm>>
      %dma_start3A_55 = tpu.memref_squeeze %dma_start3A_54 : memref<1x640x128xf32, #tpu.memory_space<hbm>> -> memref<640x128xf32, #tpu.memory_space<hbm>>
      %dma_start3A_56 = arith.constant 0 : i32
      %dma_start3A_57 = tpu.memref_slice %arg16[%mul3A_50, %dma_start3A_56] : memref<10240x128xf32, #tpu.memory_space<vmem_shared>> -> memref<640x128xf32, #tpu.memory_space<vmem_shared>>
      tpu.enqueue_dma source(%dma_start3A_57 : memref<640x128xf32, #tpu.memory_space<vmem_shared>>) target(%dma_start3A_55 : memref<640x128xf32, #tpu.memory_space<hbm>>) target_semaphore(%run_scoped3A : memref<!tpu.dma_semaphore, #tpu.memory_space<semaphore_mem>>)
      %dma_wait3A_58 = arith.constant 0 : i32
      %dma_wait3A_59 = tpu.memref_slice %arg7[%arg0, %mul3A_52, %dma_wait3A_58] : memref<2x10240x128xf32, #tpu.memory_space<hbm>> -> memref<1x640x128xf32, #tpu.memory_space<hbm>>
      %dma_wait3A_60 = tpu.memref_squeeze %dma_wait3A_59 : memref<1x640x128xf32, #tpu.memory_space<hbm>> -> memref<640x128xf32, #tpu.memory_space<hbm>>
      %dma_wait3A_61 = arith.constant 0 : i32
      %dma_wait3A_62 = tpu.memref_slice %arg16[%mul3A_50, %dma_wait3A_61] : memref<10240x128xf32, #tpu.memory_space<vmem_shared>> -> memref<640x128xf32, #tpu.memory_space<vmem_shared>>
      tpu.wait_dma2 semaphore(%run_scoped3A : memref<!tpu.dma_semaphore, #tpu.memory_space<semaphore_mem>>) src(%dma_wait3A_62 : memref<640x128xf32, #tpu.memory_space<vmem_shared>>) dst(%dma_wait3A_60 : memref<640x128xf32, #tpu.memory_space<hbm>>)
      tpu.yield
    }) : () -> ()
    return
  }
}

module attributes {stable_mosaic.version = 14 : i64} {
  func.func @_estats_body(%arg0: i32, %arg1: memref<16x3200xf32, #tpu.memory_space<vmem>>, %arg2: memref<16x32xf32, #tpu.memory_space<vmem>>, %arg3: memref<32x1xf32, #tpu.memory_space<vmem>>, %arg4: memref<32x8xf32, #tpu.memory_space<vmem>>) attributes {dimension_semantics = [#tpu.dimension_semantics<arbitrary>], iteration_bounds = array<i64: 100>, scalar_prefetch = 0 : i64, scratch_operands = 0 : i64, tpu.core_type = #tpu.core_type<tc>, window_params = [{transform_indices = @transform_0, window_bounds = array<i64: 16, 3200>}, {pipeline_mode = #tpu.pipeline_mode<synchronous>, transform_indices = @transform_1, window_bounds = array<i64: 16, 32>}, {pipeline_mode = #tpu.pipeline_mode<synchronous>, transform_indices = @transform_2, window_bounds = array<i64: 32, 1>}, {pipeline_mode = #tpu.pipeline_mode<synchronous>, transform_indices = @transform_3, window_bounds = array<i64: 32, 8>}]} {
    %get3A = arith.constant 0 : index
    %get3A_0 = arith.constant 0 : index
    %get3A_1 = vector.load %arg2[%get3A, %get3A_0] : memref<16x32xf32, #tpu.memory_space<vmem>>, vector<16x32xf32>
    %get3A_2 = arith.constant 0 : index
    %get3A_3 = arith.constant 0 : index
    %get3A_4 = vector.load %arg1[%get3A_2, %get3A_3] : memref<16x3200xf32, #tpu.memory_space<vmem>>, vector<16x3200xf32>
    %dot_general3A = arith.constant dense<0.000000e+00> : vector<32x3200xf32>
    %dot_general3A_5 = tpu.matmul %get3A_1, %get3A_4, %dot_general3A {dimension_numbers = #tpu.dot_dimension_numbers<[0], [0], [1], [1], [0, 1, 1, 1], [], []>, transpose_lhs_hint = false} : vector<16x32xf32>, vector<16x3200xf32>, vector<32x3200xf32> -> vector<32x3200xf32>
    %get3A_6 = arith.constant 0 : index
    %get3A_7 = arith.constant 0 : index
    %get3A_8 = vector.load %arg3[%get3A_6, %get3A_7] : memref<32x1xf32, #tpu.memory_space<vmem>>, vector<32x1xf32>
    %add3A = vector.broadcast %get3A_8 : vector<32x1xf32> to vector<32x3200xf32>
    %add3A_9 = arith.addf %dot_general3A_5, %add3A : vector<32x3200xf32>
    %eq3A = arith.constant 0 : i32
    %eq3A_10 = arith.cmpi eq, %arg0, %eq3A : i32
    %convert_element_type3A = arith.extui %eq3A_10 : i1 to i32
    %cond3A = arith.constant 0 : i32
    %cond3A_11 = arith.cmpi ne, %convert_element_type3A, %cond3A : i32
    scf.if %cond3A_11 {
      %broadcast_in_dim3A_29 = arith.constant 0.000000e+00 : f32
      %broadcast_in_dim3A_30 = vector.broadcast %broadcast_in_dim3A_29 : f32 to vector<32x8xf32>
      %swap3A_31 = arith.constant 0 : index
      %swap3A_32 = arith.constant 0 : index
      %swap3A_33 = vector.load %arg4[%swap3A_31, %swap3A_32] : memref<32x8xf32, #tpu.memory_space<vmem>>, vector<32x8xf32>
      tpu.vector_store %arg4[%swap3A_31, %swap3A_32], %broadcast_in_dim3A_30 {strides = array<i32>} : memref<32x8xf32, #tpu.memory_space<vmem>>, vector<32x8xf32>,
    } else {
    }
    %get3A_12 = arith.constant 0 : index
    %get3A_13 = arith.constant 0 : index
    %get3A_14 = vector.load %arg4[%get3A_12, %get3A_13] : memref<32x8xf32, #tpu.memory_space<vmem>>, vector<32x1xf32>
    %reduce_sum3A = arith.constant dense<0.000000e+00> : vector<32xf32>
    %reduce_sum3A_15 = vector.multi_reduction <add>, %add3A_9, %reduce_sum3A [1] : vector<32x3200xf32> to vector<32xf32>
    %broadcast_in_dim3A = vector.shape_cast %reduce_sum3A_15 : vector<32xf32> to vector<32x1xf32>
    %add3A_16 = arith.addf %get3A_14, %broadcast_in_dim3A : vector<32x1xf32>
    %swap3A = arith.constant 0 : index
    %swap3A_17 = arith.constant 0 : index
    %swap3A_18 = vector.load %arg4[%swap3A, %swap3A_17] : memref<32x8xf32, #tpu.memory_space<vmem>>, vector<32x1xf32>
    tpu.vector_store %arg4[%swap3A, %swap3A_17], %add3A_16 {strides = array<i32>} : memref<32x8xf32, #tpu.memory_space<vmem>>, vector<32x1xf32>,
    %get3A_19 = arith.constant 0 : index
    %get3A_20 = arith.constant 1 : index
    %get3A_21 = vector.load %arg4[%get3A_19, %get3A_20] : memref<32x8xf32, #tpu.memory_space<vmem>>, vector<32x1xf32>
    %mul3A = arith.mulf %add3A_9, %add3A_9 : vector<32x3200xf32>
    %reduce_sum3A_22 = arith.constant dense<0.000000e+00> : vector<32xf32>
    %reduce_sum3A_23 = vector.multi_reduction <add>, %mul3A, %reduce_sum3A_22 [1] : vector<32x3200xf32> to vector<32xf32>
    %broadcast_in_dim3A_24 = vector.shape_cast %reduce_sum3A_23 : vector<32xf32> to vector<32x1xf32>
    %add3A_25 = arith.addf %get3A_21, %broadcast_in_dim3A_24 : vector<32x1xf32>
    %swap3A_26 = arith.constant 0 : index
    %swap3A_27 = arith.constant 1 : index
    %swap3A_28 = vector.load %arg4[%swap3A_26, %swap3A_27] : memref<32x8xf32, #tpu.memory_space<vmem>>, vector<32x1xf32>
    tpu.vector_store %arg4[%swap3A_26, %swap3A_27], %add3A_25 {strides = array<i32>} : memref<32x8xf32, #tpu.memory_space<vmem>>, vector<32x1xf32>,
    return
  }
  func.func @transform_0(%arg0: i32) -> (i32, i32) {
    %c0_i32 = arith.constant 0 : i32
    %c0_i32_0 = arith.constant 0 : i32
    return %c0_i32, %arg0 : i32, i32
  }
  func.func @transform_1(%arg0: i32) -> (i32, i32) {
    %c0_i32 = arith.constant 0 : i32
    %c0_i32_0 = arith.constant 0 : i32
    %c0_i32_1 = arith.constant 0 : i32
    return %c0_i32, %c0_i32_0 : i32, i32
  }
  func.func @transform_2(%arg0: i32) -> (i32, i32) {
    %c0_i32 = arith.constant 0 : i32
    %c0_i32_0 = arith.constant 0 : i32
    %c0_i32_1 = arith.constant 0 : i32
    return %c0_i32, %c0_i32_0 : i32, i32
  }
  func.func @transform_3(%arg0: i32) -> (i32, i32) {
    %c0_i32 = arith.constant 0 : i32
    %c0_i32_0 = arith.constant 0 : i32
    %c0_i32_1 = arith.constant 0 : i32
    return %c0_i32, %c0_i32_0 : i32, i32
  }
}

module attributes {stable_mosaic.version = 14 : i64} {
  func.func @_emlp_body(%arg0: i32, %arg1: memref<16x3200xf32, #tpu.memory_space<vmem>>, %arg2: memref<32x8xf32, #tpu.memory_space<vmem>>, %arg3: memref<16x32xf32, #tpu.memory_space<vmem>>, %arg4: memref<32x1xf32, #tpu.memory_space<vmem>>, %arg5: memref<32x1xf32, #tpu.memory_space<vmem>>, %arg6: memref<32x1xf32, #tpu.memory_space<vmem>>, %arg7: memref<32x128xf32, #tpu.memory_space<vmem>>, %arg8: memref<1x128xf32, #tpu.memory_space<vmem>>, %arg9: memref<3200x128xf32, #tpu.memory_space<vmem>>) attributes {dimension_semantics = [#tpu.dimension_semantics<arbitrary>], iteration_bounds = array<i64: 32>, scalar_prefetch = 0 : i64, scratch_operands = 0 : i64, tpu.core_type = #tpu.core_type<tc>, window_params = [{transform_indices = @transform_0, window_bounds = array<i64: 16, 3200>}, {pipeline_mode = #tpu.pipeline_mode<synchronous>, transform_indices = @transform_1, window_bounds = array<i64: 32, 8>}, {pipeline_mode = #tpu.pipeline_mode<synchronous>, transform_indices = @transform_2, window_bounds = array<i64: 16, 32>}, {pipeline_mode = #tpu.pipeline_mode<synchronous>, transform_indices = @transform_3, window_bounds = array<i64: 32, 1>}, {pipeline_mode = #tpu.pipeline_mode<synchronous>, transform_indices = @transform_4, window_bounds = array<i64: 32, 1>}, {pipeline_mode = #tpu.pipeline_mode<synchronous>, transform_indices = @transform_5, window_bounds = array<i64: 32, 1>}, {pipeline_mode = #tpu.pipeline_mode<synchronous>, transform_indices = @transform_6, window_bounds = array<i64: 32, 128>}, {pipeline_mode = #tpu.pipeline_mode<synchronous>, transform_indices = @transform_7, window_bounds = array<i64: 1, 128>}, {transform_indices = @transform_8, window_bounds = array<i64: 3200, 128>}]} {
    %get3A = arith.constant 0 : index
    %get3A_0 = arith.constant 0 : index
    %get3A_1 = vector.load %arg2[%get3A, %get3A_0] : memref<32x8xf32, #tpu.memory_space<vmem>>, vector<32x1xf32>
    %div3A = arith.constant 3.200000e+05 : f32
    %div3A_2 = vector.broadcast %div3A : f32 to vector<32x1xf32>
    %div3A_3 = arith.divf %get3A_1, %div3A_2 : vector<32x1xf32>
    %get3A_4 = arith.constant 0 : index
    %get3A_5 = arith.constant 1 : index
    %get3A_6 = vector.load %arg2[%get3A_4, %get3A_5] : memref<32x8xf32, #tpu.memory_space<vmem>>, vector<32x1xf32>
    %div3A_7 = arith.constant 3.200000e+05 : f32
    %div3A_8 = vector.broadcast %div3A_7 : f32 to vector<32x1xf32>
    %div3A_9 = arith.divf %get3A_6, %div3A_8 : vector<32x1xf32>
    %mul3A = arith.mulf %div3A_3, %div3A_3 : vector<32x1xf32>
    %sub3A = arith.subf %div3A_9, %mul3A : vector<32x1xf32>
    %get3A_10 = arith.constant 0 : index
    %get3A_11 = arith.constant 0 : index
    %get3A_12 = vector.load %arg5[%get3A_10, %get3A_11] : memref<32x1xf32, #tpu.memory_space<vmem>>, vector<32x1xf32>
    %add3A = arith.constant 9.99999974E-6 : f32
    %add3A_13 = vector.broadcast %add3A : f32 to vector<32x1xf32>
    %add3A_14 = arith.addf %sub3A, %add3A_13 : vector<32x1xf32>
    %rsqrt3A = math.rsqrt %add3A_14 : vector<32x1xf32>
    %mul3A_15 = arith.mulf %get3A_12, %rsqrt3A : vector<32x1xf32>
    %get3A_16 = arith.constant 0 : index
    %get3A_17 = arith.constant 0 : index
    %get3A_18 = vector.load %arg6[%get3A_16, %get3A_17] : memref<32x1xf32, #tpu.memory_space<vmem>>, vector<32x1xf32>
    %mul3A_19 = arith.mulf %div3A_3, %mul3A_15 : vector<32x1xf32>
    %sub3A_20 = arith.subf %get3A_18, %mul3A_19 : vector<32x1xf32>
    %get3A_21 = arith.constant 0 : index
    %get3A_22 = arith.constant 0 : index
    %get3A_23 = vector.load %arg3[%get3A_21, %get3A_22] : memref<16x32xf32, #tpu.memory_space<vmem>>, vector<16x32xf32>
    %get3A_24 = arith.constant 0 : index
    %get3A_25 = arith.constant 0 : index
    %get3A_26 = vector.load %arg1[%get3A_24, %get3A_25] : memref<16x3200xf32, #tpu.memory_space<vmem>>, vector<16x3200xf32>
    %dot_general3A = arith.constant dense<0.000000e+00> : vector<32x3200xf32>
    %dot_general3A_27 = tpu.matmul %get3A_23, %get3A_26, %dot_general3A {dimension_numbers = #tpu.dot_dimension_numbers<[0], [0], [1], [1], [0, 1, 1, 1], [], []>, transpose_lhs_hint = false} : vector<16x32xf32>, vector<16x3200xf32>, vector<32x3200xf32> -> vector<32x3200xf32>
    %get3A_28 = arith.constant 0 : index
    %get3A_29 = arith.constant 0 : index
    %get3A_30 = vector.load %arg4[%get3A_28, %get3A_29] : memref<32x1xf32, #tpu.memory_space<vmem>>, vector<32x1xf32>
    %add3A_31 = vector.broadcast %get3A_30 : vector<32x1xf32> to vector<32x3200xf32>
    %add3A_32 = arith.addf %dot_general3A_27, %add3A_31 : vector<32x3200xf32>
    %mul3A_33 = vector.broadcast %mul3A_15 : vector<32x1xf32> to vector<32x3200xf32>
    %mul3A_34 = arith.mulf %add3A_32, %mul3A_33 : vector<32x3200xf32>
    %add3A_35 = vector.broadcast %sub3A_20 : vector<32x1xf32> to vector<32x3200xf32>
    %add3A_36 = arith.addf %mul3A_34, %add3A_35 : vector<32x3200xf32>
    %max3A = arith.constant 0.000000e+00 : f32
    %max3A_37 = vector.broadcast %max3A : f32 to vector<32x3200xf32>
    %max3A_38 = arith.maximumf %add3A_36, %max3A_37 : vector<32x3200xf32>
    %get3A_39 = arith.constant 0 : index
    %get3A_40 = arith.constant 0 : index
    %get3A_41 = vector.load %arg7[%get3A_39, %get3A_40] : memref<32x128xf32, #tpu.memory_space<vmem>>, vector<32x128xf32>
    %dot_general3A_42 = arith.constant dense<0.000000e+00> : vector<3200x128xf32>
    %dot_general3A_43 = tpu.matmul %max3A_38, %get3A_41, %dot_general3A_42 {dimension_numbers = #tpu.dot_dimension_numbers<[0], [0], [1], [1], [0, 1, 1, 1], [], []>, transpose_lhs_hint = false} : vector<32x3200xf32>, vector<32x128xf32>, vector<3200x128xf32> -> vector<3200x128xf32>
    %get3A_44 = arith.constant 0 : index
    %get3A_45 = arith.constant 0 : index
    %get3A_46 = vector.load %arg8[%get3A_44, %get3A_45] : memref<1x128xf32, #tpu.memory_space<vmem>>, vector<1x128xf32>
    %add3A_47 = vector.broadcast %get3A_46 : vector<1x128xf32> to vector<3200x128xf32>
    %add3A_48 = arith.addf %dot_general3A_43, %add3A_47 : vector<3200x128xf32>
    %swap3A = arith.constant 0 : index
    %swap3A_49 = arith.constant 0 : index
    %swap3A_50 = vector.load %arg9[%swap3A, %swap3A_49] : memref<3200x128xf32, #tpu.memory_space<vmem>>, vector<3200x128xf32>
    tpu.vector_store %arg9[%swap3A, %swap3A_49], %add3A_48 {strides = array<i32>} : memref<3200x128xf32, #tpu.memory_space<vmem>>, vector<3200x128xf32>,
    return
  }
  func.func @transform_0(%arg0: i32) -> (i32, i32) {
    %add3A = arith.constant 0 : i32
    %add3A_0 = arith.addi %arg0, %add3A : i32
    %c0_i32 = arith.constant 0 : i32
    %c0_i32_1 = arith.constant 0 : i32
    return %c0_i32, %add3A_0 : i32, i32
  }
  func.func @transform_1(%arg0: i32) -> (i32, i32) {
    %c0_i32 = arith.constant 0 : i32
    %c0_i32_0 = arith.constant 0 : i32
    %c0_i32_1 = arith.constant 0 : i32
    return %c0_i32, %c0_i32_0 : i32, i32
  }
  func.func @transform_2(%arg0: i32) -> (i32, i32) {
    %c0_i32 = arith.constant 0 : i32
    %c0_i32_0 = arith.constant 0 : i32
    %c0_i32_1 = arith.constant 0 : i32
    return %c0_i32, %c0_i32_0 : i32, i32
  }
  func.func @transform_3(%arg0: i32) -> (i32, i32) {
    %c0_i32 = arith.constant 0 : i32
    %c0_i32_0 = arith.constant 0 : i32
    %c0_i32_1 = arith.constant 0 : i32
    return %c0_i32, %c0_i32_0 : i32, i32
  }
  func.func @transform_4(%arg0: i32) -> (i32, i32) {
    %c0_i32 = arith.constant 0 : i32
    %c0_i32_0 = arith.constant 0 : i32
    %c0_i32_1 = arith.constant 0 : i32
    return %c0_i32, %c0_i32_0 : i32, i32
  }
  func.func @transform_5(%arg0: i32) -> (i32, i32) {
    %c0_i32 = arith.constant 0 : i32
    %c0_i32_0 = arith.constant 0 : i32
    %c0_i32_1 = arith.constant 0 : i32
    return %c0_i32, %c0_i32_0 : i32, i32
  }
  func.func @transform_6(%arg0: i32) -> (i32, i32) {
    %c0_i32 = arith.constant 0 : i32
    %c0_i32_0 = arith.constant 0 : i32
    %c0_i32_1 = arith.constant 0 : i32
    return %c0_i32, %c0_i32_0 : i32, i32
  }
  func.func @transform_7(%arg0: i32) -> (i32, i32) {
    %c0_i32 = arith.constant 0 : i32
    %c0_i32_0 = arith.constant 0 : i32
    %c0_i32_1 = arith.constant 0 : i32
    return %c0_i32, %c0_i32_0 : i32, i32
  }
  func.func @transform_8(%arg0: i32) -> (i32, i32) {
    %c0_i32 = arith.constant 0 : i32
    %c0_i32_0 = arith.constant 0 : i32
    return %arg0, %c0_i32 : i32, i32
  }
}

module attributes {stable_mosaic.version = 14 : i64} {
  func.func @_emlp_body(%arg0: i32, %arg1: memref<16x3200xf32, #tpu.memory_space<vmem>>, %arg2: memref<32x8xf32, #tpu.memory_space<vmem>>, %arg3: memref<16x32xf32, #tpu.memory_space<vmem>>, %arg4: memref<32x1xf32, #tpu.memory_space<vmem>>, %arg5: memref<32x1xf32, #tpu.memory_space<vmem>>, %arg6: memref<32x1xf32, #tpu.memory_space<vmem>>, %arg7: memref<32x128xf32, #tpu.memory_space<vmem>>, %arg8: memref<1x128xf32, #tpu.memory_space<vmem>>, %arg9: memref<3200x128xf32, #tpu.memory_space<vmem>>) attributes {dimension_semantics = [#tpu.dimension_semantics<arbitrary>], iteration_bounds = array<i64: 68>, scalar_prefetch = 0 : i64, scratch_operands = 0 : i64, tpu.core_type = #tpu.core_type<tc>, window_params = [{transform_indices = @transform_0, window_bounds = array<i64: 16, 3200>}, {pipeline_mode = #tpu.pipeline_mode<synchronous>, transform_indices = @transform_1, window_bounds = array<i64: 32, 8>}, {pipeline_mode = #tpu.pipeline_mode<synchronous>, transform_indices = @transform_2, window_bounds = array<i64: 16, 32>}, {pipeline_mode = #tpu.pipeline_mode<synchronous>, transform_indices = @transform_3, window_bounds = array<i64: 32, 1>}, {pipeline_mode = #tpu.pipeline_mode<synchronous>, transform_indices = @transform_4, window_bounds = array<i64: 32, 1>}, {pipeline_mode = #tpu.pipeline_mode<synchronous>, transform_indices = @transform_5, window_bounds = array<i64: 32, 1>}, {pipeline_mode = #tpu.pipeline_mode<synchronous>, transform_indices = @transform_6, window_bounds = array<i64: 32, 128>}, {pipeline_mode = #tpu.pipeline_mode<synchronous>, transform_indices = @transform_7, window_bounds = array<i64: 1, 128>}, {transform_indices = @transform_8, window_bounds = array<i64: 3200, 128>}]} {
    %get3A = arith.constant 0 : index
    %get3A_0 = arith.constant 0 : index
    %get3A_1 = vector.load %arg2[%get3A, %get3A_0] : memref<32x8xf32, #tpu.memory_space<vmem>>, vector<32x1xf32>
    %div3A = arith.constant 3.200000e+05 : f32
    %div3A_2 = vector.broadcast %div3A : f32 to vector<32x1xf32>
    %div3A_3 = arith.divf %get3A_1, %div3A_2 : vector<32x1xf32>
    %get3A_4 = arith.constant 0 : index
    %get3A_5 = arith.constant 1 : index
    %get3A_6 = vector.load %arg2[%get3A_4, %get3A_5] : memref<32x8xf32, #tpu.memory_space<vmem>>, vector<32x1xf32>
    %div3A_7 = arith.constant 3.200000e+05 : f32
    %div3A_8 = vector.broadcast %div3A_7 : f32 to vector<32x1xf32>
    %div3A_9 = arith.divf %get3A_6, %div3A_8 : vector<32x1xf32>
    %mul3A = arith.mulf %div3A_3, %div3A_3 : vector<32x1xf32>
    %sub3A = arith.subf %div3A_9, %mul3A : vector<32x1xf32>
    %get3A_10 = arith.constant 0 : index
    %get3A_11 = arith.constant 0 : index
    %get3A_12 = vector.load %arg5[%get3A_10, %get3A_11] : memref<32x1xf32, #tpu.memory_space<vmem>>, vector<32x1xf32>
    %add3A = arith.constant 9.99999974E-6 : f32
    %add3A_13 = vector.broadcast %add3A : f32 to vector<32x1xf32>
    %add3A_14 = arith.addf %sub3A, %add3A_13 : vector<32x1xf32>
    %rsqrt3A = math.rsqrt %add3A_14 : vector<32x1xf32>
    %mul3A_15 = arith.mulf %get3A_12, %rsqrt3A : vector<32x1xf32>
    %get3A_16 = arith.constant 0 : index
    %get3A_17 = arith.constant 0 : index
    %get3A_18 = vector.load %arg6[%get3A_16, %get3A_17] : memref<32x1xf32, #tpu.memory_space<vmem>>, vector<32x1xf32>
    %mul3A_19 = arith.mulf %div3A_3, %mul3A_15 : vector<32x1xf32>
    %sub3A_20 = arith.subf %get3A_18, %mul3A_19 : vector<32x1xf32>
    %get3A_21 = arith.constant 0 : index
    %get3A_22 = arith.constant 0 : index
    %get3A_23 = vector.load %arg3[%get3A_21, %get3A_22] : memref<16x32xf32, #tpu.memory_space<vmem>>, vector<16x32xf32>
    %get3A_24 = arith.constant 0 : index
    %get3A_25 = arith.constant 0 : index
    %get3A_26 = vector.load %arg1[%get3A_24, %get3A_25] : memref<16x3200xf32, #tpu.memory_space<vmem>>, vector<16x3200xf32>
    %dot_general3A = arith.constant dense<0.000000e+00> : vector<32x3200xf32>
    %dot_general3A_27 = tpu.matmul %get3A_23, %get3A_26, %dot_general3A {dimension_numbers = #tpu.dot_dimension_numbers<[0], [0], [1], [1], [0, 1, 1, 1], [], []>, transpose_lhs_hint = false} : vector<16x32xf32>, vector<16x3200xf32>, vector<32x3200xf32> -> vector<32x3200xf32>
    %get3A_28 = arith.constant 0 : index
    %get3A_29 = arith.constant 0 : index
    %get3A_30 = vector.load %arg4[%get3A_28, %get3A_29] : memref<32x1xf32, #tpu.memory_space<vmem>>, vector<32x1xf32>
    %add3A_31 = vector.broadcast %get3A_30 : vector<32x1xf32> to vector<32x3200xf32>
    %add3A_32 = arith.addf %dot_general3A_27, %add3A_31 : vector<32x3200xf32>
    %mul3A_33 = vector.broadcast %mul3A_15 : vector<32x1xf32> to vector<32x3200xf32>
    %mul3A_34 = arith.mulf %add3A_32, %mul3A_33 : vector<32x3200xf32>
    %add3A_35 = vector.broadcast %sub3A_20 : vector<32x1xf32> to vector<32x3200xf32>
    %add3A_36 = arith.addf %mul3A_34, %add3A_35 : vector<32x3200xf32>
    %max3A = arith.constant 0.000000e+00 : f32
    %max3A_37 = vector.broadcast %max3A : f32 to vector<32x3200xf32>
    %max3A_38 = arith.maximumf %add3A_36, %max3A_37 : vector<32x3200xf32>
    %get3A_39 = arith.constant 0 : index
    %get3A_40 = arith.constant 0 : index
    %get3A_41 = vector.load %arg7[%get3A_39, %get3A_40] : memref<32x128xf32, #tpu.memory_space<vmem>>, vector<32x128xf32>
    %dot_general3A_42 = arith.constant dense<0.000000e+00> : vector<3200x128xf32>
    %dot_general3A_43 = tpu.matmul %max3A_38, %get3A_41, %dot_general3A_42 {dimension_numbers = #tpu.dot_dimension_numbers<[0], [0], [1], [1], [0, 1, 1, 1], [], []>, transpose_lhs_hint = false} : vector<32x3200xf32>, vector<32x128xf32>, vector<3200x128xf32> -> vector<3200x128xf32>
    %get3A_44 = arith.constant 0 : index
    %get3A_45 = arith.constant 0 : index
    %get3A_46 = vector.load %arg8[%get3A_44, %get3A_45] : memref<1x128xf32, #tpu.memory_space<vmem>>, vector<1x128xf32>
    %add3A_47 = vector.broadcast %get3A_46 : vector<1x128xf32> to vector<3200x128xf32>
    %add3A_48 = arith.addf %dot_general3A_43, %add3A_47 : vector<3200x128xf32>
    %swap3A = arith.constant 0 : index
    %swap3A_49 = arith.constant 0 : index
    %swap3A_50 = vector.load %arg9[%swap3A, %swap3A_49] : memref<3200x128xf32, #tpu.memory_space<vmem>>, vector<3200x128xf32>
    tpu.vector_store %arg9[%swap3A, %swap3A_49], %add3A_48 {strides = array<i32>} : memref<3200x128xf32, #tpu.memory_space<vmem>>, vector<3200x128xf32>,
    return
  }
  func.func @transform_0(%arg0: i32) -> (i32, i32) {
    %add3A = arith.constant 32 : i32
    %add3A_0 = arith.addi %arg0, %add3A : i32
    %c0_i32 = arith.constant 0 : i32
    %c0_i32_1 = arith.constant 0 : i32
    return %c0_i32, %add3A_0 : i32, i32
  }
  func.func @transform_1(%arg0: i32) -> (i32, i32) {
    %c0_i32 = arith.constant 0 : i32
    %c0_i32_0 = arith.constant 0 : i32
    %c0_i32_1 = arith.constant 0 : i32
    return %c0_i32, %c0_i32_0 : i32, i32
  }
  func.func @transform_2(%arg0: i32) -> (i32, i32) {
    %c0_i32 = arith.constant 0 : i32
    %c0_i32_0 = arith.constant 0 : i32
    %c0_i32_1 = arith.constant 0 : i32
    return %c0_i32, %c0_i32_0 : i32, i32
  }
  func.func @transform_3(%arg0: i32) -> (i32, i32) {
    %c0_i32 = arith.constant 0 : i32
    %c0_i32_0 = arith.constant 0 : i32
    %c0_i32_1 = arith.constant 0 : i32
    return %c0_i32, %c0_i32_0 : i32, i32
  }
  func.func @transform_4(%arg0: i32) -> (i32, i32) {
    %c0_i32 = arith.constant 0 : i32
    %c0_i32_0 = arith.constant 0 : i32
    %c0_i32_1 = arith.constant 0 : i32
    return %c0_i32, %c0_i32_0 : i32, i32
  }
  func.func @transform_5(%arg0: i32) -> (i32, i32) {
    %c0_i32 = arith.constant 0 : i32
    %c0_i32_0 = arith.constant 0 : i32
    %c0_i32_1 = arith.constant 0 : i32
    return %c0_i32, %c0_i32_0 : i32, i32
  }
  func.func @transform_6(%arg0: i32) -> (i32, i32) {
    %c0_i32 = arith.constant 0 : i32
    %c0_i32_0 = arith.constant 0 : i32
    %c0_i32_1 = arith.constant 0 : i32
    return %c0_i32, %c0_i32_0 : i32, i32
  }
  func.func @transform_7(%arg0: i32) -> (i32, i32) {
    %c0_i32 = arith.constant 0 : i32
    %c0_i32_0 = arith.constant 0 : i32
    %c0_i32_1 = arith.constant 0 : i32
    return %c0_i32, %c0_i32_0 : i32, i32
  }
  func.func @transform_8(%arg0: i32) -> (i32, i32) {
    %c0_i32 = arith.constant 0 : i32
    %c0_i32_0 = arith.constant 0 : i32
    return %arg0, %c0_i32 : i32, i32
  }
}

module attributes {stable_mosaic.version = 14 : i64} {
  func.func @_nmlp_body(%arg0: memref<10000x128xf32, #tpu.memory_space<vmem>>, %arg1: memref<2x10240x128xf32, #tpu.memory_space<vmem>>, %arg2: memref<128x256xf32, #tpu.memory_space<vmem>>, %arg3: memref<1x256xf32, #tpu.memory_space<vmem>>, %arg4: memref<1x256xf32, #tpu.memory_space<vmem>>, %arg5: memref<1x256xf32, #tpu.memory_space<vmem>>, %arg6: memref<256x128xf32, #tpu.memory_space<vmem>>, %arg7: memref<1x128xf32, #tpu.memory_space<vmem>>, %arg8: memref<1x1xf32, #tpu.memory_space<vmem>>, %arg9: memref<10000x128xf32, #tpu.memory_space<vmem>>) attributes {dimension_semantics = [], scalar_prefetch = 0 : i64, scratch_operands = 0 : i64, tpu.core_type = #tpu.core_type<tc>} {
    %get3A = arith.constant 0 : index
    %get3A_0 = arith.constant 0 : index
    %get3A_1 = vector.load %arg8[%get3A, %get3A_0] : memref<1x1xf32, #tpu.memory_space<vmem>>, vector<1x1xf32>
    %get3A_2 = vector.extract %get3A_1[0, 0] : f32 from vector<1x1xf32>
    %add3A = arith.constant 1.000000e+00 : f32
    %add3A_3 = arith.addf %add3A, %get3A_2 : f32
    %get3A_4 = arith.constant 0 : index
    %get3A_5 = arith.constant 0 : index
    %get3A_6 = vector.load %arg0[%get3A_4, %get3A_5] : memref<10000x128xf32, #tpu.memory_space<vmem>>, vector<10000x128xf32>
    %mul3A = vector.broadcast %add3A_3 : f32 to vector<10000x128xf32>
    %mul3A_7 = arith.mulf %mul3A, %get3A_6 : vector<10000x128xf32>
    %get3A_8 = arith.constant 0 : index
    %get3A_9 = arith.constant 0 : index
    %get3A_10 = arith.constant 0 : index
    %get3A_11 = vector.load %arg1[%get3A_8, %get3A_9, %get3A_10] : memref<2x10240x128xf32, #tpu.memory_space<vmem>>, vector<1x10000x128xf32>
    %get3A_12 = vector.shape_cast %get3A_11 : vector<1x10000x128xf32> to vector<10000x128xf32>
    %add3A_13 = arith.addf %mul3A_7, %get3A_12 : vector<10000x128xf32>
    %get3A_14 = arith.constant 1 : index
    %get3A_15 = arith.constant 0 : index
    %get3A_16 = arith.constant 0 : index
    %get3A_17 = vector.load %arg1[%get3A_14, %get3A_15, %get3A_16] : memref<2x10240x128xf32, #tpu.memory_space<vmem>>, vector<1x10000x128xf32>
    %get3A_18 = vector.shape_cast %get3A_17 : vector<1x10000x128xf32> to vector<10000x128xf32>
    %add3A_19 = arith.addf %add3A_13, %get3A_18 : vector<10000x128xf32>
    %get3A_20 = arith.constant 0 : index
    %get3A_21 = arith.constant 0 : index
    %get3A_22 = vector.load %arg2[%get3A_20, %get3A_21] : memref<128x256xf32, #tpu.memory_space<vmem>>, vector<128x256xf32>
    %dot_general3A = arith.constant dense<0.000000e+00> : vector<10000x256xf32>
    %dot_general3A_23 = tpu.matmul %add3A_19, %get3A_22, %dot_general3A {dimension_numbers = #tpu.dot_dimension_numbers<[1], [0], [0], [1], [0, 0, 1, 1], [], []>, transpose_lhs_hint = false} : vector<10000x128xf32>, vector<128x256xf32>, vector<10000x256xf32> -> vector<10000x256xf32>
    %get3A_24 = arith.constant 0 : index
    %get3A_25 = arith.constant 0 : index
    %get3A_26 = vector.load %arg3[%get3A_24, %get3A_25] : memref<1x256xf32, #tpu.memory_space<vmem>>, vector<1x256xf32>
    %add3A_27 = vector.broadcast %get3A_26 : vector<1x256xf32> to vector<10000x256xf32>
    %add3A_28 = arith.addf %dot_general3A_23, %add3A_27 : vector<10000x256xf32>
    %reduce_sum3A = arith.constant dense<0.000000e+00> : vector<256xf32>
    %reduce_sum3A_29 = vector.multi_reduction <add>, %add3A_28, %reduce_sum3A [0] : vector<10000x256xf32> to vector<256xf32>
    %broadcast_in_dim3A = vector.shape_cast %reduce_sum3A_29 : vector<256xf32> to vector<1x256xf32>
    %div3A = arith.constant 1.000000e+04 : f32
    %div3A_30 = vector.broadcast %div3A : f32 to vector<1x256xf32>
    %div3A_31 = arith.divf %broadcast_in_dim3A, %div3A_30 : vector<1x256xf32>
    %sub3A = vector.broadcast %div3A_31 : vector<1x256xf32> to vector<10000x256xf32>
    %sub3A_32 = arith.subf %add3A_28, %sub3A : vector<10000x256xf32>
    %sub3A_33 = vector.broadcast %div3A_31 : vector<1x256xf32> to vector<10000x256xf32>
    %sub3A_34 = arith.subf %add3A_28, %sub3A_33 : vector<10000x256xf32>
    %mul3A_35 = arith.mulf %sub3A_32, %sub3A_34 : vector<10000x256xf32>
    %reduce_sum3A_36 = arith.constant dense<0.000000e+00> : vector<256xf32>
    %reduce_sum3A_37 = vector.multi_reduction <add>, %mul3A_35, %reduce_sum3A_36 [0] : vector<10000x256xf32> to vector<256xf32>
    %broadcast_in_dim3A_38 = vector.shape_cast %reduce_sum3A_37 : vector<256xf32> to vector<1x256xf32>
    %div3A_39 = arith.constant 1.000000e+04 : f32
    %div3A_40 = vector.broadcast %div3A_39 : f32 to vector<1x256xf32>
    %div3A_41 = arith.divf %broadcast_in_dim3A_38, %div3A_40 : vector<1x256xf32>
    %get3A_42 = arith.constant 0 : index
    %get3A_43 = arith.constant 0 : index
    %get3A_44 = vector.load %arg4[%get3A_42, %get3A_43] : memref<1x256xf32, #tpu.memory_space<vmem>>, vector<1x256xf32>
    %sub3A_45 = vector.broadcast %div3A_31 : vector<1x256xf32> to vector<10000x256xf32>
    %sub3A_46 = arith.subf %add3A_28, %sub3A_45 : vector<10000x256xf32>
    %mul3A_47 = vector.broadcast %get3A_44 : vector<1x256xf32> to vector<10000x256xf32>
    %mul3A_48 = arith.mulf %mul3A_47, %sub3A_46 : vector<10000x256xf32>
    %add3A_49 = arith.constant 9.99999974E-6 : f32
    %add3A_50 = vector.broadcast %add3A_49 : f32 to vector<1x256xf32>
    %add3A_51 = arith.addf %div3A_41, %add3A_50 : vector<1x256xf32>
    %rsqrt3A = math.rsqrt %add3A_51 : vector<1x256xf32>
    %mul3A_52 = vector.broadcast %rsqrt3A : vector<1x256xf32> to vector<10000x256xf32>
    %mul3A_53 = arith.mulf %mul3A_48, %mul3A_52 : vector<10000x256xf32>
    %get3A_54 = arith.constant 0 : index
    %get3A_55 = arith.constant 0 : index
    %get3A_56 = vector.load %arg5[%get3A_54, %get3A_55] : memref<1x256xf32, #tpu.memory_space<vmem>>, vector<1x256xf32>
    %add3A_57 = vector.broadcast %get3A_56 : vector<1x256xf32> to vector<10000x256xf32>
    %add3A_58 = arith.addf %mul3A_53, %add3A_57 : vector<10000x256xf32>
    %max3A = arith.constant 0.000000e+00 : f32
    %max3A_59 = vector.broadcast %max3A : f32 to vector<10000x256xf32>
    %max3A_60 = arith.maximumf %add3A_58, %max3A_59 : vector<10000x256xf32>
    %get3A_61 = arith.constant 0 : index
    %get3A_62 = arith.constant 0 : index
    %get3A_63 = vector.load %arg6[%get3A_61, %get3A_62] : memref<256x128xf32, #tpu.memory_space<vmem>>, vector<256x128xf32>
    %dot_general3A_64 = arith.constant dense<0.000000e+00> : vector<10000x128xf32>
    %dot_general3A_65 = tpu.matmul %max3A_60, %get3A_63, %dot_general3A_64 {dimension_numbers = #tpu.dot_dimension_numbers<[1], [0], [0], [1], [0, 0, 1, 1], [], []>, transpose_lhs_hint = false} : vector<10000x256xf32>, vector<256x128xf32>, vector<10000x128xf32> -> vector<10000x128xf32>
    %get3A_66 = arith.constant 0 : index
    %get3A_67 = arith.constant 0 : index
    %get3A_68 = vector.load %arg7[%get3A_66, %get3A_67] : memref<1x128xf32, #tpu.memory_space<vmem>>, vector<1x128xf32>
    %add3A_69 = vector.broadcast %get3A_68 : vector<1x128xf32> to vector<10000x128xf32>
    %add3A_70 = arith.addf %dot_general3A_65, %add3A_69 : vector<10000x128xf32>
    %swap3A = arith.constant 0 : index
    %swap3A_71 = arith.constant 0 : index
    %swap3A_72 = vector.load %arg9[%swap3A, %swap3A_71] : memref<10000x128xf32, #tpu.memory_space<vmem>>, vector<10000x128xf32>
    tpu.vector_store %arg9[%swap3A, %swap3A_71], %add3A_70 {strides = array<i32>} : memref<10000x128xf32, #tpu.memory_space<vmem>>, vector<10000x128xf32>,
    return
  }
}

</mosaic_0001>

<sc_bundles>
// kernel: kernel.11.cloned.1.call-start
scs
__scs_entry_jumppad:
0x0: {  	(pc) =	sbr.rel $0x88, $3  }
0x1: {  	(tag) =	ssettag $0x0;
	lr =	simm.s32 $0x1  }
0x2: {  	[smem:$0x3F91] =	sst lr;
	_ =	strace $0xD0000000  }
0x3: {  	_ = 	snop  }
0x4: {  	_ = 	snop  }
0x5: {  	_ = 	snop  }
0x6: {  	_ = 	snop  }
0x7: {  	_ = 	snop  }
__scs_overlays_trampoline_lowered:
0x8: {  	[smem:$0x3FA0] =	sst s0  }
0x9: {  	[smem:$0x3FA1] =	sst s1  }
0xa: {  	[smem:$0x3FA2] =	sst s2  }
0xb: {  	[smem:$0x3FA3] =	sst s3  }
0xc: {  	[smem:$0x3FA4] =	sst s4  }
0xd: {  	[smem:$0x3FA5] =	sst s5  }
0xe: {  	[smem:$0x3FA6] =	sst s6  }
0xf: {  	[smem:$0x3FA7] =	sst s7  }
0x10: {  	[smem:$0x3FA8] =	sst s8  }
0x11: {  	[smem:$0x3FA9] =	sst s9;
	s0 =	simm.s32 @!p0 $0x0  }
0x12: {  	s1 =	sld [smem:$0x3F8F];
	s0 =	simm.s32 @p0 $0x1  }
0x13: {  	[smem:$0x3FAA] =	sst s0;
	s0 =	simm.s32 @!p1 $0x0  }
0x14: {  	s2 =	sld [smem:$0x3F8E];
	s0 =	simm.s32 @p1 $0x1  }
0x15: {  	[smem:$0x3FAB] =	sst s0;
	s0 =	simm.s32 @!p2 $0x0  }
0x16: {  	s3 =	sld [smem:$0x3FDB];
	s0 =	simm.s32 @p2 $0x1  }
0x17: {  	s4 =	simm.s32 $0x1BF5;
	[smem:$0x3FAD] =	sst s0  }
0x18: {  	s0 =	sld [smem:$0x3F90];
	_ =	swait.ge [sflag:s4], $0x0  }
0x19: {  	s7 =	sld [smem:$0x3F91]  }
0x1a: {  	s8 =	sadd.s32 $0xFFFFE003, lr  }
0x1b: {  	s9 =	sadd.s32 $0xFFFFFEF7, lr;
	s5 =	simm.s32 $0xFFFFFFFF;
	p2 =	slt.u32 s8, $0xFFFFF086  }
0x1c: {  	p1 =	slt.u32 s9, $0xF7A;
	s5 =	simm.s32 @!p2 $0x0  }
0x1d: {  	s5 =	simm.s32 @p1 $0x1;
	p0 =	seq.s32 s7, s2  }
0x1e: {  	s7 =	smul.u32 @!p0 $0xF7A, s2;
	p2 =	seq.s32 @!p0 s5, $0x0  }
0x1f: {  	s9 =	smul.u32 $0xF7A, s1;
	s8 =	simm.s32 @!p0 $0x1BF5;
	p2 =	por !p2, p0  }
0x20: {  	[sflag:s8] =	ssyncset.s32 @!p0 $0xFFFFF086;
	s6 =	sadd.s32 @!p0 s3, s7;
	s7 =	simm.s32 @!p0 $0x108  }
0x21: {  	s3 =	sadd.s32 s3, s9;
	s6 =	sadd.s32 @!p0 $0x88, s6;
	s7 =	simm.s32 @p2 $0x1082  }
0x22: {  	[simem:s7], [sflag:s8] =	dma.local @!p0 [hbm:s6], $0xF7A  }
0x23: {  	s9 =	sor.u32 $0xD0000000, s2;
	s6 =	simm.s32 $0x108;
	_ =	swait.ge @!p0 [sflag:s8], $0x0  }
0x24: {  	s3 =	sadd.s32 $0x88, s3;
	s6 =	simm.s32 @!p1 $0x1082;
	[sflag:s4] =	ssyncset.s32 $0xFFFFF086  }
0x25: {  	[simem:s6], [sflag:s4] =	dma.local [hbm:s3], $0xF7A  }
0x26: {  	[smem:$0x3F91] =	sst s1;
	(tag) =	ssettag s2;
	_ =	strace s9  }
0x27: {  	s1 =	sld [smem:$0x3FA1]  }
0x28: {  	s2 =	sld [smem:$0x3FA2]  }
0x29: {  	s4 =	sld [smem:$0x3FA4]  }
0x2a: {  	p0 =	seq.s32 s5, $0x0;
	s5 =	sld [smem:$0x3FA5]  }
0x2b: {  	s6 =	sld [smem:$0x3FA6]  }
0x2c: {  	s7 =	sld [smem:$0x3FA7]  }
0x2d: {  	s3 =	simm.s32 $0x108;
	s8 =	sld [smem:$0x3FA8]  }
0x2e: {  	s3 =	simm.s32 @!p0 $0x1082;
	s9 =	sld [smem:$0x3FA9]  }
0x2f: {  	lr =	sadd.s32 s0, s3;
	s0 =	sld [smem:$0x3FA0]  }
0x30: {  	s3 =	sld [smem:$0x3FA3]  }
0x31: {  	[smem:$0x3FAC] =	sst s10  }
0x32: {  	s10 =	sld [smem:$0x3FAA];
	_ =	sdelay $0x3  }
0x33: {  	p0 =	seq.s32 s10, $0x1;
	s10 =	sld [smem:$0x3FAC];
	_ =	sdelay $0x3  }
0x34: {  	[smem:$0x3FAC] =	sst s10  }
0x35: {  	s10 =	sld [smem:$0x3FAB];
	_ =	sdelay $0x3  }
0x36: {  	p1 =	seq.s32 s10, $0x1;
	s10 =	sld [smem:$0x3FAC];
	_ =	sdelay $0x3  }
0x37: {  	[smem:$0x3FAC] =	sst s10  }
0x38: {  	s10 =	sld [smem:$0x3FAD]  }
0x39: {  	_ = 	snop;
	(pc) =	sbr.ind lr, $3  }
0x3a: {  	_ = 	snop  }
0x3b: {  	_ = 	snop  }
0x3c: {  	p2 =	seq.s32 s10, $0x1;
	s10 =	sld [smem:$0x3FAC]  }
0x3d: {  	_ =	shalt  }
0x3e: {  	_ =	shalt  }
0x3f: {  	_ =	shalt  }
0x40: {  	_ =	shalt  }
0x41: {  	_ =	shalt  }
0x42: {  	_ =	shalt  }
0x43: {  	_ =	shalt  }
0x44: {  	_ =	shalt  }
0x45: {  	_ =	shalt  }
0x46: {  	_ =	shalt  }
0x47: {  	_ =	shalt  }
0x48: {  	_ =	shalt  }
0x49: {  	_ =	shalt  }
0x4a: {  	_ =	shalt  }
0x4b: {  	_ =	shalt  }
0x4c: {  	_ =	shalt  }
0x4d: {  	_ =	shalt  }
0x4e: {  	_ =	shalt  }
0x4f: {  	_ =	shalt  }
0x50: {  	_ =	shalt  }
0x51: {  	_ =	shalt  }
0x52: {  	_ =	shalt  }
0x53: {  	_ =	shalt  }
0x54: {  	_ =	shalt  }
0x55: {  	_ =	shalt  }
0x56: {  	_ =	shalt  }
0x57: {  	_ =	shalt  }
0x58: {  	_ =	shalt  }
0x59: {  	_ =	shalt  }
0x5a: {  	_ =	shalt  }
0x5b: {  	_ =	shalt  }
0x5c: {  	_ =	shalt  }
0x5d: {  	_ =	shalt  }
0x5e: {  	_ =	shalt  }
0x5f: {  	_ =	shalt  }
0x60: {  	_ =	shalt  }
0x61: {  	_ =	shalt  }
0x62: {  	_ =	shalt  }
0x63: {  	_ =	shalt  }
0x64: {  	_ =	shalt  }
0x65: {  	_ =	shalt  }
0x66: {  	_ =	shalt  }
0x67: {  	_ =	shalt  }
0x68: {  	_ =	shalt  }
0x69: {  	_ =	shalt  }
0x6a: {  	_ =	shalt  }
0x6b: {  	_ =	shalt  }
0x6c: {  	_ =	shalt  }
0x6d: {  	_ =	shalt  }
0x6e: {  	_ =	shalt  }
0x6f: {  	_ =	shalt  }
0x70: {  	_ =	shalt  }
0x71: {  	_ =	shalt  }
0x72: {  	_ =	shalt  }
0x73: {  	_ =	shalt  }
0x74: {  	_ =	shalt  }
0x75: {  	_ =	shalt  }
0x76: {  	_ =	shalt  }
0x77: {  	_ =	shalt  }
0x78: {  	_ =	shalt  }
0x79: {  	_ =	shalt  }
0x7a: {  	_ =	shalt  }
0x7b: {  	_ =	shalt  }
0x7c: {  	_ =	shalt  }
0x7d: {  	_ =	shalt  }
0x7e: {  	_ =	shalt  }
0x7f: {  	_ =	shalt  }
0x80: {  	_ =	shalt  }
0x81: {  	_ =	shalt  }
0x82: {  	_ =	shalt  }
0x83: {  	_ =	shalt  }
0x84: {  	_ =	shalt  }
0x85: {  	_ =	shalt  }
0x86: {  	_ =	shalt  }
0x87: {  	_ =	shalt  }
.Lfunc_end0:
.L_simem_size_0:
called_computation.1_lowered:
.L_overlay_start_0:
0x88: {  	s2 =	sld [smem:$0x3FD9]  }
0x89: {  	s3 =	sld [smem:$0x3FFE];
	_ =	sdelay $0x1  }
0x8a: {  	s1 =	srdreg.scid  }
0x8b: {  	s0 =	sand.u32 $0x1, s1  }
0x8c: {  	s17 =	sshll.u32 s0, $0xA;
	s2 =	sadd.s32 s3, s2  }
0x8d: {  	s2 =	sadd.s32 s2, s17  }
0x8e: {  	[smem:$0x3FB8] =	sst s2  }
0x8f: {  	_ = 	snop  }
0x90: {  	s2 =	sld [smem:$0x3FC9]  }
0x91: {  	s18 =	sld [smem:$0x3FD0];
	(tm) =	ssettm $0x1  }
0x92: {  	s4 =	sld [smem:$0x3FFB];
	_ =	sdelay $0x3  }
0x93: {  	_ =	strace s4  }
0x94: {  	s4 =	sld [smem:$0x3FFC];
	_ =	sdelay $0x3  }
0x95: {  	_ =	strace s4  }
0x96: {  	s4 =	sld [smem:$0x3FFD];
	_ =	sdelay $0x3  }
0x97: {  	_ =	strace s4  }
0x98: {  	_ =	strace $0x8FFFFFFF  }
0x99: {  	s19 =	sld [smem:$0x3FDB];
	_ =	sdelay $0x1  }
0x9a: {  	s5 =	simm.s32 $_scs_section_size  }
0x9b: {  	s6 =	simm.s32 $_size__tile_overlayer_lowered;
	s7 =	simm.s32 $_tile_overlayer_lowered  }
0x9c: {  	s22 =	simm.s32 $0x1BFF;
	s21 =	sshll.u32 s7, $0x1;
	s4 =	sadd.s32 s5, s19  }
0x9d: {  	s8 =	simm.s32 $0x0;
	s20 =	sshll.u32 s6, $0x1;
	s6 =	sadd.s32 s21, s4  }
0x9e: {  	[timem:s8], [sflag:s22] =	dma.local [hbm:s6], s20  }
0x9f: {  	_ =	swait.ge [sflag:s22], s20  }
0xa0: {  	s5 =	ssub.s32 $0x0, s20;
	[sflag:s22] =	ssyncset.done $0x0  }
0xa1: {  	[sflag:s22] =	ssyncadd.s32 s5;
	_ =	sdelay $0x1  }
0xa2: {  	s23 =	simm.s32 $0x1B8B  }
0xa3: {  	_ =	swait.ge [sflag:s23], $0x1  }
0xa4: {  	[sflag:s23] =	ssyncset.done $0x0  }
0xa5: {  	s25 =	simm.s32 $0x1B8E;
	s24 =	sld [smem:$0x3FFE];
	[sflag:s23] =	ssyncadd.s32 $0xFFFFFFFF  }
0xa6: {  	s26 =	simm.s32 $execute0_lowered;
	[smem:$0x3FD2] =	sst s25  }
0xa7: {  	s6 =	sshll.u32 s26, $0x1;
	_ =	strace $0x80000049;
	[dreg:$0x1] =	wrdreg $0xFFFFFFFF  }
0xa8: {  	s28 =	simm.s32 $_size_execute0_lowered;
	s4 =	sadd.s32 s4, s6;
	[dreg:$0x0] =	wrdreg $0x0  }
0xa9: {  	s6 =	sshll.u32 s28, $0x1;
	[dreg:$0x2] =	wrdreg s4  }
0xaa: {  	[dreg:$0x3] =	wrdreg s6  }
0xab: {  	[dreg:$0x4] =	wrdreg $0xC0  }
0xac: {  	_ =	task [dreg:s8], $0x5FFFF  }
0xad: {  	[dreg:$0x1] =	wrdreg $0xFFFFFFFF  }
0xae: {  	[dreg:$0x0] =	wrdreg $0x60  }
0xaf: {  	[dreg:$0x2] =	wrdreg s18  }
0xb0: {  	[dreg:$0x3] =	wrdreg s24  }
0xb1: {  	[dreg:$0x4] =	wrdreg s2  }
0xb2: {  	[dreg:$0x5] =	wrdreg $0xAE000  }
0xb3: {  	[dreg:$0x6] =	wrdreg $0x9  }
0xb4: {  	_ =	task.clear_ibuf [dreg:s8], $0x7FFFF;
	_ =	strace $0x90000049  }
0xb5: {  	s29 =	simm.s32 $0x9;
	_ =	strace $0x8000004B  }
0xb6: {  	_ =	swait.ge [sflag:s29], $0x1  }
0xb7: {  	[sflag:s29] =	ssyncadd.s32 $0xFFFFFFFF  }
0xb8: {  	_ =	strace $0x9000004B  }
0xb9: {  	_ =	sfence  }
0xba: {  	s30 =	sld [smem:$0x0];
	_ =	sdelay $0x2  }
0xbb: {  	s31 =	sshll.u32 s1, $0xD;
	s1 =	sshrl.u32 s1, $0x2  }
0xbc: {  	s3 =	sand.u32 $0x4000, s31;
	s1 =	sadd.s32 s1, s30  }
0xbd: {  	s0 =	sor.u32 s3, s0;
	s1 =	sshll.u32 s1, $0x11  }
0xbe: {  	s0 =	sor.u32 s1, s0  }
0xbf: {  	s0 =	sadd.s32 $0x8F2B, s0  }
0xc0: {  	[sflag:s0] =	ssyncadd.remote.s32 $0x1  }
0xc1: {  	_ =	sfence.sel $0xFFFF  }
0xc2: {  	[dreg:$0x0] =	wrdreg $0xFFFFFFFF;
	(pc) =	sbr.abs _section_cstart, $3  }
0xc3: {  	[dreg:$0x1] =	wrdreg $0xFFFFFFFF  }
0xc4: {  	_ =	task.clear_ibuf [dreg:s8], $0x2FFFF;
	_ =	strace $0x9FFFFFFF  }
0xc5: {  	(tm) =	ssettm $0x7FFFFFFF  }
tec
execute0_lowered:
.L_overlay_start_1:
0x0: {  	(tag) =	ssettag $0x1  }
0x1: {  	s1 =	rddreg [dreg:$0x0]  }
0x2: {  	s0 =	srdreg.scid;
	s7 =	rddreg [dreg:$0x1]  }
0x3: {  	s13 =	stileid.u32;
	s4 =	rddreg [dreg:$0x3];
	s5 =	simm.s32 $0x0  }
0x4: {  	s16 =	simm.s32 $0x7;
	s18 =	simm.s32 $0x28;
	s28 =	simm.s32 $0x4  }
0x5: {  	s29 =	simm.s32 $0x9A00;
	s30 =	simm.s32 $0x5;
	s31 =	simm.s32 $0x6  }
0x6: {  	s0 =	sand.u32 $0x1, s0;
	s2 =	sshll.u32 s13, $0x1;
	s8 =	smul.u32 $0x14000, s13  }
0x7: {  	[smem:$0x7FF] =	sst s5;
	s12 =	smul.u32 $0x50000, s13;
	s24 =	sshll.u32 s13, $0x6  }
0x8: {  	s9 =	sor.u32 s0, s2;
	s2 =	rddreg [dreg:$0x2];
	s6 =	smul.u32 $0x140000, s0  }
0x9: {  	_ =	strace $0x8000004A;
	s0 =	ssub.s32 $0x2, s0;
	s3 =	smul.u32 $0x1A90, s9  }
0xa: {  	s20 =	sshrl.u32 s0, $0x1;
	s21 =	sshrl.u32 s12, $0x2;
	s22 =	smul.u32 $0xD4800, s9  }
0xb: {  	s9 =	smul.u32 $0x1A900, s9;
	s6 =	sadd.s32 s8, s6;
	s0 =	ssub.s32 s0, s20  }
0xc: {  	s15 =	sadd.s32 s21, s4;
	s21 =	simm.s32 $0x4A00;
	s10 =	sshrl.u32 s3, $0x3  }
0xd: {  	s8 =	sshrl.u32 s6, $0x3;
	s6 =	sadd.s32 $0x238600, s7;
	s12 =	sshrl.u32 s22, $0x3  }
0xe: {  	s14 =	smax.u32 s0, $0x1;
	s15 =	sshrl.u32 s15, $0x3;
	s22 =	simm.s32 $0x7200  }
0xf: {  	s11 =	sadd.s32 s10, s7;
	s7 =	sadd.s32 s8, s7;
	s1 =	sadd.s32 s1, s10  }
0x10: {  	s8 =	sor.u32 $0x1C07, s24;
	s9 =	sadd.s32 s6, s9;
	[dreg:$0x6] =	wrdreg s1  }
.Ltmp0:
0x11: {  	s23 =	sadd.s32 $0x1E8600, s7;
	[dreg:$0x8] =	wrdreg s9;
	(pc) =	sbr.rel .LBB2_1-.Ltmp0, $4  }
0x12: {  	s26 =	sadd.s32 s6, s12;
	s25 =	sadd.s32 $0x58A600, s11;
	[dreg:$0x5] =	wrdreg s23  }
0x13: {  	s24 =	simm.s32 $0x3;
	s1 =	sadd.s32 $0x280, s26;
	[dreg:$0x7] =	wrdreg s25  }
0x14: {  	s13 =	sadd.s32 $0x2200, s7;
	s26 =	simm.s32 $0x2;
	[dreg:$0x9] =	wrdreg s1  }
0x15: {  	s23 =	simm.s32 $0x1;
	s25 =	simm.s32 $0x8600;
	s1 =	simm.s32 $0x0  }
.LBB2_8:
0x16: {  	_ =	swait.ge [sflag:s30], $0x1400  }
0x17: {  	[sflag:s30] =	ssyncset.done $0x0  }
0x18: {  	[sflag:s30] =	ssyncadd.s32 $0xFFFFEC00  }
0x19: {  	_ =	swait.ge [sflag:s31], $0x1400  }
0x1a: {  	s1 =	sadd.s32 $0x1, s1;
	[sflag:s31] =	ssyncset.done $0x0  }
0x1b: {  	p0 =	sne.s32 s1, s14;
	[sflag:s31] =	ssyncadd.s32 $0xFFFFEC00  }
.Ltmp1:
0x1c: {  	[bflag:$0x0] =	sbarrier.arrive $0xFFFF;
	(pc) =	sbr.rel @!p0 .LBB2_9-.Ltmp1, $4  }
0x1d: {  	[hbm:s13], [sflag:s8] =	dma.local [spmem:s15], $0x2800  }
0x1e: {  	_ =	swait.ge [sflag:s16], $0x2800  }
0x1f: {  	[sflag:s16] =	ssyncset.done $0x0  }
0x20: {  	[sflag:s16] =	ssyncadd.s32 $0xFFFFD800  }
.LBB2_1:
0x21: {  	s0 =	rddreg [dreg:$0x5]  }
0x22: {  	[spmem:s15], [sflag:s8] =	dma.local [hbm:s0], $0x2800  }
0x23: {  	_ =	swait.ge [sflag:s16], $0x2800  }
0x24: {  	[sflag:s16] =	ssyncset.done $0x0  }
0x25: {  	s10 =	rddreg [dreg:$0x6];
	[sflag:s16] =	ssyncadd.s32 $0xFFFFD800  }
0x26: {  	[tilespmem:s5], [sflag:$0x7] =	stream.linear.gather [hbm4b:s10+s5], $0x1A90, $0x38;
	[tilespmem:$0x1EE00] =	vst v63  }
0x27: {  	_ =	swait.ge [sflag:s16], $0x1A90  }
0x28: {  	[sflag:s16] =	ssyncset.done $0x0  }
0x29: {  	s7 =	simm.s32 $0x1B00;
	s11 =	rddreg [dreg:$0x7];
	[sflag:s16] =	ssyncadd.s32 $0xFFFFE570  }
0x2a: {  	[tilespmem:s7], [sflag:$0x7] =	stream.linear.gather [hbm4b:s11+s5], $0x1A90, $0x38;
	[tilespmem:$0x1EE00] =	vst v63  }
0x2b: {  	_ =	swait.ge [sflag:s16], $0x1A90  }
0x2c: {  	[sflag:s16] =	ssyncset.done $0x0  }
0x2d: {  	[sflag:s16] =	ssyncadd.s32 $0xFFFFE570  }
0x2e: {  	s12 =	simm.s32 $0x3600;
	[bflag:$0x0] =	sbarrier.arrive $0xFFFF  }
0x2f: {  	[tilespmem:s12], [sflag:$0x1] =	stream.indirect.gather [hbm4b:s2+s18], $0x80, s5, s18, $0xb8;
	[tilespmem:$0x1EE00] =	vst v63  }
0x30: {  	s19 =	simm.s32 $0x5E00;
	s17 =	rddreg [dreg:$0x8]  }
0x31: {  	[tilespmem:s19], [sflag:$0x3] =	stream.linear.gather [hbm4b:s17+s5], $0x1400, $0x38;
	[tilespmem:$0x1EE00] =	vst v63  }
0x32: {  	_ = 	snop  }
0x33: {  	[tilespmem:s21], [sflag:$0x2] =	stream.indirect.gather [hbm4b:s2+s18], $0x80, s18, s18, $0xb8;
	[tilespmem:$0x1EE00] =	vst v63  }
0x34: {  	s0 =	simm.s32 $0x0;
	s20 =	rddreg [dreg:$0x9]  }
0x35: {  	[tilespmem:s22], [sflag:$0x4] =	stream.linear.gather [hbm4b:s20+s5], $0x1400, $0x38;
	[tilespmem:$0x1EE00] =	vst v63  }
.LBB2_2:
0x36: {  	_ =	swait.ge [sflag:s23], $0x1400  }
0x37: {  	[sflag:s23] =	ssyncset.done $0x0  }
0x38: {  	[sflag:s23] =	ssyncadd.s32 $0xFFFFEC00  }
0x39: {  	_ =	swait.ge [sflag:s24], $0x1400  }
0x3a: {  	p0 =	seq.s32 s0, $0x0;
	[sflag:s24] =	ssyncset.done $0x0  }
0x3b: {  	s7 =	simm.s32 @!p0 $0x5;
	[sflag:s24] =	ssyncadd.s32 $0xFFFFEC00  }
0x3c: {  	_ =	swait.ge @!p0 [sflag:s7], $0x1400  }
0x3d: {  	[sflag:s7] =	ssyncset.done @!p0 $0x0  }
0x3e: {  	s10 =	simm.s32 $0x3700;
	[sflag:s7] =	ssyncadd.s32 @!p0 $0xFFFFEC00  }
0x3f: {  	s9 =	simm.s32 $0x5F00;
	v0 =	vld [tilespmem:s10+$0x80]  }
0x40: {  	v1 =	vld [tilespmem:s9+$0x80];
	_ =	sdelay $0x4  }
0x41: {  	v2 =	vld [tilespmem:s10+$0xFFFFFF80];
	v0 =	vadd.f32 v1, v0  }
0x42: {  	v1 =	vld [tilespmem:s9+$0xFFFFFF80]  }
0x43: {  	s17 =	simm.s32 $0x8700;
	v3 =	vld [tilespmem:s9+$0xFFFFFF00];
	v0 =	vmax.f32 v0, $0.0e+00  }
0x44: {  	v4 =	vld [tilespmem:s10+$0xFFFFFF00];
	[tilespmem:s17+$0x80] =	vst v0  }
0x45: {  	v0 =	vld [tilespmem:s10+$0x90]  }
0x46: {  	v5 =	vld [tilespmem:s9+$0x90]  }
0x47: {  	v6 =	vld [tilespmem:s10+$0x0];
	v1 =	vadd.f32 v1, v2  }
0x48: {  	v2 =	vld [tilespmem:s9+$0x0]  }
0x49: {  	v3 =	vadd.f32 v3, v4;
	v1 =	vmax.f32 v1, $0.0e+00  }
0x4a: {  	[tilespmem:s17+$0xFFFFFF80] =	vst v1  }
0x4b: {  	v3 =	vmax.f32 v3, $0.0e+00;
	v1 =	vld [tilespmem:s10+$0xFFFFFF90];
	v0 =	vadd.f32 v5, v0  }
0x4c: {  	[tilespmem:s17+$0xFFFFFF00] =	vst v3;
	v4 =	vld [tilespmem:s9+$0xFFFFFF90]  }
0x4d: {  	v3 =	vld [tilespmem:s10+$0xFFFFFF10];
	v2 =	vadd.f32 v2, v6;
	v0 =	vmax.f32 v0, $0.0e+00  }
0x4e: {  	v5 =	vld [tilespmem:s9+$0xFFFFFF10];
	[tilespmem:s17+$0x90] =	vst v0  }
0x4f: {  	v0 =	vmax.f32 v2, $0.0e+00;
	v2 =	vld [tilespmem:s10+$0xA0]  }
0x50: {  	[tilespmem:s17+$0x0] =	vst v0;
	v0 =	vld [tilespmem:s9+$0xA0]  }
0x51: {  	v6 =	vld [tilespmem:s10+$0x10];
	v1 =	vadd.f32 v4, v1  }
0x52: {  	v4 =	vld [tilespmem:s9+$0x10]  }
0x53: {  	v1 =	vmax.f32 v1, $0.0e+00  }
0x54: {  	v3 =	vadd.f32 v5, v3;
	[tilespmem:s17+$0xFFFFFF90] =	vst v1  }
0x55: {  	v1 =	vld [tilespmem:s10+$0xFFFFFFA0];
	v0 =	vadd.f32 v0, v2  }
0x56: {  	v3 =	vmax.f32 v3, $0.0e+00;
	v2 =	vld [tilespmem:s9+$0xFFFFFFA0]  }
0x57: {  	[tilespmem:s17+$0xFFFFFF10] =	vst v3;
	v3 =	vadd.f32 v4, v6;
	v0 =	vmax.f32 v0, $0.0e+00  }
0x58: {  	[tilespmem:s17+$0xA0] =	vst v0  }
0x59: {  	v0 =	vmax.f32 v3, $0.0e+00;
	v3 =	vld [tilespmem:s10+$0xB0]  }
0x5a: {  	[tilespmem:s17+$0x10] =	vst v0;
	v0 =	vld [tilespmem:s9+$0xB0]  }
0x5b: {  	v1 =	vadd.f32 v2, v1;
	v2 =	vld [tilespmem:s10+$0x20]  }
0x5c: {  	v6 =	vld [tilespmem:s9+$0x20]  }
0x5d: {  	v5 =	vld [tilespmem:s9+$0xFFFFFF20];
	v1 =	vmax.f32 v1, $0.0e+00  }
0x5e: {  	v4 =	vld [tilespmem:s10+$0xFFFFFF20];
	[tilespmem:s17+$0xFFFFFFA0] =	vst v1  }
0x5f: {  	v1 =	vld [tilespmem:s10+$0xFFFFFFB0];
	v0 =	vadd.f32 v0, v3  }
0x60: {  	v3 =	vld [tilespmem:s9+$0xFFFFFFB0]  }
0x61: {  	v2 =	vadd.f32 v6, v2;
	v0 =	vmax.f32 v0, $0.0e+00  }
0x62: {  	[tilespmem:s17+$0xB0] =	vst v0  }
0x63: {  	v4 =	vadd.f32 v5, v4;
	v0 =	vmax.f32 v2, $0.0e+00;
	v2 =	vld [tilespmem:s10+$0xC0]  }
0x64: {  	[tilespmem:s17+$0x20] =	vst v0;
	v0 =	vld [tilespmem:s9+$0xC0]  }
0x65: {  	v4 =	vmax.f32 v4, $0.0e+00;
	v1 =	vadd.f32 v3, v1;
	v3 =	vld [tilespmem:s10+$0x30]  }
0x66: {  	[tilespmem:s17+$0xFFFFFF20] =	vst v4;
	v6 =	vld [tilespmem:s9+$0x30]  }
0x67: {  	v4 =	vld [tilespmem:s10+$0xFFFFFF30];
	v1 =	vmax.f32 v1, $0.0e+00  }
0x68: {  	v5 =	vld [tilespmem:s9+$0xFFFFFF30];
	[tilespmem:s17+$0xFFFFFFB0] =	vst v1  }
0x69: {  	v1 =	vld [tilespmem:s10+$0xFFFFFFC0];
	v0 =	vadd.f32 v0, v2  }
0x6a: {  	v2 =	vld [tilespmem:s9+$0xFFFFFFC0]  }
0x6b: {  	s7 =	simm.s32 $0x6100;
	v3 =	vadd.f32 v6, v3;
	v0 =	vmax.f32 v0, $0.0e+00  }
0x6c: {  	v10 =	vld [tilespmem:s7+$0xFFFFFF00];
	[tilespmem:s17+$0xC0] =	vst v0  }
0x6d: {  	v0 =	vmax.f32 v3, $0.0e+00;
	v3 =	vld [tilespmem:s10+$0xD0]  }
0x6e: {  	v4 =	vadd.f32 v5, v4;
	[tilespmem:s17+$0x30] =	vst v0;
	v0 =	vld [tilespmem:s9+$0xD0]  }
0x6f: {  	v1 =	vadd.f32 v2, v1;
	v2 =	vld [tilespmem:s10+$0x40]  }
0x70: {  	s20 =	simm.s32 $0x3900;
	v4 =	vmax.f32 v4, $0.0e+00;
	v6 =	vld [tilespmem:s9+$0x40]  }
0x71: {  	v53 =	vld [tilespmem:s20+$0xFFFFFF00];
	[tilespmem:s17+$0xFFFFFF30] =	vst v4  }
0x72: {  	v4 =	vld [tilespmem:s10+$0xFFFFFF40]  }
0x73: {  	v5 =	vld [tilespmem:s9+$0xFFFFFF40];
	v0 =	vadd.f32 v0, v3  }
0x74: {  	v8 =	vld [tilespmem:s20+$0x80]  }
0x75: {  	v9 =	vld [tilespmem:s7+$0x80];
	v2 =	vadd.f32 v6, v2;
	v0 =	vmax.f32 v0, $0.0e+00  }
0x76: {  	v11 =	vld [tilespmem:s7+$0xFFFFFF80];
	v10 =	vadd.f32 v10, v53;
	[tilespmem:s17+$0xD0] =	vst v0  }
0x77: {  	v0 =	vmax.f32 v2, $0.0e+00;
	v2 =	vld [tilespmem:s10+$0xE0]  }
0x78: {  	s19 =	simm.s32 $0x8900;
	v10 =	vmax.f32 v10, $0.0e+00;
	v4 =	vadd.f32 v5, v4;
	[tilespmem:s17+$0x40] =	vst v0;
	v0 =	vld [tilespmem:s9+$0xE0]  }
0x79: {  	v12 =	vld [tilespmem:s20+$0x0];
	[tilespmem:s19+$0xFFFFFF00] =	vst v10;
	v1 =	vmax.f32 v1, $0.0e+00  }
0x7a: {  	v10 =	vld [tilespmem:s20+$0xFFFFFF10];
	[tilespmem:s17+$0xFFFFFFC0] =	vst v1;
	v4 =	vmax.f32 v4, $0.0e+00  }
0x7b: {  	v1 =	vld [tilespmem:s10+$0xFFFFFFD0];
	[tilespmem:s17+$0xFFFFFF40] =	vst v4  }
0x7c: {  	v4 =	vld [tilespmem:s10+$0xFFFFFF50]  }
0x7d: {  	v5 =	vld [tilespmem:s9+$0xFFFFFF50];
	v0 =	vadd.f32 v0, v2  }
0x7e: {  	v2 =	vld [tilespmem:s20+$0xFFFFFF80]  }
0x7f: {  	v3 =	vld [tilespmem:s9+$0xFFFFFFD0];
	v0 =	vmax.f32 v0, $0.0e+00  }
0x80: {  	v6 =	vld [tilespmem:s10+$0x50];
	[tilespmem:s17+$0xE0] =	vst v0;
	v0 =	vadd.f32 v9, v8  }
0x81: {  	v7 =	vld [tilespmem:s9+$0x50]  }
0x82: {  	v4 =	vadd.f32 v5, v4;
	v5 =	vld [tilespmem:s7+$0x0];
	v0 =	vmax.f32 v0, $0.0e+00  }
0x83: {  	v55 =	vld [tilespmem:s7+$0xFFFFFF10];
	v2 =	vadd.f32 v11, v2;
	[tilespmem:s19+$0x80] =	vst v0  }
0x84: {  	v0 =	vmax.f32 v4, $0.0e+00;
	v4 =	vld [tilespmem:s20+$0x90]  }
0x85: {  	v1 =	vadd.f32 v3, v1;
	[tilespmem:s17+$0xFFFFFF50] =	vst v0;
	v0 =	vmax.f32 v2, $0.0e+00;
	v2 =	vld [tilespmem:s7+$0x90]  }
0x86: {  	v6 =	vadd.f32 v7, v6;
	v8 =	vld [tilespmem:s10+$0xF0]  }
0x87: {  	v1 =	vmax.f32 v1, $0.0e+00;
	v5 =	vadd.f32 v5, v12;
	v52 =	vld [tilespmem:s9+$0xF0];
	[tilespmem:s19+$0xFFFFFF80] =	vst v0  }
0x88: {  	[tilespmem:s17+$0xFFFFFFD0] =	vst v1;
	v6 =	vmax.f32 v6, $0.0e+00;
	v3 =	vld [tilespmem:s20+$0xFFFFFF90]  }
0x89: {  	v1 =	vmax.f32 v5, $0.0e+00;
	[tilespmem:s17+$0x50] =	vst v6;
	v54 =	vld [tilespmem:s7+$0xFFFFFF90]  }
0x8a: {  	v6 =	vld [tilespmem:s9+$0xFFFFFFE0];
	[tilespmem:s19+$0x0] =	vst v1;
	v1 =	vadd.f32 v2, v4  }
0x8b: {  	v58 =	vld [tilespmem:s10+$0x60]  }
0x8c: {  	v59 =	vld [tilespmem:s9+$0x60];
	v1 =	vmax.f32 v1, $0.0e+00  }
0x8d: {  	v0 =	vld [tilespmem:s10+$0xFFFFFF60];
	[tilespmem:s19+$0x90] =	vst v1  }
0x8e: {  	v3 =	vadd.f32 v54, v3;
	v1 =	vld [tilespmem:s20+$0xA0]  }
0x8f: {  	v56 =	vld [tilespmem:s7+$0xA0]  }
0x90: {  	v4 =	vld [tilespmem:s20+$0x10];
	v3 =	vmax.f32 v3, $0.0e+00  }
0x91: {  	[tilespmem:s19+$0xFFFFFF90] =	vst v3;
	v3 =	vld [tilespmem:s7+$0x10]  }
0x92: {  	v10 =	vadd.f32 v55, v10;
	v7 =	vld [tilespmem:s20+$0xFFFFFFA0]  }
0x93: {  	v57 =	vld [tilespmem:s7+$0xFFFFFFA0]  }
0x94: {  	v10 =	vmax.f32 v10, $0.0e+00;
	v5 =	vld [tilespmem:s9+$0xFFFFFF60];
	v1 =	vadd.f32 v56, v1  }
0x95: {  	[tilespmem:s19+$0xFFFFFF10] =	vst v10;
	v2 =	vld [tilespmem:s10+$0xFFFFFFE0]  }
0x96: {  	v3 =	vadd.f32 v3, v4;
	v4 =	vld [tilespmem:s20+$0xFFFFFF20];
	v1 =	vmax.f32 v1, $0.0e+00  }
0x97: {  	[tilespmem:s19+$0xA0] =	vst v1;
	v1 =	vld [tilespmem:s7+$0xFFFFFF20]  }
0x98: {  	v7 =	vadd.f32 v57, v7;
	v3 =	vmax.f32 v3, $0.0e+00;
	v60 =	vld [tilespmem:s20+$0xB0]  }
0x99: {  	v0 =	vadd.f32 v5, v0;
	[tilespmem:s19+$0x10] =	vst v3;
	v3 =	vld [tilespmem:s7+$0xB0]  }
0x9a: {  	v5 =	vmax.f32 v7, $0.0e+00;
	v7 =	vld [tilespmem:s20+$0x20]  }
0x9b: {  	v0 =	vmax.f32 v0, $0.0e+00;
	[tilespmem:s19+$0xFFFFFFA0] =	vst v5;
	v5 =	vld [tilespmem:s7+$0x20]  }
0x9c: {  	[tilespmem:s17+$0xFFFFFF60] =	vst v0;
	v0 =	vld [tilespmem:s7+$0xFFFFFFB0];
	v1 =	vadd.f32 v1, v4  }
0x9d: {  	v4 =	vld [tilespmem:s20+$0xFFFFFFB0]  }
0x9e: {  	v61 =	vld [tilespmem:s10+$0xFFFFFF70];
	v3 =	vadd.f32 v3, v60;
	v1 =	vmax.f32 v1, $0.0e+00  }
0x9f: {  	[tilespmem:s19+$0xFFFFFF20] =	vst v1;
	v1 =	vld [tilespmem:s9+$0xFFFFFF70]  }
0xa0: {  	v5 =	vadd.f32 v5, v7;
	v3 =	vmax.f32 v3, $0.0e+00;
	v7 =	vld [tilespmem:s20+$0xFFFFFF30]  }
0xa1: {  	[tilespmem:s19+$0xB0] =	vst v3;
	v3 =	vld [tilespmem:s7+$0xFFFFFF30]  }
0xa2: {  	v0 =	vadd.f32 v0, v4;
	v4 =	vmax.f32 v5, $0.0e+00;
	v5 =	vld [tilespmem:s20+$0xC0]  }
0xa3: {  	[tilespmem:s19+$0x20] =	vst v4;
	v4 =	vld [tilespmem:s7+$0xC0]  }
0xa4: {  	v2 =	vadd.f32 v6, v2;
	v0 =	vmax.f32 v0, $0.0e+00;
	v6 =	vld [tilespmem:s20+$0x30]  }
0xa5: {  	[tilespmem:s19+$0xFFFFFFB0] =	vst v0;
	v0 =	vld [tilespmem:s7+$0x30]  }
0xa6: {  	v2 =	vmax.f32 v2, $0.0e+00;
	v3 =	vadd.f32 v3, v7;
	v7 =	vld [tilespmem:s20+$0xFFFFFFC0]  }
0xa7: {  	[tilespmem:s17+$0xFFFFFFE0] =	vst v2;
	v2 =	vld [tilespmem:s7+$0xFFFFFFC0]  }
0xa8: {  	v3 =	vmax.f32 v3, $0.0e+00;
	v4 =	vadd.f32 v4, v5;
	v5 =	vld [tilespmem:s10+$0xFFFFFFF0]  }
0xa9: {  	[tilespmem:s19+$0xFFFFFF30] =	vst v3;
	v3 =	vld [tilespmem:s9+$0xFFFFFFF0]  }
0xaa: {  	v0 =	vadd.f32 v0, v6;
	v6 =	vld [tilespmem:s20+$0xFFFFFF40];
	v4 =	vmax.f32 v4, $0.0e+00  }
0xab: {  	[tilespmem:s19+$0xC0] =	vst v4;
	v4 =	vld [tilespmem:s7+$0xFFFFFF40]  }
0xac: {  	v2 =	vadd.f32 v2, v7;
	v0 =	vmax.f32 v0, $0.0e+00;
	v7 =	vld [tilespmem:s20+$0xD0]  }
0xad: {  	[tilespmem:s19+$0x30] =	vst v0;
	v0 =	vld [tilespmem:s7+$0xD0]  }
0xae: {  	v10 =	vadd.f32 v59, v58;
	v2 =	vmax.f32 v2, $0.0e+00;
	v62 =	vld [tilespmem:s20+$0x40]  }
0xaf: {  	[tilespmem:s19+$0xFFFFFFC0] =	vst v2;
	v2 =	vld [tilespmem:s7+$0x40]  }
0xb0: {  	v10 =	vmax.f32 v10, $0.0e+00;
	v63 =	vld [tilespmem:s7+$0xFFFFFFD0];
	v4 =	vadd.f32 v4, v6  }
0xb1: {  	v8 =	vadd.f32 v52, v8;
	[tilespmem:s17+$0x60] =	vst v10;
	v6 =	vld [tilespmem:s20+$0xFFFFFFD0]  }
0xb2: {  	v10 =	vld [tilespmem:s9+$0x70];
	v4 =	vmax.f32 v4, $0.0e+00;
	v0 =	vadd.f32 v0, v7  }
0xb3: {  	v8 =	vmax.f32 v8, $0.0e+00;
	v1 =	vadd.f32 v1, v61;
	v7 =	vld [tilespmem:s10+$0x70];
	[tilespmem:s19+$0xFFFFFF40] =	vst v4  }
0xb4: {  	[tilespmem:s17+$0xF0] =	vst v8;
	v8 =	vadd.f32 v2, v62;
	v2 =	vld [tilespmem:s20+$0xFFFFFF50];
	v0 =	vmax.f32 v0, $0.0e+00  }
0xb5: {  	v1 =	vmax.f32 v1, $0.0e+00;
	v3 =	vadd.f32 v3, v5;
	v4 =	vld [tilespmem:s7+$0xFFFFFF50];
	[tilespmem:s19+$0xD0] =	vst v0  }
0xb6: {  	[tilespmem:s17+$0xFFFFFF70] =	vst v1;
	v0 =	vadd.f32 v63, v6;
	v5 =	vmax.f32 v8, $0.0e+00;
	v1 =	vld [tilespmem:s20+$0xE0]  }
0xb7: {  	v6 =	vmax.f32 v3, $0.0e+00;
	[tilespmem:s19+$0x40] =	vst v5;
	v3 =	vld [tilespmem:s7+$0xE0]  }
0xb8: {  	[tilespmem:s17+$0xFFFFFFF0] =	vst v6;
	v6 =	vmax.f32 v0, $0.0e+00;
	v5 =	vld [tilespmem:s20+$0x50];
	v0 =	vadd.f32 v10, v7  }
0xb9: {  	s11 =	simm.s32 $0x3B00;
	s9 =	simm.s32 $0x6100;
	s10 =	simm.s32 $0x4;
	[tilespmem:s19+$0xFFFFFFD0] =	vst v6;
	v6 =	vld [tilespmem:s7+$0x50]  }
.LBB2_3:
0xba: {  	v7 =	vld [tilespmem:s11+$0x80];
	v2 =	vadd.f32 v4, v2;
	s7 =	sadd.s32 $0x200, s7;
	v0 =	vmax.f32 v0, $0.0e+00  }
0xbb: {  	v4 =	vld [tilespmem:s7+$0x80];
	[tilespmem:s17+$0x70] =	vst v0;
	s17 =	smov.u32 s19  }
0xbc: {  	v0 =	vld [tilespmem:s7+$0xFFFFFF00];
	v2 =	vmax.f32 v2, $0.0e+00;
	v1 =	vadd.f32 v3, v1  }
0xbd: {  	v3 =	vld [tilespmem:s11+$0xFFFFFF80];
	[tilespmem:s19+$0xFFFFFF50] =	vst v2  }
0xbe: {  	v2 =	vld [tilespmem:s7+$0xFFFFFF80];
	v5 =	vadd.f32 v6, v5;
	v1 =	vmax.f32 v1, $0.0e+00  }
0xbf: {  	v6 =	vld [tilespmem:s11+$0x0];
	[tilespmem:s19+$0xE0] =	vst v1  }
0xc0: {  	v1 =	vadd.f32 v4, v7;
	v4 =	vmax.f32 v5, $0.0e+00;
	v5 =	vld [tilespmem:s20+$0xF0]  }
0xc1: {  	[tilespmem:s19+$0x50] =	vst v4;
	v4 =	vld [tilespmem:s9+$0xF0]  }
0xc2: {  	s10 =	sadd.s32 $0x4, s10;
	s19 =	sadd.s32 $0x200, s19;
	v7 =	vld [tilespmem:s7+$0x0];
	v1 =	vmax.f32 v1, $0.0e+00  }
0xc3: {  	p1 =	slt.u32 s10, $0x24;
	v8 =	vld [tilespmem:s11+$0xFFFFFF00];
	v2 =	vadd.f32 v2, v3;
	[tilespmem:s19+$0x80] =	vst v1  }
0xc4: {  	v1 =	vld [tilespmem:s11+$0x90]  }
0xc5: {  	v2 =	vmax.f32 v2, $0.0e+00;
	v3 =	vld [tilespmem:s7+$0x90]  }
0xc6: {  	[tilespmem:s19+$0xFFFFFF80] =	vst v2;
	v2 =	vld [tilespmem:s20+$0xFFFFFF60];
	v4 =	vadd.f32 v4, v5  }
0xc7: {  	v5 =	vld [tilespmem:s11+$0xFFFFFF90];
	v6 =	vadd.f32 v7, v6  }
0xc8: {  	v0 =	vadd.f32 v0, v8;
	v7 =	vld [tilespmem:s7+$0xFFFFFF90];
	v4 =	vmax.f32 v4, $0.0e+00  }
0xc9: {  	v6 =	vmax.f32 v6, $0.0e+00;
	v8 =	vld [tilespmem:s9+$0xFFFFFF60];
	[tilespmem:s17+$0xF0] =	vst v4  }
0xca: {  	v0 =	vmax.f32 v0, $0.0e+00;
	[tilespmem:s19+$0x0] =	vst v6;
	v1 =	vadd.f32 v3, v1;
	v3 =	vld [tilespmem:s20+$0xFFFFFFE0]  }
0xcb: {  	[tilespmem:s19+$0xFFFFFF00] =	vst v0;
	v0 =	vld [tilespmem:s11+$0x10]  }
0xcc: {  	v4 =	vld [tilespmem:s11+$0xFFFFFF10];
	v1 =	vmax.f32 v1, $0.0e+00  }
0xcd: {  	v6 =	vld [tilespmem:s7+$0xFFFFFF10];
	v5 =	vadd.f32 v7, v5;
	[tilespmem:s19+$0x90] =	vst v1  }
0xce: {  	v1 =	vld [tilespmem:s11+$0xA0];
	v2 =	vadd.f32 v8, v2  }
0xcf: {  	v5 =	vmax.f32 v5, $0.0e+00;
	v7 =	vld [tilespmem:s7+$0xA0]  }
0xd0: {  	[tilespmem:s19+$0xFFFFFF90] =	vst v5;
	v5 =	vld [tilespmem:s7+$0x10];
	v2 =	vmax.f32 v2, $0.0e+00  }
0xd1: {  	v8 =	vld [tilespmem:s11+$0xFFFFFFA0];
	[tilespmem:s17+$0xFFFFFF60] =	vst v2  }
0xd2: {  	v2 =	vadd.f32 v6, v4;
	v4 =	vld [tilespmem:s7+$0xFFFFFFA0]  }
0xd3: {  	v6 =	vld [tilespmem:s9+$0xFFFFFFE0]  }
0xd4: {  	v2 =	vmax.f32 v2, $0.0e+00;
	v1 =	vadd.f32 v7, v1;
	v7 =	vld [tilespmem:s20+$0x60]  }
0xd5: {  	[tilespmem:s19+$0xFFFFFF10] =	vst v2;
	v0 =	vadd.f32 v5, v0;
	v2 =	vld [tilespmem:s9+$0x60]  }
0xd6: {  	v5 =	vld [tilespmem:s11+$0xFFFFFF20];
	v1 =	vmax.f32 v1, $0.0e+00  }
0xd7: {  	v9 =	vld [tilespmem:s7+$0xFFFFFF20];
	v4 =	vadd.f32 v4, v8;
	v0 =	vmax.f32 v0, $0.0e+00;
	[tilespmem:s19+$0xA0] =	vst v1  }
0xd8: {  	[tilespmem:s19+$0x10] =	vst v0;
	v0 =	vld [tilespmem:s11+$0xB0];
	v1 =	vadd.f32 v6, v3  }
0xd9: {  	v3 =	vmax.f32 v4, $0.0e+00;
	v4 =	vld [tilespmem:s7+$0xB0]  }
0xda: {  	[tilespmem:s19+$0xFFFFFFA0] =	vst v3;
	v3 =	vld [tilespmem:s11+$0x20];
	v1 =	vmax.f32 v1, $0.0e+00;
	v2 =	vadd.f32 v2, v7  }
0xdb: {  	v6 =	vld [tilespmem:s7+$0x20];
	[tilespmem:s17+$0xFFFFFFE0] =	vst v1  }
0xdc: {  	v1 =	vadd.f32 v9, v5;
	v5 =	vld [tilespmem:s11+$0xFFFFFFB0];
	v2 =	vmax.f32 v2, $0.0e+00  }
0xdd: {  	v7 =	vld [tilespmem:s7+$0xFFFFFFB0];
	[tilespmem:s17+$0x60] =	vst v2  }
0xde: {  	v1 =	vmax.f32 v1, $0.0e+00;
	v0 =	vadd.f32 v4, v0;
	v2 =	vld [tilespmem:s20+$0xFFFFFF70]  }
0xdf: {  	[tilespmem:s19+$0xFFFFFF20] =	vst v1;
	v1 =	vld [tilespmem:s9+$0xFFFFFF70]  }
0xe0: {  	v4 =	vld [tilespmem:s11+$0xFFFFFF30];
	v3 =	vadd.f32 v6, v3;
	v0 =	vmax.f32 v0, $0.0e+00  }
0xe1: {  	v6 =	vld [tilespmem:s7+$0xFFFFFF30];
	[tilespmem:s19+$0xB0] =	vst v0  }
0xe2: {  	v0 =	vadd.f32 v7, v5;
	v3 =	vmax.f32 v3, $0.0e+00;
	v5 =	vld [tilespmem:s11+$0xC0]  }
0xe3: {  	[tilespmem:s19+$0x20] =	vst v3;
	v3 =	vld [tilespmem:s7+$0xC0]  }
0xe4: {  	v0 =	vmax.f32 v0, $0.0e+00;
	v7 =	vld [tilespmem:s11+$0x30];
	v1 =	vadd.f32 v1, v2  }
0xe5: {  	[tilespmem:s19+$0xFFFFFFB0] =	vst v0;
	v0 =	vld [tilespmem:s7+$0x30]  }
0xe6: {  	v2 =	vadd.f32 v6, v4;
	v4 =	vld [tilespmem:s11+$0xFFFFFFC0];
	v1 =	vmax.f32 v1, $0.0e+00  }
0xe7: {  	v6 =	vld [tilespmem:s7+$0xFFFFFFC0];
	[tilespmem:s17+$0xFFFFFF70] =	vst v1  }
0xe8: {  	v1 =	vmax.f32 v2, $0.0e+00;
	v2 =	vadd.f32 v3, v5;
	v3 =	vld [tilespmem:s20+$0xFFFFFFF0]  }
0xe9: {  	[tilespmem:s19+$0xFFFFFF30] =	vst v1;
	v1 =	vld [tilespmem:s9+$0xFFFFFFF0]  }
0xea: {  	v5 =	vld [tilespmem:s11+$0xFFFFFF40];
	v0 =	vadd.f32 v0, v7;
	v2 =	vmax.f32 v2, $0.0e+00  }
0xeb: {  	v7 =	vld [tilespmem:s7+$0xFFFFFF40];
	[tilespmem:s19+$0xC0] =	vst v2  }
0xec: {  	v2 =	vadd.f32 v6, v4;
	v0 =	vmax.f32 v0, $0.0e+00;
	v4 =	vld [tilespmem:s11+$0xD0]  }
0xed: {  	[tilespmem:s19+$0x30] =	vst v0;
	v0 =	vld [tilespmem:s7+$0xD0]  }
0xee: {  	v2 =	vmax.f32 v2, $0.0e+00;
	v6 =	vld [tilespmem:s11+$0x40];
	v1 =	vadd.f32 v1, v3  }
0xef: {  	[tilespmem:s19+$0xFFFFFFC0] =	vst v2;
	v3 =	vld [tilespmem:s7+$0x40]  }
0xf0: {  	v2 =	vadd.f32 v7, v5;
	v5 =	vld [tilespmem:s11+$0xFFFFFFD0];
	v1 =	vmax.f32 v1, $0.0e+00  }
0xf1: {  	v7 =	vld [tilespmem:s7+$0xFFFFFFD0];
	[tilespmem:s17+$0xFFFFFFF0] =	vst v1  }
0xf2: {  	v1 =	vmax.f32 v2, $0.0e+00;
	v0 =	vadd.f32 v0, v4;
	v8 =	vld [tilespmem:s20+$0x70];
	s20 =	smov.u32 s11  }
0xf3: {  	[tilespmem:s19+$0xFFFFFF40] =	vst v1;
	v9 =	vld [tilespmem:s9+$0x70];
	s9 =	smov.u32 s7  }
0xf4: {  	v2 =	vld [tilespmem:s11+$0xFFFFFF50];
	v1 =	vadd.f32 v3, v6;
	v0 =	vmax.f32 v0, $0.0e+00  }
.Ltmp2:
0xf5: {  	v4 =	vld [tilespmem:s7+$0xFFFFFF50];
	[tilespmem:s19+$0xD0] =	vst v0;
	(pc) =	sbr.rel @p1 .LBB2_3-.Ltmp2, $4  }
0xf6: {  	v0 =	vadd.f32 v7, v5;
	v3 =	vmax.f32 v1, $0.0e+00;
	v1 =	vld [tilespmem:s11+$0xE0]  }
0xf7: {  	[tilespmem:s19+$0x40] =	vst v3;
	v3 =	vld [tilespmem:s7+$0xE0]  }
0xf8: {  	v6 =	vmax.f32 v0, $0.0e+00;
	v5 =	vld [tilespmem:s11+$0x50];
	v0 =	vadd.f32 v9, v8  }
0xf9: {  	s11 =	sadd.s32 $0x200, s11;
	[tilespmem:s19+$0xFFFFFFD0] =	vst v6;
	v6 =	vld [tilespmem:s7+$0x50]  }
0xfa: {  	v2 =	vadd.f32 v4, v2;
	_ =	sdelay $0x1  }
0xfb: {  	v2 =	vmax.f32 v2, $0.0e+00  }
0xfc: {  	[tilespmem:s19+$0xFFFFFF50] =	vst v2  }
0xfd: {  	v2 =	vadd.f32 v6, v5;
	v4 =	vld [tilespmem:s20+$0xFFFFFF60]  }
0xfe: {  	v5 =	vld [tilespmem:s9+$0xFFFFFF60]  }
0xff: {  	v6 =	vld [tilespmem:s20+$0xFFFFFFE0];
	v2 =	vmax.f32 v2, $0.0e+00  }
0x100: {  	[tilespmem:s19+$0x50] =	vst v2;
	v2 =	vld [tilespmem:s9+$0xFFFFFFE0]  }
0x101: {  	v1 =	vadd.f32 v3, v1;
	v3 =	vld [tilespmem:s20+$0x60]  }
0x102: {  	v7 =	vld [tilespmem:s9+$0x60]  }
0x103: {  	v1 =	vmax.f32 v1, $0.0e+00;
	v4 =	vadd.f32 v5, v4  }
0x104: {  	[tilespmem:s19+$0xE0] =	vst v1  }
0x105: {  	v1 =	vld [tilespmem:s20+$0xF0];
	v4 =	vmax.f32 v4, $0.0e+00;
	v2 =	vadd.f32 v2, v6  }
0x106: {  	v5 =	vld [tilespmem:s9+$0xF0];
	[tilespmem:s19+$0xFFFFFF60] =	vst v4  }
0x107: {  	v3 =	vadd.f32 v7, v3;
	v4 =	vld [tilespmem:s20+$0xFFFFFF70];
	v2 =	vmax.f32 v2, $0.0e+00  }
0x108: {  	[tilespmem:s19+$0xFFFFFFE0] =	vst v2;
	v2 =	vld [tilespmem:s9+$0xFFFFFF70]  }
0x109: {  	v3 =	vmax.f32 v3, $0.0e+00;
	v6 =	vld [tilespmem:s20+$0xFFFFFFF0]  }
0x10a: {  	[tilespmem:s19+$0x60] =	vst v3;
	v3 =	vld [tilespmem:s9+$0xFFFFFFF0]  }
0x10b: {  	v7 =	vld [tilespmem:s20+$0x70]  }
0x10c: {  	v8 =	vld [tilespmem:s9+$0x70];
	_ =	sdelay $0x1  }
0x10d: {  	v1 =	vadd.f32 v5, v1  }
0x10e: {  	v0 =	vmax.f32 v0, $0.0e+00;
	v2 =	vadd.f32 v2, v4  }
0x10f: {  	[tilespmem:s17+$0x70] =	vst v0;
	v0 =	vmax.f32 v1, $0.0e+00;
	v1 =	vadd.f32 v3, v6  }
0x110: {  	s7 =	smul.u32 $0x140, s0;
	[tilespmem:s19+$0xF0] =	vst v0;
	v0 =	vmax.f32 v2, $0.0e+00;
	v2 =	vadd.f32 v8, v7  }
0x111: {  	[tilespmem:s19+$0xFFFFFF70] =	vst v0;
	v0 =	vmax.f32 v1, $0.0e+00  }
0x112: {  	p1 =	seq.s32 s0, $0x54;
	s17 =	sshra.s32 s7, $0x2;
	[tilespmem:s19+$0xFFFFFFF0] =	vst v0;
	v0 =	vmax.f32 v2, $0.0e+00  }
0x113: {  	s7 =	sadd.s32 $0x1B00, s17;
	s9 =	smul.u32 @!p1 $0x50, s0;
	[tilespmem:s19+$0x70] =	vst v0  }
0x114: {  	[spmem:s4] =	stream.indirect.scatter.add.f32 [tilespmem:s25], [sflag:$0x5], $0x80, s7, s18, $0xb8;
	[tilespmem:$0x1EE00] =	vst v63  }
0x115: {  	s10 =	simm.s32 @!p1 $0x3600;
	s7 =	sadd.s32 @!p1 $0x50, s9;
	s9 =	simm.s32 @!p1 $0x28  }
0x116: {  	[tilespmem:s10], [sflag:$0x1] =	stream.indirect.gather @!p1 [hbm4b:s2+s9], $0x80, s7, s9, $0xb8;
	[tilespmem:$0x1EE00] =	vst v63  }
0x117: {  	s7 =	sadd.s32 @!p1 s3, s7  }
0x118: {  	s7 =	sshll.u32 @!p1 s7, $0x4  }
0x119: {  	s9 =	simm.s32 @!p1 $0x0;
	s10 =	simm.s32 @!p1 $0x5E00;
	s7 =	sadd.s32 @!p1 s6, s7  }
0x11a: {  	[tilespmem:s10], [sflag:$0x3] =	stream.linear.gather @!p1 [hbm4b:s7+s9], $0x1400, $0x38;
	[tilespmem:$0x1EE00] =	vst v63  }
0x11b: {  	_ =	swait.ge [sflag:s26], $0x1400  }
0x11c: {  	[sflag:s26] =	ssyncset.done $0x0  }
0x11d: {  	[sflag:s26] =	ssyncadd.s32 $0xFFFFEC00  }
0x11e: {  	_ =	swait.ge [sflag:s28], $0x1400  }
0x11f: {  	[sflag:s28] =	ssyncset.done $0x0  }
0x120: {  	s7 =	simm.s32 @!p0 $0x6;
	[sflag:s28] =	ssyncadd.s32 $0xFFFFEC00  }
0x121: {  	_ =	swait.ge @!p0 [sflag:s7], $0x1400  }
0x122: {  	[sflag:s7] =	ssyncset.done @!p0 $0x0  }
0x123: {  	s11 =	simm.s32 $0x4B00;
	[sflag:s7] =	ssyncadd.s32 @!p0 $0xFFFFEC00  }
0x124: {  	s12 =	simm.s32 $0x7300;
	v0 =	vld [tilespmem:s11+$0x80]  }
0x125: {  	v1 =	vld [tilespmem:s12+$0x80];
	_ =	sdelay $0x4  }
0x126: {  	v2 =	vld [tilespmem:s11+$0xFFFFFF80];
	v0 =	vadd.f32 v1, v0  }
0x127: {  	v1 =	vld [tilespmem:s12+$0xFFFFFF80]  }
0x128: {  	s19 =	simm.s32 $0x9B00;
	v3 =	vld [tilespmem:s12+$0xFFFFFF00];
	v0 =	vmax.f32 v0, $0.0e+00  }
0x129: {  	v4 =	vld [tilespmem:s11+$0xFFFFFF00];
	[tilespmem:s19+$0x80] =	vst v0  }
0x12a: {  	v0 =	vld [tilespmem:s11+$0x90]  }
0x12b: {  	v5 =	vld [tilespmem:s12+$0x90]  }
0x12c: {  	v6 =	vld [tilespmem:s11+$0x0];
	v1 =	vadd.f32 v1, v2  }
0x12d: {  	v2 =	vld [tilespmem:s12+$0x0]  }
0x12e: {  	v3 =	vadd.f32 v3, v4;
	v1 =	vmax.f32 v1, $0.0e+00  }
0x12f: {  	[tilespmem:s19+$0xFFFFFF80] =	vst v1  }
0x130: {  	v3 =	vmax.f32 v3, $0.0e+00;
	v1 =	vld [tilespmem:s11+$0xFFFFFF90];
	v0 =	vadd.f32 v5, v0  }
0x131: {  	[tilespmem:s19+$0xFFFFFF00] =	vst v3;
	v4 =	vld [tilespmem:s12+$0xFFFFFF90]  }
0x132: {  	v3 =	vld [tilespmem:s11+$0xFFFFFF10];
	v2 =	vadd.f32 v2, v6;
	v0 =	vmax.f32 v0, $0.0e+00  }
0x133: {  	v5 =	vld [tilespmem:s12+$0xFFFFFF10];
	[tilespmem:s19+$0x90] =	vst v0  }
0x134: {  	v0 =	vmax.f32 v2, $0.0e+00;
	v2 =	vld [tilespmem:s11+$0xA0]  }
0x135: {  	[tilespmem:s19+$0x0] =	vst v0;
	v0 =	vld [tilespmem:s12+$0xA0]  }
0x136: {  	v6 =	vld [tilespmem:s11+$0x10];
	v1 =	vadd.f32 v4, v1  }
0x137: {  	v4 =	vld [tilespmem:s12+$0x10]  }
0x138: {  	v1 =	vmax.f32 v1, $0.0e+00  }
0x139: {  	v3 =	vadd.f32 v5, v3;
	[tilespmem:s19+$0xFFFFFF90] =	vst v1  }
0x13a: {  	v1 =	vld [tilespmem:s11+$0xFFFFFFA0];
	v0 =	vadd.f32 v0, v2  }
0x13b: {  	v3 =	vmax.f32 v3, $0.0e+00;
	v2 =	vld [tilespmem:s12+$0xFFFFFFA0]  }
0x13c: {  	[tilespmem:s19+$0xFFFFFF10] =	vst v3;
	v3 =	vadd.f32 v4, v6;
	v0 =	vmax.f32 v0, $0.0e+00  }
0x13d: {  	[tilespmem:s19+$0xA0] =	vst v0  }
0x13e: {  	v0 =	vmax.f32 v3, $0.0e+00;
	v3 =	vld [tilespmem:s11+$0xB0]  }
0x13f: {  	[tilespmem:s19+$0x10] =	vst v0;
	v0 =	vld [tilespmem:s12+$0xB0]  }
0x140: {  	v1 =	vadd.f32 v2, v1;
	v2 =	vld [tilespmem:s11+$0x20]  }
0x141: {  	v6 =	vld [tilespmem:s12+$0x20]  }
0x142: {  	v5 =	vld [tilespmem:s12+$0xFFFFFF20];
	v1 =	vmax.f32 v1, $0.0e+00  }
0x143: {  	v4 =	vld [tilespmem:s11+$0xFFFFFF20];
	[tilespmem:s19+$0xFFFFFFA0] =	vst v1  }
0x144: {  	v1 =	vld [tilespmem:s11+$0xFFFFFFB0];
	v0 =	vadd.f32 v0, v3  }
0x145: {  	v3 =	vld [tilespmem:s12+$0xFFFFFFB0]  }
0x146: {  	v2 =	vadd.f32 v6, v2;
	v0 =	vmax.f32 v0, $0.0e+00  }
0x147: {  	[tilespmem:s19+$0xB0] =	vst v0  }
0x148: {  	v4 =	vadd.f32 v5, v4;
	v0 =	vmax.f32 v2, $0.0e+00;
	v2 =	vld [tilespmem:s11+$0xC0]  }
0x149: {  	[tilespmem:s19+$0x20] =	vst v0;
	v0 =	vld [tilespmem:s12+$0xC0]  }
0x14a: {  	v4 =	vmax.f32 v4, $0.0e+00;
	v1 =	vadd.f32 v3, v1;
	v3 =	vld [tilespmem:s11+$0x30]  }
0x14b: {  	[tilespmem:s19+$0xFFFFFF20] =	vst v4;
	v6 =	vld [tilespmem:s12+$0x30]  }
0x14c: {  	v4 =	vld [tilespmem:s11+$0xFFFFFF30];
	v1 =	vmax.f32 v1, $0.0e+00  }
0x14d: {  	v5 =	vld [tilespmem:s12+$0xFFFFFF30];
	[tilespmem:s19+$0xFFFFFFB0] =	vst v1  }
0x14e: {  	v1 =	vld [tilespmem:s11+$0xFFFFFFC0];
	v0 =	vadd.f32 v0, v2  }
0x14f: {  	v2 =	vld [tilespmem:s12+$0xFFFFFFC0]  }
0x150: {  	s9 =	simm.s32 $0x7500;
	v3 =	vadd.f32 v6, v3;
	v0 =	vmax.f32 v0, $0.0e+00  }
0x151: {  	v10 =	vld [tilespmem:s9+$0xFFFFFF00];
	[tilespmem:s19+$0xC0] =	vst v0  }
0x152: {  	v0 =	vmax.f32 v3, $0.0e+00;
	v3 =	vld [tilespmem:s11+$0xD0]  }
0x153: {  	v4 =	vadd.f32 v5, v4;
	[tilespmem:s19+$0x30] =	vst v0;
	v0 =	vld [tilespmem:s12+$0xD0]  }
0x154: {  	v1 =	vadd.f32 v2, v1;
	v2 =	vld [tilespmem:s11+$0x40]  }
0x155: {  	s20 =	simm.s32 $0x4D00;
	v4 =	vmax.f32 v4, $0.0e+00;
	v6 =	vld [tilespmem:s12+$0x40]  }
0x156: {  	v53 =	vld [tilespmem:s20+$0xFFFFFF00];
	[tilespmem:s19+$0xFFFFFF30] =	vst v4  }
0x157: {  	v4 =	vld [tilespmem:s11+$0xFFFFFF40]  }
0x158: {  	v5 =	vld [tilespmem:s12+$0xFFFFFF40];
	v0 =	vadd.f32 v0, v3  }
0x159: {  	v8 =	vld [tilespmem:s20+$0x80]  }
0x15a: {  	v9 =	vld [tilespmem:s9+$0x80];
	v2 =	vadd.f32 v6, v2;
	v0 =	vmax.f32 v0, $0.0e+00  }
0x15b: {  	v11 =	vld [tilespmem:s9+$0xFFFFFF80];
	v10 =	vadd.f32 v10, v53;
	[tilespmem:s19+$0xD0] =	vst v0  }
0x15c: {  	v0 =	vmax.f32 v2, $0.0e+00;
	v2 =	vld [tilespmem:s11+$0xE0]  }
0x15d: {  	s7 =	simm.s32 $0x9D00;
	v10 =	vmax.f32 v10, $0.0e+00;
	v4 =	vadd.f32 v5, v4;
	[tilespmem:s19+$0x40] =	vst v0;
	v0 =	vld [tilespmem:s12+$0xE0]  }
0x15e: {  	v12 =	vld [tilespmem:s20+$0x0];
	[tilespmem:s7+$0xFFFFFF00] =	vst v10;
	v1 =	vmax.f32 v1, $0.0e+00  }
0x15f: {  	v10 =	vld [tilespmem:s20+$0xFFFFFF10];
	[tilespmem:s19+$0xFFFFFFC0] =	vst v1;
	v4 =	vmax.f32 v4, $0.0e+00  }
0x160: {  	v1 =	vld [tilespmem:s11+$0xFFFFFFD0];
	[tilespmem:s19+$0xFFFFFF40] =	vst v4  }
0x161: {  	v4 =	vld [tilespmem:s11+$0xFFFFFF50]  }
0x162: {  	v5 =	vld [tilespmem:s12+$0xFFFFFF50];
	v0 =	vadd.f32 v0, v2  }
0x163: {  	v2 =	vld [tilespmem:s20+$0xFFFFFF80]  }
0x164: {  	v3 =	vld [tilespmem:s12+$0xFFFFFFD0];
	v0 =	vmax.f32 v0, $0.0e+00  }
0x165: {  	v6 =	vld [tilespmem:s11+$0x50];
	[tilespmem:s19+$0xE0] =	vst v0;
	v0 =	vadd.f32 v9, v8  }
0x166: {  	v7 =	vld [tilespmem:s12+$0x50]  }
0x167: {  	v4 =	vadd.f32 v5, v4;
	v5 =	vld [tilespmem:s9+$0x0];
	v0 =	vmax.f32 v0, $0.0e+00  }
0x168: {  	v55 =	vld [tilespmem:s9+$0xFFFFFF10];
	v2 =	vadd.f32 v11, v2;
	[tilespmem:s7+$0x80] =	vst v0  }
0x169: {  	v0 =	vmax.f32 v4, $0.0e+00;
	v4 =	vld [tilespmem:s20+$0x90]  }
0x16a: {  	v1 =	vadd.f32 v3, v1;
	[tilespmem:s19+$0xFFFFFF50] =	vst v0;
	v0 =	vmax.f32 v2, $0.0e+00;
	v2 =	vld [tilespmem:s9+$0x90]  }
0x16b: {  	v6 =	vadd.f32 v7, v6;
	v8 =	vld [tilespmem:s11+$0xF0]  }
0x16c: {  	v1 =	vmax.f32 v1, $0.0e+00;
	v5 =	vadd.f32 v5, v12;
	v52 =	vld [tilespmem:s12+$0xF0];
	[tilespmem:s7+$0xFFFFFF80] =	vst v0  }
0x16d: {  	[tilespmem:s19+$0xFFFFFFD0] =	vst v1;
	v6 =	vmax.f32 v6, $0.0e+00;
	v3 =	vld [tilespmem:s20+$0xFFFFFF90]  }
0x16e: {  	v1 =	vmax.f32 v5, $0.0e+00;
	[tilespmem:s19+$0x50] =	vst v6;
	v54 =	vld [tilespmem:s9+$0xFFFFFF90]  }
0x16f: {  	v6 =	vld [tilespmem:s12+$0xFFFFFFE0];
	[tilespmem:s7+$0x0] =	vst v1;
	v1 =	vadd.f32 v2, v4  }
0x170: {  	v58 =	vld [tilespmem:s11+$0x60]  }
0x171: {  	v59 =	vld [tilespmem:s12+$0x60];
	v1 =	vmax.f32 v1, $0.0e+00  }
0x172: {  	v0 =	vld [tilespmem:s11+$0xFFFFFF60];
	[tilespmem:s7+$0x90] =	vst v1  }
0x173: {  	v3 =	vadd.f32 v54, v3;
	v1 =	vld [tilespmem:s20+$0xA0]  }
0x174: {  	v56 =	vld [tilespmem:s9+$0xA0]  }
0x175: {  	v4 =	vld [tilespmem:s20+$0x10];
	v3 =	vmax.f32 v3, $0.0e+00  }
0x176: {  	[tilespmem:s7+$0xFFFFFF90] =	vst v3;
	v3 =	vld [tilespmem:s9+$0x10]  }
0x177: {  	v10 =	vadd.f32 v55, v10;
	v7 =	vld [tilespmem:s20+$0xFFFFFFA0]  }
0x178: {  	v57 =	vld [tilespmem:s9+$0xFFFFFFA0]  }
0x179: {  	v10 =	vmax.f32 v10, $0.0e+00;
	v5 =	vld [tilespmem:s12+$0xFFFFFF60];
	v1 =	vadd.f32 v56, v1  }
0x17a: {  	[tilespmem:s7+$0xFFFFFF10] =	vst v10;
	v2 =	vld [tilespmem:s11+$0xFFFFFFE0]  }
0x17b: {  	v3 =	vadd.f32 v3, v4;
	v4 =	vld [tilespmem:s20+$0xFFFFFF20];
	v1 =	vmax.f32 v1, $0.0e+00  }
0x17c: {  	[tilespmem:s7+$0xA0] =	vst v1;
	v1 =	vld [tilespmem:s9+$0xFFFFFF20]  }
0x17d: {  	v7 =	vadd.f32 v57, v7;
	v3 =	vmax.f32 v3, $0.0e+00;
	v60 =	vld [tilespmem:s20+$0xB0]  }
0x17e: {  	v0 =	vadd.f32 v5, v0;
	[tilespmem:s7+$0x10] =	vst v3;
	v3 =	vld [tilespmem:s9+$0xB0]  }
0x17f: {  	v5 =	vmax.f32 v7, $0.0e+00;
	v7 =	vld [tilespmem:s20+$0x20]  }
0x180: {  	v0 =	vmax.f32 v0, $0.0e+00;
	[tilespmem:s7+$0xFFFFFFA0] =	vst v5;
	v5 =	vld [tilespmem:s9+$0x20]  }
0x181: {  	[tilespmem:s19+$0xFFFFFF60] =	vst v0;
	v0 =	vld [tilespmem:s9+$0xFFFFFFB0];
	v1 =	vadd.f32 v1, v4  }
0x182: {  	v4 =	vld [tilespmem:s20+$0xFFFFFFB0]  }
0x183: {  	v61 =	vld [tilespmem:s11+$0xFFFFFF70];
	v3 =	vadd.f32 v3, v60;
	v1 =	vmax.f32 v1, $0.0e+00  }
0x184: {  	[tilespmem:s7+$0xFFFFFF20] =	vst v1;
	v1 =	vld [tilespmem:s12+$0xFFFFFF70]  }
0x185: {  	v5 =	vadd.f32 v5, v7;
	v3 =	vmax.f32 v3, $0.0e+00;
	v7 =	vld [tilespmem:s20+$0xFFFFFF30]  }
0x186: {  	[tilespmem:s7+$0xB0] =	vst v3;
	v3 =	vld [tilespmem:s9+$0xFFFFFF30]  }
0x187: {  	v0 =	vadd.f32 v0, v4;
	v4 =	vmax.f32 v5, $0.0e+00;
	v5 =	vld [tilespmem:s20+$0xC0]  }
0x188: {  	[tilespmem:s7+$0x20] =	vst v4;
	v4 =	vld [tilespmem:s9+$0xC0]  }
0x189: {  	v2 =	vadd.f32 v6, v2;
	v0 =	vmax.f32 v0, $0.0e+00;
	v6 =	vld [tilespmem:s20+$0x30]  }
0x18a: {  	[tilespmem:s7+$0xFFFFFFB0] =	vst v0;
	v0 =	vld [tilespmem:s9+$0x30]  }
0x18b: {  	v2 =	vmax.f32 v2, $0.0e+00;
	v3 =	vadd.f32 v3, v7;
	v7 =	vld [tilespmem:s20+$0xFFFFFFC0]  }
0x18c: {  	[tilespmem:s19+$0xFFFFFFE0] =	vst v2;
	v2 =	vld [tilespmem:s9+$0xFFFFFFC0]  }
0x18d: {  	v3 =	vmax.f32 v3, $0.0e+00;
	v4 =	vadd.f32 v4, v5;
	v5 =	vld [tilespmem:s11+$0xFFFFFFF0]  }
0x18e: {  	[tilespmem:s7+$0xFFFFFF30] =	vst v3;
	v3 =	vld [tilespmem:s12+$0xFFFFFFF0]  }
0x18f: {  	v0 =	vadd.f32 v0, v6;
	v6 =	vld [tilespmem:s20+$0xFFFFFF40];
	v4 =	vmax.f32 v4, $0.0e+00  }
0x190: {  	[tilespmem:s7+$0xC0] =	vst v4;
	v4 =	vld [tilespmem:s9+$0xFFFFFF40]  }
0x191: {  	v2 =	vadd.f32 v2, v7;
	v0 =	vmax.f32 v0, $0.0e+00;
	v7 =	vld [tilespmem:s20+$0xD0]  }
0x192: {  	[tilespmem:s7+$0x30] =	vst v0;
	v0 =	vld [tilespmem:s9+$0xD0]  }
0x193: {  	v10 =	vadd.f32 v59, v58;
	v2 =	vmax.f32 v2, $0.0e+00;
	v62 =	vld [tilespmem:s20+$0x40]  }
0x194: {  	[tilespmem:s7+$0xFFFFFFC0] =	vst v2;
	v2 =	vld [tilespmem:s9+$0x40]  }
0x195: {  	v10 =	vmax.f32 v10, $0.0e+00;
	v63 =	vld [tilespmem:s9+$0xFFFFFFD0];
	v4 =	vadd.f32 v4, v6  }
0x196: {  	v8 =	vadd.f32 v52, v8;
	[tilespmem:s19+$0x60] =	vst v10;
	v6 =	vld [tilespmem:s20+$0xFFFFFFD0]  }
0x197: {  	v10 =	vld [tilespmem:s12+$0x70];
	v4 =	vmax.f32 v4, $0.0e+00;
	v0 =	vadd.f32 v0, v7  }
0x198: {  	v8 =	vmax.f32 v8, $0.0e+00;
	v1 =	vadd.f32 v1, v61;
	v7 =	vld [tilespmem:s11+$0x70];
	[tilespmem:s7+$0xFFFFFF40] =	vst v4  }
0x199: {  	[tilespmem:s19+$0xF0] =	vst v8;
	v8 =	vadd.f32 v2, v62;
	v2 =	vld [tilespmem:s20+$0xFFFFFF50];
	v0 =	vmax.f32 v0, $0.0e+00  }
0x19a: {  	v1 =	vmax.f32 v1, $0.0e+00;
	v3 =	vadd.f32 v3, v5;
	v4 =	vld [tilespmem:s9+$0xFFFFFF50];
	[tilespmem:s7+$0xD0] =	vst v0  }
0x19b: {  	[tilespmem:s19+$0xFFFFFF70] =	vst v1;
	v0 =	vadd.f32 v63, v6;
	v5 =	vmax.f32 v8, $0.0e+00;
	v1 =	vld [tilespmem:s20+$0xE0]  }
0x19c: {  	v6 =	vmax.f32 v3, $0.0e+00;
	[tilespmem:s7+$0x40] =	vst v5;
	v3 =	vld [tilespmem:s9+$0xE0]  }
0x19d: {  	[tilespmem:s19+$0xFFFFFFF0] =	vst v6;
	v6 =	vmax.f32 v0, $0.0e+00;
	v5 =	vld [tilespmem:s20+$0x50];
	v0 =	vadd.f32 v10, v7  }
0x19e: {  	s10 =	simm.s32 $0x7500;
	s12 =	simm.s32 $0x4F00;
	s11 =	simm.s32 $0x4;
	[tilespmem:s7+$0xFFFFFFD0] =	vst v6;
	v6 =	vld [tilespmem:s9+$0x50]  }
.LBB2_5:
0x19f: {  	v7 =	vld [tilespmem:s12+$0x80];
	v2 =	vadd.f32 v4, v2;
	s9 =	sadd.s32 $0x200, s9;
	v0 =	vmax.f32 v0, $0.0e+00  }
0x1a0: {  	v4 =	vld [tilespmem:s9+$0x80];
	[tilespmem:s19+$0x70] =	vst v0;
	s19 =	smov.u32 s7  }
0x1a1: {  	v0 =	vld [tilespmem:s9+$0xFFFFFF00];
	v2 =	vmax.f32 v2, $0.0e+00;
	v1 =	vadd.f32 v3, v1  }
0x1a2: {  	v3 =	vld [tilespmem:s12+$0xFFFFFF80];
	[tilespmem:s7+$0xFFFFFF50] =	vst v2  }
0x1a3: {  	v2 =	vld [tilespmem:s9+$0xFFFFFF80];
	v5 =	vadd.f32 v6, v5;
	v1 =	vmax.f32 v1, $0.0e+00  }
0x1a4: {  	v6 =	vld [tilespmem:s12+$0x0];
	[tilespmem:s7+$0xE0] =	vst v1  }
0x1a5: {  	v1 =	vadd.f32 v4, v7;
	v4 =	vmax.f32 v5, $0.0e+00;
	v5 =	vld [tilespmem:s20+$0xF0]  }
0x1a6: {  	[tilespmem:s7+$0x50] =	vst v4;
	v4 =	vld [tilespmem:s10+$0xF0]  }
0x1a7: {  	s11 =	sadd.s32 $0x4, s11;
	s7 =	sadd.s32 $0x200, s7;
	v7 =	vld [tilespmem:s9+$0x0];
	v1 =	vmax.f32 v1, $0.0e+00  }
0x1a8: {  	p0 =	slt.u32 s11, $0x24;
	v8 =	vld [tilespmem:s12+$0xFFFFFF00];
	v2 =	vadd.f32 v2, v3;
	[tilespmem:s7+$0x80] =	vst v1  }
0x1a9: {  	v1 =	vld [tilespmem:s12+$0x90]  }
0x1aa: {  	v2 =	vmax.f32 v2, $0.0e+00;
	v3 =	vld [tilespmem:s9+$0x90]  }
0x1ab: {  	[tilespmem:s7+$0xFFFFFF80] =	vst v2;
	v2 =	vld [tilespmem:s20+$0xFFFFFF60];
	v4 =	vadd.f32 v4, v5  }
0x1ac: {  	v5 =	vld [tilespmem:s12+$0xFFFFFF90];
	v6 =	vadd.f32 v7, v6  }
0x1ad: {  	v0 =	vadd.f32 v0, v8;
	v7 =	vld [tilespmem:s9+$0xFFFFFF90];
	v4 =	vmax.f32 v4, $0.0e+00  }
0x1ae: {  	v6 =	vmax.f32 v6, $0.0e+00;
	v8 =	vld [tilespmem:s10+$0xFFFFFF60];
	[tilespmem:s19+$0xF0] =	vst v4  }
0x1af: {  	v0 =	vmax.f32 v0, $0.0e+00;
	[tilespmem:s7+$0x0] =	vst v6;
	v1 =	vadd.f32 v3, v1;
	v3 =	vld [tilespmem:s20+$0xFFFFFFE0]  }
0x1b0: {  	[tilespmem:s7+$0xFFFFFF00] =	vst v0;
	v0 =	vld [tilespmem:s12+$0x10]  }
0x1b1: {  	v4 =	vld [tilespmem:s12+$0xFFFFFF10];
	v1 =	vmax.f32 v1, $0.0e+00  }
0x1b2: {  	v6 =	vld [tilespmem:s9+$0xFFFFFF10];
	v5 =	vadd.f32 v7, v5;
	[tilespmem:s7+$0x90] =	vst v1  }
0x1b3: {  	v1 =	vld [tilespmem:s12+$0xA0];
	v2 =	vadd.f32 v8, v2  }
0x1b4: {  	v5 =	vmax.f32 v5, $0.0e+00;
	v7 =	vld [tilespmem:s9+$0xA0]  }
0x1b5: {  	[tilespmem:s7+$0xFFFFFF90] =	vst v5;
	v5 =	vld [tilespmem:s9+$0x10];
	v2 =	vmax.f32 v2, $0.0e+00  }
0x1b6: {  	v8 =	vld [tilespmem:s12+$0xFFFFFFA0];
	[tilespmem:s19+$0xFFFFFF60] =	vst v2  }
0x1b7: {  	v2 =	vadd.f32 v6, v4;
	v4 =	vld [tilespmem:s9+$0xFFFFFFA0]  }
0x1b8: {  	v6 =	vld [tilespmem:s10+$0xFFFFFFE0]  }
0x1b9: {  	v2 =	vmax.f32 v2, $0.0e+00;
	v1 =	vadd.f32 v7, v1;
	v7 =	vld [tilespmem:s20+$0x60]  }
0x1ba: {  	[tilespmem:s7+$0xFFFFFF10] =	vst v2;
	v0 =	vadd.f32 v5, v0;
	v2 =	vld [tilespmem:s10+$0x60]  }
0x1bb: {  	v5 =	vld [tilespmem:s12+$0xFFFFFF20];
	v1 =	vmax.f32 v1, $0.0e+00  }
0x1bc: {  	v9 =	vld [tilespmem:s9+$0xFFFFFF20];
	v4 =	vadd.f32 v4, v8;
	v0 =	vmax.f32 v0, $0.0e+00;
	[tilespmem:s7+$0xA0] =	vst v1  }
0x1bd: {  	[tilespmem:s7+$0x10] =	vst v0;
	v0 =	vld [tilespmem:s12+$0xB0];
	v1 =	vadd.f32 v6, v3  }
0x1be: {  	v3 =	vmax.f32 v4, $0.0e+00;
	v4 =	vld [tilespmem:s9+$0xB0]  }
0x1bf: {  	[tilespmem:s7+$0xFFFFFFA0] =	vst v3;
	v3 =	vld [tilespmem:s12+$0x20];
	v1 =	vmax.f32 v1, $0.0e+00;
	v2 =	vadd.f32 v2, v7  }
0x1c0: {  	v6 =	vld [tilespmem:s9+$0x20];
	[tilespmem:s19+$0xFFFFFFE0] =	vst v1  }
0x1c1: {  	v1 =	vadd.f32 v9, v5;
	v5 =	vld [tilespmem:s12+$0xFFFFFFB0];
	v2 =	vmax.f32 v2, $0.0e+00  }
0x1c2: {  	v7 =	vld [tilespmem:s9+$0xFFFFFFB0];
	[tilespmem:s19+$0x60] =	vst v2  }
0x1c3: {  	v1 =	vmax.f32 v1, $0.0e+00;
	v0 =	vadd.f32 v4, v0;
	v2 =	vld [tilespmem:s20+$0xFFFFFF70]  }
0x1c4: {  	[tilespmem:s7+$0xFFFFFF20] =	vst v1;
	v1 =	vld [tilespmem:s10+$0xFFFFFF70]  }
0x1c5: {  	v4 =	vld [tilespmem:s12+$0xFFFFFF30];
	v3 =	vadd.f32 v6, v3;
	v0 =	vmax.f32 v0, $0.0e+00  }
0x1c6: {  	v6 =	vld [tilespmem:s9+$0xFFFFFF30];
	[tilespmem:s7+$0xB0] =	vst v0  }
0x1c7: {  	v0 =	vadd.f32 v7, v5;
	v3 =	vmax.f32 v3, $0.0e+00;
	v5 =	vld [tilespmem:s12+$0xC0]  }
0x1c8: {  	[tilespmem:s7+$0x20] =	vst v3;
	v3 =	vld [tilespmem:s9+$0xC0]  }
0x1c9: {  	v0 =	vmax.f32 v0, $0.0e+00;
	v7 =	vld [tilespmem:s12+$0x30];
	v1 =	vadd.f32 v1, v2  }
0x1ca: {  	[tilespmem:s7+$0xFFFFFFB0] =	vst v0;
	v0 =	vld [tilespmem:s9+$0x30]  }
0x1cb: {  	v2 =	vadd.f32 v6, v4;
	v4 =	vld [tilespmem:s12+$0xFFFFFFC0];
	v1 =	vmax.f32 v1, $0.0e+00  }
0x1cc: {  	v6 =	vld [tilespmem:s9+$0xFFFFFFC0];
	[tilespmem:s19+$0xFFFFFF70] =	vst v1  }
0x1cd: {  	v1 =	vmax.f32 v2, $0.0e+00;
	v2 =	vadd.f32 v3, v5;
	v3 =	vld [tilespmem:s20+$0xFFFFFFF0]  }
0x1ce: {  	[tilespmem:s7+$0xFFFFFF30] =	vst v1;
	v1 =	vld [tilespmem:s10+$0xFFFFFFF0]  }
0x1cf: {  	v5 =	vld [tilespmem:s12+$0xFFFFFF40];
	v0 =	vadd.f32 v0, v7;
	v2 =	vmax.f32 v2, $0.0e+00  }
0x1d0: {  	v7 =	vld [tilespmem:s9+$0xFFFFFF40];
	[tilespmem:s7+$0xC0] =	vst v2  }
0x1d1: {  	v2 =	vadd.f32 v6, v4;
	v0 =	vmax.f32 v0, $0.0e+00;
	v4 =	vld [tilespmem:s12+$0xD0]  }
0x1d2: {  	[tilespmem:s7+$0x30] =	vst v0;
	v0 =	vld [tilespmem:s9+$0xD0]  }
0x1d3: {  	v2 =	vmax.f32 v2, $0.0e+00;
	v6 =	vld [tilespmem:s12+$0x40];
	v1 =	vadd.f32 v1, v3  }
0x1d4: {  	[tilespmem:s7+$0xFFFFFFC0] =	vst v2;
	v3 =	vld [tilespmem:s9+$0x40]  }
0x1d5: {  	v2 =	vadd.f32 v7, v5;
	v5 =	vld [tilespmem:s12+$0xFFFFFFD0];
	v1 =	vmax.f32 v1, $0.0e+00  }
0x1d6: {  	v7 =	vld [tilespmem:s9+$0xFFFFFFD0];
	[tilespmem:s19+$0xFFFFFFF0] =	vst v1  }
0x1d7: {  	v1 =	vmax.f32 v2, $0.0e+00;
	v0 =	vadd.f32 v0, v4;
	v8 =	vld [tilespmem:s20+$0x70];
	s20 =	smov.u32 s12  }
0x1d8: {  	[tilespmem:s7+$0xFFFFFF40] =	vst v1;
	v9 =	vld [tilespmem:s10+$0x70];
	s10 =	smov.u32 s9  }
0x1d9: {  	v2 =	vld [tilespmem:s12+$0xFFFFFF50];
	v1 =	vadd.f32 v3, v6;
	v0 =	vmax.f32 v0, $0.0e+00  }
.Ltmp3:
0x1da: {  	v4 =	vld [tilespmem:s9+$0xFFFFFF50];
	[tilespmem:s7+$0xD0] =	vst v0;
	(pc) =	sbr.rel @p0 .LBB2_5-.Ltmp3, $4  }
0x1db: {  	v0 =	vadd.f32 v7, v5;
	v3 =	vmax.f32 v1, $0.0e+00;
	v1 =	vld [tilespmem:s12+$0xE0]  }
0x1dc: {  	[tilespmem:s7+$0x40] =	vst v3;
	v3 =	vld [tilespmem:s9+$0xE0]  }
0x1dd: {  	v6 =	vmax.f32 v0, $0.0e+00;
	v5 =	vld [tilespmem:s12+$0x50];
	v0 =	vadd.f32 v9, v8  }
0x1de: {  	s12 =	sadd.s32 $0x200, s12;
	[tilespmem:s7+$0xFFFFFFD0] =	vst v6;
	v6 =	vld [tilespmem:s9+$0x50]  }
0x1df: {  	_ =	sdelay $0x1  }
0x1e0: {  	v2 =	vadd.f32 v4, v2;
	_ =	sdelay $0x1  }
0x1e1: {  	v50 =	vld [tilespmem:s20+$0xFFFFFFE0];
	v2 =	vmax.f32 v2, $0.0e+00;
	v47 =	vadd.f32 v6, v5  }
0x1e2: {  	v51 =	vld [tilespmem:s10+$0xFFFFFFE0];
	[tilespmem:s7+$0xFFFFFF50] =	vst v2  }
0x1e3: {  	v48 =	vld [tilespmem:s20+$0xFFFFFF60];
	v2 =	vmax.f32 v47, $0.0e+00  }
0x1e4: {  	v49 =	vld [tilespmem:s10+$0xFFFFFF60];
	[tilespmem:s7+$0x50] =	vst v2  }
0x1e5: {  	v1 =	vadd.f32 v3, v1;
	v52 =	vld [tilespmem:s20+$0x60]  }
0x1e6: {  	v7 =	vld [tilespmem:s10+$0x60]  }
0x1e7: {  	v1 =	vmax.f32 v1, $0.0e+00;
	v2 =	vadd.f32 v51, v50  }
0x1e8: {  	[tilespmem:s7+$0xE0] =	vst v1  }
0x1e9: {  	v1 =	vld [tilespmem:s20+$0xF0];
	v4 =	vadd.f32 v49, v48;
	v2 =	vmax.f32 v2, $0.0e+00  }
0x1ea: {  	v53 =	vld [tilespmem:s10+$0xF0];
	[tilespmem:s7+$0xFFFFFFE0] =	vst v2  }
0x1eb: {  	v4 =	vmax.f32 v4, $0.0e+00;
	v55 =	vld [tilespmem:s20+$0xFFFFFFF0];
	v3 =	vadd.f32 v7, v52  }
0x1ec: {  	v56 =	vld [tilespmem:s10+$0xFFFFFFF0];
	[tilespmem:s7+$0xFFFFFF60] =	vst v4  }
0x1ed: {  	v4 =	vld [tilespmem:s20+$0xFFFFFF70];
	v3 =	vmax.f32 v3, $0.0e+00  }
0x1ee: {  	v54 =	vld [tilespmem:s10+$0xFFFFFF70];
	[tilespmem:s7+$0x60] =	vst v3  }
0x1ef: {  	v57 =	vld [tilespmem:s20+$0x70]  }
0x1f0: {  	v8 =	vld [tilespmem:s10+$0x70];
	_ =	sdelay $0x1  }
0x1f1: {  	v1 =	vadd.f32 v53, v1  }
0x1f2: {  	v0 =	vmax.f32 v0, $0.0e+00;
	v59 =	vadd.f32 v56, v55  }
0x1f3: {  	[tilespmem:s19+$0x70] =	vst v0;
	v58 =	vmax.f32 v1, $0.0e+00;
	v2 =	vadd.f32 v54, v4  }
.Ltmp4:
0x1f4: {  	[tilespmem:s7+$0xF0] =	vst v58;
	v62 =	vmax.f32 v59, $0.0e+00;
	v61 =	vadd.f32 v8, v57;
	(pc) =	sbr.rel @p1 .LBB2_8-.Ltmp4, $4  }
0x1f5: {  	[tilespmem:s7+$0xFFFFFFF0] =	vst v62;
	v60 =	vmax.f32 v2, $0.0e+00  }
0x1f6: {  	[tilespmem:s7+$0xFFFFFF70] =	vst v60;
	v63 =	vmax.f32 v61, $0.0e+00  }
0x1f7: {  	s20 =	sadd.s32 $0x1B28, s17;
	[tilespmem:s7+$0x70] =	vst v63  }
0x1f8: {  	[spmem:s4] =	stream.indirect.scatter.add.f32 [tilespmem:s29], [sflag:$0x6], $0x80, s20, s18, $0xb8;
	[tilespmem:$0x1EE00] =	vst v63  }
0x1f9: {  	s7 =	smul.u32 $0x50, s0;
	_ =	sdelay $0x1  }
0x1fa: {  	s7 =	sadd.s32 $0x78, s7  }
0x1fb: {  	[tilespmem:s21], [sflag:$0x2] =	stream.indirect.gather [hbm4b:s2+s18], $0x80, s7, s18, $0xb8;
	[tilespmem:$0x1EE00] =	vst v63  }
.Ltmp5:
0x1fc: {  	_ = 	snop;
	(pc) =	sbr.rel .LBB2_2-.Ltmp5, $4  }
0x1fd: {  	s7 =	sadd.s32 s3, s7  }
0x1fe: {  	s7 =	sshll.u32 s7, $0x4  }
0x1ff: {  	s0 =	sadd.s32 $0x1, s0;
	s7 =	sadd.s32 s6, s7  }
0x200: {  	[tilespmem:s22], [sflag:$0x4] =	stream.linear.gather [hbm4b:s7+s5], $0x1400, $0x38;
	[tilespmem:$0x1EE00] =	vst v63  }
.LBB2_9:
0x201: {  	_ =	sfence.sel $0x180000  }
0x202: {  	[bflag:$0x0] =	sbarrier.arrive $0xFFFF  }
0x203: {  	_ =	strace $0x9000004A  }
0x204: {  	s0 =	stileid.u32;
	[bflag:$0x2] =	sbarrier.arrive $0xFFFF  }
0x205: {  	p0 =	sne.s32 s0, $0x0;
	s0 =	rddreg [dreg:$0x4]  }
0x206: {  	s0 =	sadd.s32 @!p0 $0x100000, s0  }
0x207: {  	[sflag:s0] =	ssyncadd.tile.s32 @!p0 $0x1;
	_ =	shalt  }
.Lfunc_end2:
_tile_overlayer_lowered:
.L_overlay_start_2:
0x208: {  	(tag) =	ssettag $0x2  }
0x209: {  	s0 =	rddreg [dreg:$0x0];
	s2 =	stileid.u32  }
0x20a: {  	s1 =	rddreg [dreg:$0x1];
	p0 =	sne.s32 s2, $0x0  }
0x20b: {  	s3 =	rddreg [dreg:$0x2];
	[bflag:$0x3] =	sbarrier.arrive $0xFFFF;
	s2 =	simm.s32 @!p0 $0x1C07  }
0x20c: {  	[timem:s3], [sflag:s2] =	dma.local @!p0 [hbm:s0], s1  }
0x20d: {  	s0 =	simm.s32 @!p0 $0x7  }
0x20e: {  	_ =	swait.ge @!p0 [sflag:s0], s1  }
0x20f: {  	s1 =	ssub.s32 @!p0 $0x0, s1;
	[sflag:s0] =	ssyncset.done @!p0 $0x0  }
0x210: {  	[sflag:s0] =	ssyncadd.s32 @!p0 s1  }
0x211: {  	[bflag:$0x3] =	sbarrier.arrive $0xFFFF  }
0x212: {  	_ =	shalt  }

// kernel: kernel.8.cloned.1.call-start
scs
__scs_entry_jumppad:
0x0: {  	(pc) =	sbr.rel $0x88, $3  }
0x1: {  	(tag) =	ssettag $0x0;
	lr =	simm.s32 $0x1  }
0x2: {  	[smem:$0x3F91] =	sst lr;
	_ =	strace $0xD0000000  }
0x3: {  	_ = 	snop  }
0x4: {  	_ = 	snop  }
0x5: {  	_ = 	snop  }
0x6: {  	_ = 	snop  }
0x7: {  	_ = 	snop  }
__scs_overlays_trampoline_lowered:
0x8: {  	[smem:$0x3FA0] =	sst s0  }
0x9: {  	[smem:$0x3FA1] =	sst s1  }
0xa: {  	[smem:$0x3FA2] =	sst s2  }
0xb: {  	[smem:$0x3FA3] =	sst s3  }
0xc: {  	[smem:$0x3FA4] =	sst s4  }
0xd: {  	[smem:$0x3FA5] =	sst s5  }
0xe: {  	[smem:$0x3FA6] =	sst s6  }
0xf: {  	[smem:$0x3FA7] =	sst s7  }
0x10: {  	[smem:$0x3FA8] =	sst s8  }
0x11: {  	[smem:$0x3FA9] =	sst s9;
	s0 =	simm.s32 @!p0 $0x0  }
0x12: {  	s1 =	sld [smem:$0x3F8F];
	s0 =	simm.s32 @p0 $0x1  }
0x13: {  	[smem:$0x3FAA] =	sst s0;
	s0 =	simm.s32 @!p1 $0x0  }
0x14: {  	s2 =	sld [smem:$0x3F8E];
	s0 =	simm.s32 @p1 $0x1  }
0x15: {  	[smem:$0x3FAB] =	sst s0;
	s0 =	simm.s32 @!p2 $0x0  }
0x16: {  	s3 =	sld [smem:$0x3FDB];
	s0 =	simm.s32 @p2 $0x1  }
0x17: {  	s4 =	simm.s32 $0x1BF5;
	[smem:$0x3FAD] =	sst s0  }
0x18: {  	s0 =	sld [smem:$0x3F90];
	_ =	swait.ge [sflag:s4], $0x0  }
0x19: {  	s7 =	sld [smem:$0x3F91]  }
0x1a: {  	s8 =	sadd.s32 $0xFFFFE003, lr  }
0x1b: {  	s9 =	sadd.s32 $0xFFFFFEF7, lr;
	s5 =	simm.s32 $0xFFFFFFFF;
	p2 =	slt.u32 s8, $0xFFFFF086  }
0x1c: {  	p1 =	slt.u32 s9, $0xF7A;
	s5 =	simm.s32 @!p2 $0x0  }
0x1d: {  	s5 =	simm.s32 @p1 $0x1;
	p0 =	seq.s32 s7, s2  }
0x1e: {  	s7 =	smul.u32 @!p0 $0xF7A, s2;
	p2 =	seq.s32 @!p0 s5, $0x0  }
0x1f: {  	s9 =	smul.u32 $0xF7A, s1;
	s8 =	simm.s32 @!p0 $0x1BF5;
	p2 =	por !p2, p0  }
0x20: {  	[sflag:s8] =	ssyncset.s32 @!p0 $0xFFFFF086;
	s6 =	sadd.s32 @!p0 s3, s7;
	s7 =	simm.s32 @!p0 $0x108  }
0x21: {  	s3 =	sadd.s32 s3, s9;
	s6 =	sadd.s32 @!p0 $0x88, s6;
	s7 =	simm.s32 @p2 $0x1082  }
0x22: {  	[simem:s7], [sflag:s8] =	dma.local @!p0 [hbm:s6], $0xF7A  }
0x23: {  	s9 =	sor.u32 $0xD0000000, s2;
	s6 =	simm.s32 $0x108;
	_ =	swait.ge @!p0 [sflag:s8], $0x0  }
0x24: {  	s3 =	sadd.s32 $0x88, s3;
	s6 =	simm.s32 @!p1 $0x1082;
	[sflag:s4] =	ssyncset.s32 $0xFFFFF086  }
0x25: {  	[simem:s6], [sflag:s4] =	dma.local [hbm:s3], $0xF7A  }
0x26: {  	[smem:$0x3F91] =	sst s1;
	(tag) =	ssettag s2;
	_ =	strace s9  }
0x27: {  	s1 =	sld [smem:$0x3FA1]  }
0x28: {  	s2 =	sld [smem:$0x3FA2]  }
0x29: {  	s4 =	sld [smem:$0x3FA4]  }
0x2a: {  	p0 =	seq.s32 s5, $0x0;
	s5 =	sld [smem:$0x3FA5]  }
0x2b: {  	s6 =	sld [smem:$0x3FA6]  }
0x2c: {  	s7 =	sld [smem:$0x3FA7]  }
0x2d: {  	s3 =	simm.s32 $0x108;
	s8 =	sld [smem:$0x3FA8]  }
0x2e: {  	s3 =	simm.s32 @!p0 $0x1082;
	s9 =	sld [smem:$0x3FA9]  }
0x2f: {  	lr =	sadd.s32 s0, s3;
	s0 =	sld [smem:$0x3FA0]  }
0x30: {  	s3 =	sld [smem:$0x3FA3]  }
0x31: {  	[smem:$0x3FAC] =	sst s10  }
0x32: {  	s10 =	sld [smem:$0x3FAA];
	_ =	sdelay $0x3  }
0x33: {  	p0 =	seq.s32 s10, $0x1;
	s10 =	sld [smem:$0x3FAC];
	_ =	sdelay $0x3  }
0x34: {  	[smem:$0x3FAC] =	sst s10  }
0x35: {  	s10 =	sld [smem:$0x3FAB];
	_ =	sdelay $0x3  }
0x36: {  	p1 =	seq.s32 s10, $0x1;
	s10 =	sld [smem:$0x3FAC];
	_ =	sdelay $0x3  }
0x37: {  	[smem:$0x3FAC] =	sst s10  }
0x38: {  	s10 =	sld [smem:$0x3FAD]  }
0x39: {  	_ = 	snop;
	(pc) =	sbr.ind lr, $3  }
0x3a: {  	_ = 	snop  }
0x3b: {  	_ = 	snop  }
0x3c: {  	p2 =	seq.s32 s10, $0x1;
	s10 =	sld [smem:$0x3FAC]  }
0x3d: {  	_ =	shalt  }
0x3e: {  	_ =	shalt  }
0x3f: {  	_ =	shalt  }
0x40: {  	_ =	shalt  }
0x41: {  	_ =	shalt  }
0x42: {  	_ =	shalt  }
0x43: {  	_ =	shalt  }
0x44: {  	_ =	shalt  }
0x45: {  	_ =	shalt  }
0x46: {  	_ =	shalt  }
0x47: {  	_ =	shalt  }
0x48: {  	_ =	shalt  }
0x49: {  	_ =	shalt  }
0x4a: {  	_ =	shalt  }
0x4b: {  	_ =	shalt  }
0x4c: {  	_ =	shalt  }
0x4d: {  	_ =	shalt  }
0x4e: {  	_ =	shalt  }
0x4f: {  	_ =	shalt  }
0x50: {  	_ =	shalt  }
0x51: {  	_ =	shalt  }
0x52: {  	_ =	shalt  }
0x53: {  	_ =	shalt  }
0x54: {  	_ =	shalt  }
0x55: {  	_ =	shalt  }
0x56: {  	_ =	shalt  }
0x57: {  	_ =	shalt  }
0x58: {  	_ =	shalt  }
0x59: {  	_ =	shalt  }
0x5a: {  	_ =	shalt  }
0x5b: {  	_ =	shalt  }
0x5c: {  	_ =	shalt  }
0x5d: {  	_ =	shalt  }
0x5e: {  	_ =	shalt  }
0x5f: {  	_ =	shalt  }
0x60: {  	_ =	shalt  }
0x61: {  	_ =	shalt  }
0x62: {  	_ =	shalt  }
0x63: {  	_ =	shalt  }
0x64: {  	_ =	shalt  }
0x65: {  	_ =	shalt  }
0x66: {  	_ =	shalt  }
0x67: {  	_ =	shalt  }
0x68: {  	_ =	shalt  }
0x69: {  	_ =	shalt  }
0x6a: {  	_ =	shalt  }
0x6b: {  	_ =	shalt  }
0x6c: {  	_ =	shalt  }
0x6d: {  	_ =	shalt  }
0x6e: {  	_ =	shalt  }
0x6f: {  	_ =	shalt  }
0x70: {  	_ =	shalt  }
0x71: {  	_ =	shalt  }
0x72: {  	_ =	shalt  }
0x73: {  	_ =	shalt  }
0x74: {  	_ =	shalt  }
0x75: {  	_ =	shalt  }
0x76: {  	_ =	shalt  }
0x77: {  	_ =	shalt  }
0x78: {  	_ =	shalt  }
0x79: {  	_ =	shalt  }
0x7a: {  	_ =	shalt  }
0x7b: {  	_ =	shalt  }
0x7c: {  	_ =	shalt  }
0x7d: {  	_ =	shalt  }
0x7e: {  	_ =	shalt  }
0x7f: {  	_ =	shalt  }
0x80: {  	_ =	shalt  }
0x81: {  	_ =	shalt  }
0x82: {  	_ =	shalt  }
0x83: {  	_ =	shalt  }
0x84: {  	_ =	shalt  }
0x85: {  	_ =	shalt  }
0x86: {  	_ =	shalt  }
0x87: {  	_ =	shalt  }
.Lfunc_end0:
.L_simem_size_0:
called_computation_lowered:
.L_overlay_start_0:
0x88: {  	s2 =	sld [smem:$0x3FD9]  }
0x89: {  	s3 =	sld [smem:$0x3FFE];
	_ =	sdelay $0x1  }
0x8a: {  	s1 =	srdreg.scid  }
0x8b: {  	s0 =	sand.u32 $0x1, s1  }
0x8c: {  	s17 =	sshll.u32 s0, $0xA;
	s2 =	sadd.s32 s3, s2  }
0x8d: {  	s2 =	sadd.s32 s2, s17  }
0x8e: {  	[smem:$0x3FB8] =	sst s2  }
0x8f: {  	_ = 	snop  }
0x90: {  	s2 =	sld [smem:$0x3FC9];
	(tm) =	ssettm $0x1  }
0x91: {  	s18 =	sld [smem:$0x3FFB];
	_ =	sdelay $0x3  }
0x92: {  	_ =	strace s18  }
0x93: {  	s3 =	sld [smem:$0x3FFC];
	_ =	sdelay $0x3  }
0x94: {  	_ =	strace s3  }
0x95: {  	s3 =	sld [smem:$0x3FFD];
	_ =	sdelay $0x3  }
0x96: {  	_ =	strace s3  }
0x97: {  	_ =	strace $0x8FFFFFFF  }
0x98: {  	s19 =	sld [smem:$0x3FDB];
	_ =	sdelay $0x1  }
0x99: {  	s4 =	simm.s32 $_scs_section_size  }
0x9a: {  	s5 =	simm.s32 $_size__tile_overlayer_lowered;
	s6 =	simm.s32 $_tile_overlayer_lowered  }
0x9b: {  	s22 =	simm.s32 $0x1BFF;
	s21 =	sshll.u32 s6, $0x1;
	s3 =	sadd.s32 s4, s19  }
0x9c: {  	s7 =	simm.s32 $0x0;
	s20 =	sshll.u32 s5, $0x1;
	s5 =	sadd.s32 s21, s3  }
0x9d: {  	[timem:s7], [sflag:s22] =	dma.local [hbm:s5], s20  }
0x9e: {  	_ =	swait.ge [sflag:s22], s20  }
0x9f: {  	s4 =	ssub.s32 $0x0, s20;
	[sflag:s22] =	ssyncset.done $0x0  }
0xa0: {  	[sflag:s22] =	ssyncadd.s32 s4;
	_ =	sdelay $0x1  }
0xa1: {  	s23 =	simm.s32 $0x1B8B  }
0xa2: {  	_ =	swait.ge [sflag:s23], $0x1  }
0xa3: {  	[sflag:s23] =	ssyncset.done $0x0  }
0xa4: {  	s25 =	simm.s32 $0x1B8E;
	s24 =	sld [smem:$0x3FFE];
	[sflag:s23] =	ssyncadd.s32 $0xFFFFFFFF  }
0xa5: {  	s26 =	simm.s32 $execute0_lowered;
	[smem:$0x3FD2] =	sst s25  }
0xa6: {  	s5 =	sshll.u32 s26, $0x1;
	_ =	strace $0x80000046;
	[dreg:$0x1] =	wrdreg $0xFFFFFFFF  }
0xa7: {  	s28 =	simm.s32 $_size_execute0_lowered;
	s3 =	sadd.s32 s3, s5;
	[dreg:$0x0] =	wrdreg $0x0  }
0xa8: {  	s5 =	sshll.u32 s28, $0x1;
	[dreg:$0x2] =	wrdreg s3  }
0xa9: {  	[dreg:$0x3] =	wrdreg s5  }
0xaa: {  	[dreg:$0x4] =	wrdreg $0xC0  }
0xab: {  	_ =	task [dreg:s7], $0x5FFFF  }
0xac: {  	[dreg:$0x1] =	wrdreg $0xFFFFFFFF  }
0xad: {  	[dreg:$0x0] =	wrdreg $0x60  }
0xae: {  	[dreg:$0x2] =	wrdreg s24  }
0xaf: {  	[dreg:$0x3] =	wrdreg s2  }
0xb0: {  	[dreg:$0x4] =	wrdreg $0x91000  }
0xb1: {  	[dreg:$0x5] =	wrdreg $0x9  }
0xb2: {  	_ =	task.clear_ibuf [dreg:s7], $0x6FFFF;
	_ =	strace $0x90000046  }
0xb3: {  	s29 =	simm.s32 $0x9;
	_ =	strace $0x80000048  }
0xb4: {  	_ =	swait.ge [sflag:s29], $0x1  }
0xb5: {  	[sflag:s29] =	ssyncadd.s32 $0xFFFFFFFF  }
0xb6: {  	_ =	strace $0x90000048  }
0xb7: {  	_ =	sfence  }
0xb8: {  	s30 =	sld [smem:$0x0];
	_ =	sdelay $0x2  }
0xb9: {  	s31 =	sshll.u32 s1, $0xD;
	s1 =	sshrl.u32 s1, $0x2  }
0xba: {  	s3 =	sand.u32 $0x4000, s31;
	s1 =	sadd.s32 s1, s30  }
0xbb: {  	s0 =	sor.u32 s3, s0;
	s1 =	sshll.u32 s1, $0x11  }
0xbc: {  	s0 =	sor.u32 s1, s0  }
0xbd: {  	s0 =	sadd.s32 $0x8F2B, s0  }
0xbe: {  	[sflag:s0] =	ssyncadd.remote.s32 $0x1  }
0xbf: {  	_ =	sfence.sel $0xFFFF  }
0xc0: {  	[dreg:$0x0] =	wrdreg $0xFFFFFFFF;
	(pc) =	sbr.abs _section_cstart, $3  }
0xc1: {  	[dreg:$0x1] =	wrdreg $0xFFFFFFFF  }
0xc2: {  	_ =	task.clear_ibuf [dreg:s7], $0x2FFFF;
	_ =	strace $0x9FFFFFFF  }
0xc3: {  	(tm) =	ssettm $0x7FFFFFFF  }
tec
execute0_lowered:
.L_overlay_start_1:
0x0: {  	(tag) =	ssettag $0x1  }
0x1: {  	s7 =	rddreg [dreg:$0x0]  }
0x2: {  	s0 =	srdreg.scid;
	s2 =	rddreg [dreg:$0x1]  }
0x3: {  	s12 =	stileid.u32;
	s4 =	rddreg [dreg:$0x2]  }
0x4: {  	s5 =	simm.s32 $0x0;
	s16 =	simm.s32 $0x7;
	s18 =	simm.s32 $0x28  }
0x5: {  	s28 =	simm.s32 $0x4;
	s29 =	simm.s32 $0x7D00;
	s30 =	simm.s32 $0x5  }
0x6: {  	s31 =	simm.s32 $0x6;
	s0 =	sand.u32 $0x1, s0;
	s8 =	smul.u32 $0x14000, s12  }
0x7: {  	s1 =	sshll.u32 s12, $0x1;
	[smem:$0x7FF] =	sst s5;
	s10 =	smul.u32 $0x50000, s12  }
0x8: {  	s22 =	sshll.u32 s12, $0x6;
	s1 =	sor.u32 s0, s1;
	s6 =	smul.u32 $0x140000, s0  }
0x9: {  	_ =	strace $0x80000047;
	s0 =	ssub.s32 $0x2, s0;
	s3 =	smul.u32 $0xC80, s1  }
0xa: {  	s19 =	sshrl.u32 s0, $0x1;
	s20 =	sshrl.u32 s10, $0x2;
	s1 =	smul.u32 $0xC800, s1  }
0xb: {  	s6 =	sadd.s32 s8, s6;
	s0 =	ssub.s32 s0, s19;
	s11 =	sadd.s32 s20, s4  }
0xc: {  	s9 =	sshrl.u32 s3, $0x3;
	s8 =	sshrl.u32 s6, $0x3;
	s6 =	sadd.s32 $0x8600, s7  }
0xd: {  	s14 =	smax.u32 s0, $0x1;
	s9 =	sadd.s32 s9, s7;
	s7 =	sadd.s32 s8, s7  }
0xe: {  	s15 =	sshrl.u32 s11, $0x3;
	s8 =	sor.u32 $0x1C07, s22;
	s21 =	sadd.s32 $0x198600, s7  }
0xf: {  	s10 =	sadd.s32 s6, s1;
	s23 =	sadd.s32 $0x5400, s9;
	[dreg:$0x4] =	wrdreg s21  }
.Ltmp0:
0x10: {  	s24 =	sadd.s32 $0x2200, s9;
	[dreg:$0x5] =	wrdreg s23;
	(pc) =	sbr.rel .LBB2_1-.Ltmp0, $4  }
0x11: {  	s22 =	simm.s32 $0x5500;
	s25 =	sadd.s32 $0x280, s10;
	[dreg:$0x6] =	wrdreg s24  }
0x12: {  	s1 =	simm.s32 $0x0;
	s26 =	sadd.s32 $0x1E8600, s7;
	[dreg:$0x7] =	wrdreg s25  }
0x13: {  	[dreg:$0x8] =	wrdreg s26;
	s21 =	simm.s32 $0x2D00;
	s23 =	simm.s32 $0x1  }
0x14: {  	s24 =	simm.s32 $0x3;
	s25 =	simm.s32 $0x6900;
	s26 =	simm.s32 $0x2  }
.LBB2_8:
0x15: {  	_ =	swait.ge [sflag:s30], $0x1400  }
0x16: {  	[sflag:s30] =	ssyncset.done $0x0  }
0x17: {  	[sflag:s30] =	ssyncadd.s32 $0xFFFFEC00  }
0x18: {  	_ =	swait.ge [sflag:s31], $0x1400  }
0x19: {  	[sflag:s31] =	ssyncset.done $0x0  }
0x1a: {  	s1 =	sadd.s32 $0x1, s1;
	[sflag:s31] =	ssyncadd.s32 $0xFFFFEC00  }
0x1b: {  	p0 =	sne.s32 s1, s14;
	[bflag:$0x0] =	sbarrier.arrive $0xFFFF  }
.Ltmp1:
0x1c: {  	s0 =	rddreg [dreg:$0x8];
	(pc) =	sbr.rel @!p0 .LBB2_9-.Ltmp1, $4  }
0x1d: {  	[hbm:s0], [sflag:s8] =	dma.local [spmem:s15], $0x2800  }
0x1e: {  	_ =	swait.ge [sflag:s16], $0x2800  }
0x1f: {  	[sflag:s16] =	ssyncset.done $0x0  }
0x20: {  	[sflag:s16] =	ssyncadd.s32 $0xFFFFD800  }
.LBB2_1:
0x21: {  	s0 =	rddreg [dreg:$0x4]  }
0x22: {  	[spmem:s15], [sflag:s8] =	dma.local [hbm:s0], $0x2800  }
0x23: {  	_ =	swait.ge [sflag:s16], $0x2800  }
0x24: {  	[sflag:s16] =	ssyncset.done $0x0  }
0x25: {  	s12 =	rddreg [dreg:$0x5];
	[sflag:s16] =	ssyncadd.s32 $0xFFFFD800  }
0x26: {  	[tilespmem:s5], [sflag:$0x7] =	stream.linear.gather [hbm4b:s12+s5], $0xC80, $0x38;
	[tilespmem:$0x1D100] =	vst v63  }
0x27: {  	_ =	swait.ge [sflag:s16], $0xC80  }
0x28: {  	[sflag:s16] =	ssyncset.done $0x0  }
0x29: {  	s7 =	simm.s32 $0xC80;
	s13 =	rddreg [dreg:$0x6];
	[sflag:s16] =	ssyncadd.s32 $0xFFFFF380  }
0x2a: {  	[tilespmem:s7], [sflag:$0x7] =	stream.linear.gather [hbm4b:s13+s5], $0xC80, $0x38;
	[tilespmem:$0x1D100] =	vst v63  }
0x2b: {  	_ =	swait.ge [sflag:s16], $0xC80  }
0x2c: {  	[sflag:s16] =	ssyncset.done $0x0  }
0x2d: {  	[sflag:s16] =	ssyncadd.s32 $0xFFFFF380  }
0x2e: {  	s17 =	simm.s32 $0x1900;
	[bflag:$0x0] =	sbarrier.arrive $0xFFFF  }
0x2f: {  	[tilespmem:s17], [sflag:$0x1] =	stream.indirect.gather [hbm4b:s2+s18], $0x80, s5, s18, $0xb8;
	[tilespmem:$0x1D100] =	vst v63  }
0x30: {  	s19 =	simm.s32 $0x4100  }
0x31: {  	[tilespmem:s19], [sflag:$0x3] =	stream.linear.gather [hbm4b:s10+s5], $0x1400, $0x38;
	[tilespmem:$0x1D100] =	vst v63  }
0x32: {  	_ = 	snop  }
0x33: {  	[tilespmem:s21], [sflag:$0x2] =	stream.indirect.gather [hbm4b:s2+s18], $0x80, s18, s18, $0xb8;
	[tilespmem:$0x1D100] =	vst v63  }
0x34: {  	s0 =	simm.s32 $0x0;
	s20 =	rddreg [dreg:$0x7]  }
0x35: {  	[tilespmem:s22], [sflag:$0x4] =	stream.linear.gather [hbm4b:s20+s5], $0x1400, $0x38;
	[tilespmem:$0x1D100] =	vst v63  }
.LBB2_2:
0x36: {  	_ =	swait.ge [sflag:s23], $0x1400  }
0x37: {  	[sflag:s23] =	ssyncset.done $0x0  }
0x38: {  	[sflag:s23] =	ssyncadd.s32 $0xFFFFEC00  }
0x39: {  	_ =	swait.ge [sflag:s24], $0x1400  }
0x3a: {  	p0 =	seq.s32 s0, $0x0;
	[sflag:s24] =	ssyncset.done $0x0  }
0x3b: {  	s7 =	simm.s32 @!p0 $0x5;
	[sflag:s24] =	ssyncadd.s32 $0xFFFFEC00  }
0x3c: {  	_ =	swait.ge @!p0 [sflag:s7], $0x1400  }
0x3d: {  	[sflag:s7] =	ssyncset.done @!p0 $0x0  }
0x3e: {  	s11 =	simm.s32 $0x1A00;
	[sflag:s7] =	ssyncadd.s32 @!p0 $0xFFFFEC00  }
0x3f: {  	s9 =	simm.s32 $0x4200;
	v0 =	vld [tilespmem:s11+$0x80]  }
0x40: {  	v1 =	vld [tilespmem:s9+$0x80];
	_ =	sdelay $0x4  }
0x41: {  	v2 =	vld [tilespmem:s11+$0xFFFFFF80];
	v0 =	vadd.f32 v1, v0  }
0x42: {  	v1 =	vld [tilespmem:s9+$0xFFFFFF80]  }
0x43: {  	s17 =	simm.s32 $0x6A00;
	v3 =	vld [tilespmem:s9+$0xFFFFFF00];
	v0 =	vmax.f32 v0, $0.0e+00  }
0x44: {  	v4 =	vld [tilespmem:s11+$0xFFFFFF00];
	[tilespmem:s17+$0x80] =	vst v0  }
0x45: {  	v0 =	vld [tilespmem:s11+$0x90]  }
0x46: {  	v5 =	vld [tilespmem:s9+$0x90]  }
0x47: {  	v6 =	vld [tilespmem:s11+$0x0];
	v1 =	vadd.f32 v1, v2  }
0x48: {  	v2 =	vld [tilespmem:s9+$0x0]  }
0x49: {  	v3 =	vadd.f32 v3, v4;
	v1 =	vmax.f32 v1, $0.0e+00  }
0x4a: {  	[tilespmem:s17+$0xFFFFFF80] =	vst v1  }
0x4b: {  	v3 =	vmax.f32 v3, $0.0e+00;
	v1 =	vld [tilespmem:s11+$0xFFFFFF90];
	v0 =	vadd.f32 v5, v0  }
0x4c: {  	[tilespmem:s17+$0xFFFFFF00] =	vst v3;
	v4 =	vld [tilespmem:s9+$0xFFFFFF90]  }
0x4d: {  	v3 =	vld [tilespmem:s11+$0xFFFFFF10];
	v2 =	vadd.f32 v2, v6;
	v0 =	vmax.f32 v0, $0.0e+00  }
0x4e: {  	v5 =	vld [tilespmem:s9+$0xFFFFFF10];
	[tilespmem:s17+$0x90] =	vst v0  }
0x4f: {  	v0 =	vmax.f32 v2, $0.0e+00;
	v2 =	vld [tilespmem:s11+$0xA0]  }
0x50: {  	[tilespmem:s17+$0x0] =	vst v0;
	v0 =	vld [tilespmem:s9+$0xA0]  }
0x51: {  	v6 =	vld [tilespmem:s11+$0x10];
	v1 =	vadd.f32 v4, v1  }
0x52: {  	v4 =	vld [tilespmem:s9+$0x10]  }
0x53: {  	v1 =	vmax.f32 v1, $0.0e+00  }
0x54: {  	v3 =	vadd.f32 v5, v3;
	[tilespmem:s17+$0xFFFFFF90] =	vst v1  }
0x55: {  	v1 =	vld [tilespmem:s11+$0xFFFFFFA0];
	v0 =	vadd.f32 v0, v2  }
0x56: {  	v3 =	vmax.f32 v3, $0.0e+00;
	v2 =	vld [tilespmem:s9+$0xFFFFFFA0]  }
0x57: {  	[tilespmem:s17+$0xFFFFFF10] =	vst v3;
	v3 =	vadd.f32 v4, v6;
	v0 =	vmax.f32 v0, $0.0e+00  }
0x58: {  	[tilespmem:s17+$0xA0] =	vst v0  }
0x59: {  	v0 =	vmax.f32 v3, $0.0e+00;
	v3 =	vld [tilespmem:s11+$0xB0]  }
0x5a: {  	[tilespmem:s17+$0x10] =	vst v0;
	v0 =	vld [tilespmem:s9+$0xB0]  }
0x5b: {  	v1 =	vadd.f32 v2, v1;
	v2 =	vld [tilespmem:s11+$0x20]  }
0x5c: {  	v6 =	vld [tilespmem:s9+$0x20]  }
0x5d: {  	v5 =	vld [tilespmem:s9+$0xFFFFFF20];
	v1 =	vmax.f32 v1, $0.0e+00  }
0x5e: {  	v4 =	vld [tilespmem:s11+$0xFFFFFF20];
	[tilespmem:s17+$0xFFFFFFA0] =	vst v1  }
0x5f: {  	v1 =	vld [tilespmem:s11+$0xFFFFFFB0];
	v0 =	vadd.f32 v0, v3  }
0x60: {  	v3 =	vld [tilespmem:s9+$0xFFFFFFB0]  }
0x61: {  	v2 =	vadd.f32 v6, v2;
	v0 =	vmax.f32 v0, $0.0e+00  }
0x62: {  	[tilespmem:s17+$0xB0] =	vst v0  }
0x63: {  	v4 =	vadd.f32 v5, v4;
	v0 =	vmax.f32 v2, $0.0e+00;
	v2 =	vld [tilespmem:s11+$0xC0]  }
0x64: {  	[tilespmem:s17+$0x20] =	vst v0;
	v0 =	vld [tilespmem:s9+$0xC0]  }
0x65: {  	v4 =	vmax.f32 v4, $0.0e+00;
	v1 =	vadd.f32 v3, v1;
	v3 =	vld [tilespmem:s11+$0x30]  }
0x66: {  	[tilespmem:s17+$0xFFFFFF20] =	vst v4;
	v6 =	vld [tilespmem:s9+$0x30]  }
0x67: {  	v4 =	vld [tilespmem:s11+$0xFFFFFF30];
	v1 =	vmax.f32 v1, $0.0e+00  }
0x68: {  	v5 =	vld [tilespmem:s9+$0xFFFFFF30];
	[tilespmem:s17+$0xFFFFFFB0] =	vst v1  }
0x69: {  	v1 =	vld [tilespmem:s11+$0xFFFFFFC0];
	v0 =	vadd.f32 v0, v2  }
0x6a: {  	v2 =	vld [tilespmem:s9+$0xFFFFFFC0]  }
0x6b: {  	s7 =	simm.s32 $0x4400;
	v3 =	vadd.f32 v6, v3;
	v0 =	vmax.f32 v0, $0.0e+00  }
0x6c: {  	v10 =	vld [tilespmem:s7+$0xFFFFFF00];
	[tilespmem:s17+$0xC0] =	vst v0  }
0x6d: {  	v0 =	vmax.f32 v3, $0.0e+00;
	v3 =	vld [tilespmem:s11+$0xD0]  }
0x6e: {  	v4 =	vadd.f32 v5, v4;
	[tilespmem:s17+$0x30] =	vst v0;
	v0 =	vld [tilespmem:s9+$0xD0]  }
0x6f: {  	v1 =	vadd.f32 v2, v1;
	v2 =	vld [tilespmem:s11+$0x40]  }
0x70: {  	s20 =	simm.s32 $0x1C00;
	v4 =	vmax.f32 v4, $0.0e+00;
	v6 =	vld [tilespmem:s9+$0x40]  }
0x71: {  	v53 =	vld [tilespmem:s20+$0xFFFFFF00];
	[tilespmem:s17+$0xFFFFFF30] =	vst v4  }
0x72: {  	v4 =	vld [tilespmem:s11+$0xFFFFFF40]  }
0x73: {  	v5 =	vld [tilespmem:s9+$0xFFFFFF40];
	v0 =	vadd.f32 v0, v3  }
0x74: {  	v8 =	vld [tilespmem:s20+$0x80]  }
0x75: {  	v9 =	vld [tilespmem:s7+$0x80];
	v2 =	vadd.f32 v6, v2;
	v0 =	vmax.f32 v0, $0.0e+00  }
0x76: {  	v11 =	vld [tilespmem:s7+$0xFFFFFF80];
	v10 =	vadd.f32 v10, v53;
	[tilespmem:s17+$0xD0] =	vst v0  }
0x77: {  	v0 =	vmax.f32 v2, $0.0e+00;
	v2 =	vld [tilespmem:s11+$0xE0]  }
0x78: {  	s19 =	simm.s32 $0x6C00;
	v10 =	vmax.f32 v10, $0.0e+00;
	v4 =	vadd.f32 v5, v4;
	[tilespmem:s17+$0x40] =	vst v0;
	v0 =	vld [tilespmem:s9+$0xE0]  }
0x79: {  	v12 =	vld [tilespmem:s20+$0x0];
	[tilespmem:s19+$0xFFFFFF00] =	vst v10;
	v1 =	vmax.f32 v1, $0.0e+00  }
0x7a: {  	v10 =	vld [tilespmem:s20+$0xFFFFFF10];
	[tilespmem:s17+$0xFFFFFFC0] =	vst v1;
	v4 =	vmax.f32 v4, $0.0e+00  }
0x7b: {  	v1 =	vld [tilespmem:s11+$0xFFFFFFD0];
	[tilespmem:s17+$0xFFFFFF40] =	vst v4  }
0x7c: {  	v4 =	vld [tilespmem:s11+$0xFFFFFF50]  }
0x7d: {  	v5 =	vld [tilespmem:s9+$0xFFFFFF50];
	v0 =	vadd.f32 v0, v2  }
0x7e: {  	v2 =	vld [tilespmem:s20+$0xFFFFFF80]  }
0x7f: {  	v3 =	vld [tilespmem:s9+$0xFFFFFFD0];
	v0 =	vmax.f32 v0, $0.0e+00  }
0x80: {  	v6 =	vld [tilespmem:s11+$0x50];
	[tilespmem:s17+$0xE0] =	vst v0;
	v0 =	vadd.f32 v9, v8  }
0x81: {  	v7 =	vld [tilespmem:s9+$0x50]  }
0x82: {  	v4 =	vadd.f32 v5, v4;
	v5 =	vld [tilespmem:s7+$0x0];
	v0 =	vmax.f32 v0, $0.0e+00  }
0x83: {  	v55 =	vld [tilespmem:s7+$0xFFFFFF10];
	v2 =	vadd.f32 v11, v2;
	[tilespmem:s19+$0x80] =	vst v0  }
0x84: {  	v0 =	vmax.f32 v4, $0.0e+00;
	v4 =	vld [tilespmem:s20+$0x90]  }
0x85: {  	v1 =	vadd.f32 v3, v1;
	[tilespmem:s17+$0xFFFFFF50] =	vst v0;
	v0 =	vmax.f32 v2, $0.0e+00;
	v2 =	vld [tilespmem:s7+$0x90]  }
0x86: {  	v6 =	vadd.f32 v7, v6;
	v8 =	vld [tilespmem:s11+$0xF0]  }
0x87: {  	v1 =	vmax.f32 v1, $0.0e+00;
	v5 =	vadd.f32 v5, v12;
	v52 =	vld [tilespmem:s9+$0xF0];
	[tilespmem:s19+$0xFFFFFF80] =	vst v0  }
0x88: {  	[tilespmem:s17+$0xFFFFFFD0] =	vst v1;
	v6 =	vmax.f32 v6, $0.0e+00;
	v3 =	vld [tilespmem:s20+$0xFFFFFF90]  }
0x89: {  	v1 =	vmax.f32 v5, $0.0e+00;
	[tilespmem:s17+$0x50] =	vst v6;
	v54 =	vld [tilespmem:s7+$0xFFFFFF90]  }
0x8a: {  	v6 =	vld [tilespmem:s9+$0xFFFFFFE0];
	[tilespmem:s19+$0x0] =	vst v1;
	v1 =	vadd.f32 v2, v4  }
0x8b: {  	v58 =	vld [tilespmem:s11+$0x60]  }
0x8c: {  	v59 =	vld [tilespmem:s9+$0x60];
	v1 =	vmax.f32 v1, $0.0e+00  }
0x8d: {  	v0 =	vld [tilespmem:s11+$0xFFFFFF60];
	[tilespmem:s19+$0x90] =	vst v1  }
0x8e: {  	v3 =	vadd.f32 v54, v3;
	v1 =	vld [tilespmem:s20+$0xA0]  }
0x8f: {  	v56 =	vld [tilespmem:s7+$0xA0]  }
0x90: {  	v4 =	vld [tilespmem:s20+$0x10];
	v3 =	vmax.f32 v3, $0.0e+00  }
0x91: {  	[tilespmem:s19+$0xFFFFFF90] =	vst v3;
	v3 =	vld [tilespmem:s7+$0x10]  }
0x92: {  	v10 =	vadd.f32 v55, v10;
	v7 =	vld [tilespmem:s20+$0xFFFFFFA0]  }
0x93: {  	v57 =	vld [tilespmem:s7+$0xFFFFFFA0]  }
0x94: {  	v10 =	vmax.f32 v10, $0.0e+00;
	v5 =	vld [tilespmem:s9+$0xFFFFFF60];
	v1 =	vadd.f32 v56, v1  }
0x95: {  	[tilespmem:s19+$0xFFFFFF10] =	vst v10;
	v2 =	vld [tilespmem:s11+$0xFFFFFFE0]  }
0x96: {  	v3 =	vadd.f32 v3, v4;
	v4 =	vld [tilespmem:s20+$0xFFFFFF20];
	v1 =	vmax.f32 v1, $0.0e+00  }
0x97: {  	[tilespmem:s19+$0xA0] =	vst v1;
	v1 =	vld [tilespmem:s7+$0xFFFFFF20]  }
0x98: {  	v7 =	vadd.f32 v57, v7;
	v3 =	vmax.f32 v3, $0.0e+00;
	v60 =	vld [tilespmem:s20+$0xB0]  }
0x99: {  	v0 =	vadd.f32 v5, v0;
	[tilespmem:s19+$0x10] =	vst v3;
	v3 =	vld [tilespmem:s7+$0xB0]  }
0x9a: {  	v5 =	vmax.f32 v7, $0.0e+00;
	v7 =	vld [tilespmem:s20+$0x20]  }
0x9b: {  	v0 =	vmax.f32 v0, $0.0e+00;
	[tilespmem:s19+$0xFFFFFFA0] =	vst v5;
	v5 =	vld [tilespmem:s7+$0x20]  }
0x9c: {  	[tilespmem:s17+$0xFFFFFF60] =	vst v0;
	v0 =	vld [tilespmem:s7+$0xFFFFFFB0];
	v1 =	vadd.f32 v1, v4  }
0x9d: {  	v4 =	vld [tilespmem:s20+$0xFFFFFFB0]  }
0x9e: {  	v61 =	vld [tilespmem:s11+$0xFFFFFF70];
	v3 =	vadd.f32 v3, v60;
	v1 =	vmax.f32 v1, $0.0e+00  }
0x9f: {  	[tilespmem:s19+$0xFFFFFF20] =	vst v1;
	v1 =	vld [tilespmem:s9+$0xFFFFFF70]  }
0xa0: {  	v5 =	vadd.f32 v5, v7;
	v3 =	vmax.f32 v3, $0.0e+00;
	v7 =	vld [tilespmem:s20+$0xFFFFFF30]  }
0xa1: {  	[tilespmem:s19+$0xB0] =	vst v3;
	v3 =	vld [tilespmem:s7+$0xFFFFFF30]  }
0xa2: {  	v0 =	vadd.f32 v0, v4;
	v4 =	vmax.f32 v5, $0.0e+00;
	v5 =	vld [tilespmem:s20+$0xC0]  }
0xa3: {  	[tilespmem:s19+$0x20] =	vst v4;
	v4 =	vld [tilespmem:s7+$0xC0]  }
0xa4: {  	v2 =	vadd.f32 v6, v2;
	v0 =	vmax.f32 v0, $0.0e+00;
	v6 =	vld [tilespmem:s20+$0x30]  }
0xa5: {  	[tilespmem:s19+$0xFFFFFFB0] =	vst v0;
	v0 =	vld [tilespmem:s7+$0x30]  }
0xa6: {  	v2 =	vmax.f32 v2, $0.0e+00;
	v3 =	vadd.f32 v3, v7;
	v7 =	vld [tilespmem:s20+$0xFFFFFFC0]  }
0xa7: {  	[tilespmem:s17+$0xFFFFFFE0] =	vst v2;
	v2 =	vld [tilespmem:s7+$0xFFFFFFC0]  }
0xa8: {  	v3 =	vmax.f32 v3, $0.0e+00;
	v4 =	vadd.f32 v4, v5;
	v5 =	vld [tilespmem:s11+$0xFFFFFFF0]  }
0xa9: {  	[tilespmem:s19+$0xFFFFFF30] =	vst v3;
	v3 =	vld [tilespmem:s9+$0xFFFFFFF0]  }
0xaa: {  	v0 =	vadd.f32 v0, v6;
	v6 =	vld [tilespmem:s20+$0xFFFFFF40];
	v4 =	vmax.f32 v4, $0.0e+00  }
0xab: {  	[tilespmem:s19+$0xC0] =	vst v4;
	v4 =	vld [tilespmem:s7+$0xFFFFFF40]  }
0xac: {  	v2 =	vadd.f32 v2, v7;
	v0 =	vmax.f32 v0, $0.0e+00;
	v7 =	vld [tilespmem:s20+$0xD0]  }
0xad: {  	[tilespmem:s19+$0x30] =	vst v0;
	v0 =	vld [tilespmem:s7+$0xD0]  }
0xae: {  	v10 =	vadd.f32 v59, v58;
	v2 =	vmax.f32 v2, $0.0e+00;
	v62 =	vld [tilespmem:s20+$0x40]  }
0xaf: {  	[tilespmem:s19+$0xFFFFFFC0] =	vst v2;
	v2 =	vld [tilespmem:s7+$0x40]  }
0xb0: {  	v10 =	vmax.f32 v10, $0.0e+00;
	v63 =	vld [tilespmem:s7+$0xFFFFFFD0];
	v4 =	vadd.f32 v4, v6  }
0xb1: {  	v8 =	vadd.f32 v52, v8;
	[tilespmem:s17+$0x60] =	vst v10;
	v6 =	vld [tilespmem:s20+$0xFFFFFFD0]  }
0xb2: {  	v10 =	vld [tilespmem:s9+$0x70];
	v4 =	vmax.f32 v4, $0.0e+00;
	v0 =	vadd.f32 v0, v7  }
0xb3: {  	v8 =	vmax.f32 v8, $0.0e+00;
	v1 =	vadd.f32 v1, v61;
	v7 =	vld [tilespmem:s11+$0x70];
	[tilespmem:s19+$0xFFFFFF40] =	vst v4  }
0xb4: {  	[tilespmem:s17+$0xF0] =	vst v8;
	v8 =	vadd.f32 v2, v62;
	v2 =	vld [tilespmem:s20+$0xFFFFFF50];
	v0 =	vmax.f32 v0, $0.0e+00  }
0xb5: {  	v1 =	vmax.f32 v1, $0.0e+00;
	v3 =	vadd.f32 v3, v5;
	v4 =	vld [tilespmem:s7+$0xFFFFFF50];
	[tilespmem:s19+$0xD0] =	vst v0  }
0xb6: {  	[tilespmem:s17+$0xFFFFFF70] =	vst v1;
	v0 =	vadd.f32 v63, v6;
	v5 =	vmax.f32 v8, $0.0e+00;
	v1 =	vld [tilespmem:s20+$0xE0]  }
0xb7: {  	v6 =	vmax.f32 v3, $0.0e+00;
	[tilespmem:s19+$0x40] =	vst v5;
	v3 =	vld [tilespmem:s7+$0xE0]  }
0xb8: {  	[tilespmem:s17+$0xFFFFFFF0] =	vst v6;
	v6 =	vmax.f32 v0, $0.0e+00;
	v5 =	vld [tilespmem:s20+$0x50];
	v0 =	vadd.f32 v10, v7  }
0xb9: {  	s12 =	simm.s32 $0x1E00;
	s9 =	simm.s32 $0x4400;
	s11 =	simm.s32 $0x4;
	[tilespmem:s19+$0xFFFFFFD0] =	vst v6;
	v6 =	vld [tilespmem:s7+$0x50]  }
.LBB2_3:
0xba: {  	v7 =	vld [tilespmem:s12+$0x80];
	v2 =	vadd.f32 v4, v2;
	s7 =	sadd.s32 $0x200, s7;
	v0 =	vmax.f32 v0, $0.0e+00  }
0xbb: {  	v4 =	vld [tilespmem:s7+$0x80];
	[tilespmem:s17+$0x70] =	vst v0;
	s17 =	smov.u32 s19  }
0xbc: {  	v0 =	vld [tilespmem:s7+$0xFFFFFF00];
	v2 =	vmax.f32 v2, $0.0e+00;
	v1 =	vadd.f32 v3, v1  }
0xbd: {  	v3 =	vld [tilespmem:s12+$0xFFFFFF80];
	[tilespmem:s19+$0xFFFFFF50] =	vst v2  }
0xbe: {  	v2 =	vld [tilespmem:s7+$0xFFFFFF80];
	v5 =	vadd.f32 v6, v5;
	v1 =	vmax.f32 v1, $0.0e+00  }
0xbf: {  	v6 =	vld [tilespmem:s12+$0x0];
	[tilespmem:s19+$0xE0] =	vst v1  }
0xc0: {  	v1 =	vadd.f32 v4, v7;
	v4 =	vmax.f32 v5, $0.0e+00;
	v5 =	vld [tilespmem:s20+$0xF0]  }
0xc1: {  	[tilespmem:s19+$0x50] =	vst v4;
	v4 =	vld [tilespmem:s9+$0xF0]  }
0xc2: {  	s11 =	sadd.s32 $0x4, s11;
	s19 =	sadd.s32 $0x200, s19;
	v7 =	vld [tilespmem:s7+$0x0];
	v1 =	vmax.f32 v1, $0.0e+00  }
0xc3: {  	p1 =	slt.u32 s11, $0x24;
	v8 =	vld [tilespmem:s12+$0xFFFFFF00];
	v2 =	vadd.f32 v2, v3;
	[tilespmem:s19+$0x80] =	vst v1  }
0xc4: {  	v1 =	vld [tilespmem:s12+$0x90]  }
0xc5: {  	v2 =	vmax.f32 v2, $0.0e+00;
	v3 =	vld [tilespmem:s7+$0x90]  }
0xc6: {  	[tilespmem:s19+$0xFFFFFF80] =	vst v2;
	v2 =	vld [tilespmem:s20+$0xFFFFFF60];
	v4 =	vadd.f32 v4, v5  }
0xc7: {  	v5 =	vld [tilespmem:s12+$0xFFFFFF90];
	v6 =	vadd.f32 v7, v6  }
0xc8: {  	v0 =	vadd.f32 v0, v8;
	v7 =	vld [tilespmem:s7+$0xFFFFFF90];
	v4 =	vmax.f32 v4, $0.0e+00  }
0xc9: {  	v6 =	vmax.f32 v6, $0.0e+00;
	v8 =	vld [tilespmem:s9+$0xFFFFFF60];
	[tilespmem:s17+$0xF0] =	vst v4  }
0xca: {  	v0 =	vmax.f32 v0, $0.0e+00;
	[tilespmem:s19+$0x0] =	vst v6;
	v1 =	vadd.f32 v3, v1;
	v3 =	vld [tilespmem:s20+$0xFFFFFFE0]  }
0xcb: {  	[tilespmem:s19+$0xFFFFFF00] =	vst v0;
	v0 =	vld [tilespmem:s12+$0x10]  }
0xcc: {  	v4 =	vld [tilespmem:s12+$0xFFFFFF10];
	v1 =	vmax.f32 v1, $0.0e+00  }
0xcd: {  	v6 =	vld [tilespmem:s7+$0xFFFFFF10];
	v5 =	vadd.f32 v7, v5;
	[tilespmem:s19+$0x90] =	vst v1  }
0xce: {  	v1 =	vld [tilespmem:s12+$0xA0];
	v2 =	vadd.f32 v8, v2  }
0xcf: {  	v5 =	vmax.f32 v5, $0.0e+00;
	v7 =	vld [tilespmem:s7+$0xA0]  }
0xd0: {  	[tilespmem:s19+$0xFFFFFF90] =	vst v5;
	v5 =	vld [tilespmem:s7+$0x10];
	v2 =	vmax.f32 v2, $0.0e+00  }
0xd1: {  	v8 =	vld [tilespmem:s12+$0xFFFFFFA0];
	[tilespmem:s17+$0xFFFFFF60] =	vst v2  }
0xd2: {  	v2 =	vadd.f32 v6, v4;
	v4 =	vld [tilespmem:s7+$0xFFFFFFA0]  }
0xd3: {  	v6 =	vld [tilespmem:s9+$0xFFFFFFE0]  }
0xd4: {  	v2 =	vmax.f32 v2, $0.0e+00;
	v1 =	vadd.f32 v7, v1;
	v7 =	vld [tilespmem:s20+$0x60]  }
0xd5: {  	[tilespmem:s19+$0xFFFFFF10] =	vst v2;
	v0 =	vadd.f32 v5, v0;
	v2 =	vld [tilespmem:s9+$0x60]  }
0xd6: {  	v5 =	vld [tilespmem:s12+$0xFFFFFF20];
	v1 =	vmax.f32 v1, $0.0e+00  }
0xd7: {  	v9 =	vld [tilespmem:s7+$0xFFFFFF20];
	v4 =	vadd.f32 v4, v8;
	v0 =	vmax.f32 v0, $0.0e+00;
	[tilespmem:s19+$0xA0] =	vst v1  }
0xd8: {  	[tilespmem:s19+$0x10] =	vst v0;
	v0 =	vld [tilespmem:s12+$0xB0];
	v1 =	vadd.f32 v6, v3  }
0xd9: {  	v3 =	vmax.f32 v4, $0.0e+00;
	v4 =	vld [tilespmem:s7+$0xB0]  }
0xda: {  	[tilespmem:s19+$0xFFFFFFA0] =	vst v3;
	v3 =	vld [tilespmem:s12+$0x20];
	v1 =	vmax.f32 v1, $0.0e+00;
	v2 =	vadd.f32 v2, v7  }
0xdb: {  	v6 =	vld [tilespmem:s7+$0x20];
	[tilespmem:s17+$0xFFFFFFE0] =	vst v1  }
0xdc: {  	v1 =	vadd.f32 v9, v5;
	v5 =	vld [tilespmem:s12+$0xFFFFFFB0];
	v2 =	vmax.f32 v2, $0.0e+00  }
0xdd: {  	v7 =	vld [tilespmem:s7+$0xFFFFFFB0];
	[tilespmem:s17+$0x60] =	vst v2  }
0xde: {  	v1 =	vmax.f32 v1, $0.0e+00;
	v0 =	vadd.f32 v4, v0;
	v2 =	vld [tilespmem:s20+$0xFFFFFF70]  }
0xdf: {  	[tilespmem:s19+$0xFFFFFF20] =	vst v1;
	v1 =	vld [tilespmem:s9+$0xFFFFFF70]  }
0xe0: {  	v4 =	vld [tilespmem:s12+$0xFFFFFF30];
	v3 =	vadd.f32 v6, v3;
	v0 =	vmax.f32 v0, $0.0e+00  }
0xe1: {  	v6 =	vld [tilespmem:s7+$0xFFFFFF30];
	[tilespmem:s19+$0xB0] =	vst v0  }
0xe2: {  	v0 =	vadd.f32 v7, v5;
	v3 =	vmax.f32 v3, $0.0e+00;
	v5 =	vld [tilespmem:s12+$0xC0]  }
0xe3: {  	[tilespmem:s19+$0x20] =	vst v3;
	v3 =	vld [tilespmem:s7+$0xC0]  }
0xe4: {  	v0 =	vmax.f32 v0, $0.0e+00;
	v7 =	vld [tilespmem:s12+$0x30];
	v1 =	vadd.f32 v1, v2  }
0xe5: {  	[tilespmem:s19+$0xFFFFFFB0] =	vst v0;
	v0 =	vld [tilespmem:s7+$0x30]  }
0xe6: {  	v2 =	vadd.f32 v6, v4;
	v4 =	vld [tilespmem:s12+$0xFFFFFFC0];
	v1 =	vmax.f32 v1, $0.0e+00  }
0xe7: {  	v6 =	vld [tilespmem:s7+$0xFFFFFFC0];
	[tilespmem:s17+$0xFFFFFF70] =	vst v1  }
0xe8: {  	v1 =	vmax.f32 v2, $0.0e+00;
	v2 =	vadd.f32 v3, v5;
	v3 =	vld [tilespmem:s20+$0xFFFFFFF0]  }
0xe9: {  	[tilespmem:s19+$0xFFFFFF30] =	vst v1;
	v1 =	vld [tilespmem:s9+$0xFFFFFFF0]  }
0xea: {  	v5 =	vld [tilespmem:s12+$0xFFFFFF40];
	v0 =	vadd.f32 v0, v7;
	v2 =	vmax.f32 v2, $0.0e+00  }
0xeb: {  	v7 =	vld [tilespmem:s7+$0xFFFFFF40];
	[tilespmem:s19+$0xC0] =	vst v2  }
0xec: {  	v2 =	vadd.f32 v6, v4;
	v0 =	vmax.f32 v0, $0.0e+00;
	v4 =	vld [tilespmem:s12+$0xD0]  }
0xed: {  	[tilespmem:s19+$0x30] =	vst v0;
	v0 =	vld [tilespmem:s7+$0xD0]  }
0xee: {  	v2 =	vmax.f32 v2, $0.0e+00;
	v6 =	vld [tilespmem:s12+$0x40];
	v1 =	vadd.f32 v1, v3  }
0xef: {  	[tilespmem:s19+$0xFFFFFFC0] =	vst v2;
	v3 =	vld [tilespmem:s7+$0x40]  }
0xf0: {  	v2 =	vadd.f32 v7, v5;
	v5 =	vld [tilespmem:s12+$0xFFFFFFD0];
	v1 =	vmax.f32 v1, $0.0e+00  }
0xf1: {  	v7 =	vld [tilespmem:s7+$0xFFFFFFD0];
	[tilespmem:s17+$0xFFFFFFF0] =	vst v1  }
0xf2: {  	v1 =	vmax.f32 v2, $0.0e+00;
	v0 =	vadd.f32 v0, v4;
	v8 =	vld [tilespmem:s20+$0x70];
	s20 =	smov.u32 s12  }
0xf3: {  	[tilespmem:s19+$0xFFFFFF40] =	vst v1;
	v9 =	vld [tilespmem:s9+$0x70];
	s9 =	smov.u32 s7  }
0xf4: {  	v2 =	vld [tilespmem:s12+$0xFFFFFF50];
	v1 =	vadd.f32 v3, v6;
	v0 =	vmax.f32 v0, $0.0e+00  }
.Ltmp2:
0xf5: {  	v4 =	vld [tilespmem:s7+$0xFFFFFF50];
	[tilespmem:s19+$0xD0] =	vst v0;
	(pc) =	sbr.rel @p1 .LBB2_3-.Ltmp2, $4  }
0xf6: {  	v0 =	vadd.f32 v7, v5;
	v3 =	vmax.f32 v1, $0.0e+00;
	v1 =	vld [tilespmem:s12+$0xE0]  }
0xf7: {  	[tilespmem:s19+$0x40] =	vst v3;
	v3 =	vld [tilespmem:s7+$0xE0]  }
0xf8: {  	v6 =	vmax.f32 v0, $0.0e+00;
	v5 =	vld [tilespmem:s12+$0x50];
	v0 =	vadd.f32 v9, v8  }
0xf9: {  	s12 =	sadd.s32 $0x200, s12;
	[tilespmem:s19+$0xFFFFFFD0] =	vst v6;
	v6 =	vld [tilespmem:s7+$0x50]  }
0xfa: {  	v2 =	vadd.f32 v4, v2;
	_ =	sdelay $0x1  }
0xfb: {  	v2 =	vmax.f32 v2, $0.0e+00  }
0xfc: {  	[tilespmem:s19+$0xFFFFFF50] =	vst v2  }
0xfd: {  	v2 =	vadd.f32 v6, v5;
	v4 =	vld [tilespmem:s20+$0xFFFFFF60]  }
0xfe: {  	v5 =	vld [tilespmem:s9+$0xFFFFFF60]  }
0xff: {  	v6 =	vld [tilespmem:s20+$0xFFFFFFE0];
	v2 =	vmax.f32 v2, $0.0e+00  }
0x100: {  	[tilespmem:s19+$0x50] =	vst v2;
	v2 =	vld [tilespmem:s9+$0xFFFFFFE0]  }
0x101: {  	v1 =	vadd.f32 v3, v1;
	v3 =	vld [tilespmem:s20+$0x60]  }
0x102: {  	v7 =	vld [tilespmem:s9+$0x60]  }
0x103: {  	v1 =	vmax.f32 v1, $0.0e+00;
	v4 =	vadd.f32 v5, v4  }
0x104: {  	[tilespmem:s19+$0xE0] =	vst v1  }
0x105: {  	v1 =	vld [tilespmem:s20+$0xF0];
	v4 =	vmax.f32 v4, $0.0e+00;
	v2 =	vadd.f32 v2, v6  }
0x106: {  	v5 =	vld [tilespmem:s9+$0xF0];
	[tilespmem:s19+$0xFFFFFF60] =	vst v4  }
0x107: {  	v3 =	vadd.f32 v7, v3;
	v4 =	vld [tilespmem:s20+$0xFFFFFF70];
	v2 =	vmax.f32 v2, $0.0e+00  }
0x108: {  	[tilespmem:s19+$0xFFFFFFE0] =	vst v2;
	v2 =	vld [tilespmem:s9+$0xFFFFFF70]  }
0x109: {  	v3 =	vmax.f32 v3, $0.0e+00;
	v6 =	vld [tilespmem:s20+$0xFFFFFFF0]  }
0x10a: {  	[tilespmem:s19+$0x60] =	vst v3;
	v3 =	vld [tilespmem:s9+$0xFFFFFFF0]  }
0x10b: {  	v7 =	vld [tilespmem:s20+$0x70]  }
0x10c: {  	v8 =	vld [tilespmem:s9+$0x70];
	_ =	sdelay $0x1  }
0x10d: {  	v1 =	vadd.f32 v5, v1  }
0x10e: {  	v0 =	vmax.f32 v0, $0.0e+00;
	v2 =	vadd.f32 v2, v4  }
0x10f: {  	[tilespmem:s17+$0x70] =	vst v0;
	v0 =	vmax.f32 v1, $0.0e+00;
	v1 =	vadd.f32 v3, v6  }
0x110: {  	s7 =	smul.u32 $0x140, s0;
	[tilespmem:s19+$0xF0] =	vst v0;
	v0 =	vmax.f32 v2, $0.0e+00;
	v2 =	vadd.f32 v8, v7  }
0x111: {  	[tilespmem:s19+$0xFFFFFF70] =	vst v0;
	v0 =	vmax.f32 v1, $0.0e+00  }
0x112: {  	p1 =	seq.s32 s0, $0x27;
	s17 =	sshra.s32 s7, $0x2;
	[tilespmem:s19+$0xFFFFFFF0] =	vst v0;
	v0 =	vmax.f32 v2, $0.0e+00  }
0x113: {  	s7 =	sadd.s32 $0xC80, s17;
	s9 =	smul.u32 @!p1 $0x50, s0;
	[tilespmem:s19+$0x70] =	vst v0  }
0x114: {  	[spmem:s4] =	stream.indirect.scatter.add.f32 [tilespmem:s25], [sflag:$0x5], $0x80, s7, s18, $0xb8;
	[tilespmem:$0x1D100] =	vst v63  }
0x115: {  	s11 =	simm.s32 @!p1 $0x1900;
	s7 =	sadd.s32 @!p1 $0x50, s9;
	s9 =	simm.s32 @!p1 $0x28  }
0x116: {  	[tilespmem:s11], [sflag:$0x1] =	stream.indirect.gather @!p1 [hbm4b:s2+s9], $0x80, s7, s9, $0xb8;
	[tilespmem:$0x1D100] =	vst v63  }
0x117: {  	s7 =	sadd.s32 @!p1 s3, s7  }
0x118: {  	s7 =	sshll.u32 @!p1 s7, $0x4  }
0x119: {  	s9 =	simm.s32 @!p1 $0x0;
	s11 =	simm.s32 @!p1 $0x4100;
	s7 =	sadd.s32 @!p1 s6, s7  }
0x11a: {  	[tilespmem:s11], [sflag:$0x3] =	stream.linear.gather @!p1 [hbm4b:s7+s9], $0x1400, $0x38;
	[tilespmem:$0x1D100] =	vst v63  }
0x11b: {  	_ =	swait.ge [sflag:s26], $0x1400  }
0x11c: {  	[sflag:s26] =	ssyncset.done $0x0  }
0x11d: {  	[sflag:s26] =	ssyncadd.s32 $0xFFFFEC00  }
0x11e: {  	_ =	swait.ge [sflag:s28], $0x1400  }
0x11f: {  	[sflag:s28] =	ssyncset.done $0x0  }
0x120: {  	s7 =	simm.s32 @!p0 $0x6;
	[sflag:s28] =	ssyncadd.s32 $0xFFFFEC00  }
0x121: {  	_ =	swait.ge @!p0 [sflag:s7], $0x1400  }
0x122: {  	[sflag:s7] =	ssyncset.done @!p0 $0x0  }
0x123: {  	s12 =	simm.s32 $0x2E00;
	[sflag:s7] =	ssyncadd.s32 @!p0 $0xFFFFEC00  }
0x124: {  	s13 =	simm.s32 $0x5600;
	v0 =	vld [tilespmem:s12+$0x80]  }
0x125: {  	v1 =	vld [tilespmem:s13+$0x80];
	_ =	sdelay $0x4  }
0x126: {  	v2 =	vld [tilespmem:s12+$0xFFFFFF80];
	v0 =	vadd.f32 v1, v0  }
0x127: {  	v1 =	vld [tilespmem:s13+$0xFFFFFF80]  }
0x128: {  	s19 =	simm.s32 $0x7E00;
	v3 =	vld [tilespmem:s13+$0xFFFFFF00];
	v0 =	vmax.f32 v0, $0.0e+00  }
0x129: {  	v4 =	vld [tilespmem:s12+$0xFFFFFF00];
	[tilespmem:s19+$0x80] =	vst v0  }
0x12a: {  	v0 =	vld [tilespmem:s12+$0x90]  }
0x12b: {  	v5 =	vld [tilespmem:s13+$0x90]  }
0x12c: {  	v6 =	vld [tilespmem:s12+$0x0];
	v1 =	vadd.f32 v1, v2  }
0x12d: {  	v2 =	vld [tilespmem:s13+$0x0]  }
0x12e: {  	v3 =	vadd.f32 v3, v4;
	v1 =	vmax.f32 v1, $0.0e+00  }
0x12f: {  	[tilespmem:s19+$0xFFFFFF80] =	vst v1  }
0x130: {  	v3 =	vmax.f32 v3, $0.0e+00;
	v1 =	vld [tilespmem:s12+$0xFFFFFF90];
	v0 =	vadd.f32 v5, v0  }
0x131: {  	[tilespmem:s19+$0xFFFFFF00] =	vst v3;
	v4 =	vld [tilespmem:s13+$0xFFFFFF90]  }
0x132: {  	v3 =	vld [tilespmem:s12+$0xFFFFFF10];
	v2 =	vadd.f32 v2, v6;
	v0 =	vmax.f32 v0, $0.0e+00  }
0x133: {  	v5 =	vld [tilespmem:s13+$0xFFFFFF10];
	[tilespmem:s19+$0x90] =	vst v0  }
0x134: {  	v0 =	vmax.f32 v2, $0.0e+00;
	v2 =	vld [tilespmem:s12+$0xA0]  }
0x135: {  	[tilespmem:s19+$0x0] =	vst v0;
	v0 =	vld [tilespmem:s13+$0xA0]  }
0x136: {  	v6 =	vld [tilespmem:s12+$0x10];
	v1 =	vadd.f32 v4, v1  }
0x137: {  	v4 =	vld [tilespmem:s13+$0x10]  }
0x138: {  	v1 =	vmax.f32 v1, $0.0e+00  }
0x139: {  	v3 =	vadd.f32 v5, v3;
	[tilespmem:s19+$0xFFFFFF90] =	vst v1  }
0x13a: {  	v1 =	vld [tilespmem:s12+$0xFFFFFFA0];
	v0 =	vadd.f32 v0, v2  }
0x13b: {  	v3 =	vmax.f32 v3, $0.0e+00;
	v2 =	vld [tilespmem:s13+$0xFFFFFFA0]  }
0x13c: {  	[tilespmem:s19+$0xFFFFFF10] =	vst v3;
	v3 =	vadd.f32 v4, v6;
	v0 =	vmax.f32 v0, $0.0e+00  }
0x13d: {  	[tilespmem:s19+$0xA0] =	vst v0  }
0x13e: {  	v0 =	vmax.f32 v3, $0.0e+00;
	v3 =	vld [tilespmem:s12+$0xB0]  }
0x13f: {  	[tilespmem:s19+$0x10] =	vst v0;
	v0 =	vld [tilespmem:s13+$0xB0]  }
0x140: {  	v1 =	vadd.f32 v2, v1;
	v2 =	vld [tilespmem:s12+$0x20]  }
0x141: {  	v6 =	vld [tilespmem:s13+$0x20]  }
0x142: {  	v5 =	vld [tilespmem:s13+$0xFFFFFF20];
	v1 =	vmax.f32 v1, $0.0e+00  }
0x143: {  	v4 =	vld [tilespmem:s12+$0xFFFFFF20];
	[tilespmem:s19+$0xFFFFFFA0] =	vst v1  }
0x144: {  	v1 =	vld [tilespmem:s12+$0xFFFFFFB0];
	v0 =	vadd.f32 v0, v3  }
0x145: {  	v3 =	vld [tilespmem:s13+$0xFFFFFFB0]  }
0x146: {  	v2 =	vadd.f32 v6, v2;
	v0 =	vmax.f32 v0, $0.0e+00  }
0x147: {  	[tilespmem:s19+$0xB0] =	vst v0  }
0x148: {  	v4 =	vadd.f32 v5, v4;
	v0 =	vmax.f32 v2, $0.0e+00;
	v2 =	vld [tilespmem:s12+$0xC0]  }
0x149: {  	[tilespmem:s19+$0x20] =	vst v0;
	v0 =	vld [tilespmem:s13+$0xC0]  }
0x14a: {  	v4 =	vmax.f32 v4, $0.0e+00;
	v1 =	vadd.f32 v3, v1;
	v3 =	vld [tilespmem:s12+$0x30]  }
0x14b: {  	[tilespmem:s19+$0xFFFFFF20] =	vst v4;
	v6 =	vld [tilespmem:s13+$0x30]  }
0x14c: {  	v4 =	vld [tilespmem:s12+$0xFFFFFF30];
	v1 =	vmax.f32 v1, $0.0e+00  }
0x14d: {  	v5 =	vld [tilespmem:s13+$0xFFFFFF30];
	[tilespmem:s19+$0xFFFFFFB0] =	vst v1  }
0x14e: {  	v1 =	vld [tilespmem:s12+$0xFFFFFFC0];
	v0 =	vadd.f32 v0, v2  }
0x14f: {  	v2 =	vld [tilespmem:s13+$0xFFFFFFC0]  }
0x150: {  	s9 =	simm.s32 $0x5800;
	v3 =	vadd.f32 v6, v3;
	v0 =	vmax.f32 v0, $0.0e+00  }
0x151: {  	v10 =	vld [tilespmem:s9+$0xFFFFFF00];
	[tilespmem:s19+$0xC0] =	vst v0  }
0x152: {  	v0 =	vmax.f32 v3, $0.0e+00;
	v3 =	vld [tilespmem:s12+$0xD0]  }
0x153: {  	v4 =	vadd.f32 v5, v4;
	[tilespmem:s19+$0x30] =	vst v0;
	v0 =	vld [tilespmem:s13+$0xD0]  }
0x154: {  	v1 =	vadd.f32 v2, v1;
	v2 =	vld [tilespmem:s12+$0x40]  }
0x155: {  	s20 =	simm.s32 $0x3000;
	v4 =	vmax.f32 v4, $0.0e+00;
	v6 =	vld [tilespmem:s13+$0x40]  }
0x156: {  	v53 =	vld [tilespmem:s20+$0xFFFFFF00];
	[tilespmem:s19+$0xFFFFFF30] =	vst v4  }
0x157: {  	v4 =	vld [tilespmem:s12+$0xFFFFFF40]  }
0x158: {  	v5 =	vld [tilespmem:s13+$0xFFFFFF40];
	v0 =	vadd.f32 v0, v3  }
0x159: {  	v8 =	vld [tilespmem:s20+$0x80]  }
0x15a: {  	v9 =	vld [tilespmem:s9+$0x80];
	v2 =	vadd.f32 v6, v2;
	v0 =	vmax.f32 v0, $0.0e+00  }
0x15b: {  	v11 =	vld [tilespmem:s9+$0xFFFFFF80];
	v10 =	vadd.f32 v10, v53;
	[tilespmem:s19+$0xD0] =	vst v0  }
0x15c: {  	v0 =	vmax.f32 v2, $0.0e+00;
	v2 =	vld [tilespmem:s12+$0xE0]  }
0x15d: {  	s7 =	simm.s32 $0x8000;
	v10 =	vmax.f32 v10, $0.0e+00;
	v4 =	vadd.f32 v5, v4;
	[tilespmem:s19+$0x40] =	vst v0;
	v0 =	vld [tilespmem:s13+$0xE0]  }
0x15e: {  	v12 =	vld [tilespmem:s20+$0x0];
	[tilespmem:s7+$0xFFFFFF00] =	vst v10;
	v1 =	vmax.f32 v1, $0.0e+00  }
0x15f: {  	v10 =	vld [tilespmem:s20+$0xFFFFFF10];
	[tilespmem:s19+$0xFFFFFFC0] =	vst v1;
	v4 =	vmax.f32 v4, $0.0e+00  }
0x160: {  	v1 =	vld [tilespmem:s12+$0xFFFFFFD0];
	[tilespmem:s19+$0xFFFFFF40] =	vst v4  }
0x161: {  	v4 =	vld [tilespmem:s12+$0xFFFFFF50]  }
0x162: {  	v5 =	vld [tilespmem:s13+$0xFFFFFF50];
	v0 =	vadd.f32 v0, v2  }
0x163: {  	v2 =	vld [tilespmem:s20+$0xFFFFFF80]  }
0x164: {  	v3 =	vld [tilespmem:s13+$0xFFFFFFD0];
	v0 =	vmax.f32 v0, $0.0e+00  }
0x165: {  	v6 =	vld [tilespmem:s12+$0x50];
	[tilespmem:s19+$0xE0] =	vst v0;
	v0 =	vadd.f32 v9, v8  }
0x166: {  	v7 =	vld [tilespmem:s13+$0x50]  }
0x167: {  	v4 =	vadd.f32 v5, v4;
	v5 =	vld [tilespmem:s9+$0x0];
	v0 =	vmax.f32 v0, $0.0e+00  }
0x168: {  	v55 =	vld [tilespmem:s9+$0xFFFFFF10];
	v2 =	vadd.f32 v11, v2;
	[tilespmem:s7+$0x80] =	vst v0  }
0x169: {  	v0 =	vmax.f32 v4, $0.0e+00;
	v4 =	vld [tilespmem:s20+$0x90]  }
0x16a: {  	v1 =	vadd.f32 v3, v1;
	[tilespmem:s19+$0xFFFFFF50] =	vst v0;
	v0 =	vmax.f32 v2, $0.0e+00;
	v2 =	vld [tilespmem:s9+$0x90]  }
0x16b: {  	v6 =	vadd.f32 v7, v6;
	v8 =	vld [tilespmem:s12+$0xF0]  }
0x16c: {  	v1 =	vmax.f32 v1, $0.0e+00;
	v5 =	vadd.f32 v5, v12;
	v52 =	vld [tilespmem:s13+$0xF0];
	[tilespmem:s7+$0xFFFFFF80] =	vst v0  }
0x16d: {  	[tilespmem:s19+$0xFFFFFFD0] =	vst v1;
	v6 =	vmax.f32 v6, $0.0e+00;
	v3 =	vld [tilespmem:s20+$0xFFFFFF90]  }
0x16e: {  	v1 =	vmax.f32 v5, $0.0e+00;
	[tilespmem:s19+$0x50] =	vst v6;
	v54 =	vld [tilespmem:s9+$0xFFFFFF90]  }
0x16f: {  	v6 =	vld [tilespmem:s13+$0xFFFFFFE0];
	[tilespmem:s7+$0x0] =	vst v1;
	v1 =	vadd.f32 v2, v4  }
0x170: {  	v58 =	vld [tilespmem:s12+$0x60]  }
0x171: {  	v59 =	vld [tilespmem:s13+$0x60];
	v1 =	vmax.f32 v1, $0.0e+00  }
0x172: {  	v0 =	vld [tilespmem:s12+$0xFFFFFF60];
	[tilespmem:s7+$0x90] =	vst v1  }
0x173: {  	v3 =	vadd.f32 v54, v3;
	v1 =	vld [tilespmem:s20+$0xA0]  }
0x174: {  	v56 =	vld [tilespmem:s9+$0xA0]  }
0x175: {  	v4 =	vld [tilespmem:s20+$0x10];
	v3 =	vmax.f32 v3, $0.0e+00  }
0x176: {  	[tilespmem:s7+$0xFFFFFF90] =	vst v3;
	v3 =	vld [tilespmem:s9+$0x10]  }
0x177: {  	v10 =	vadd.f32 v55, v10;
	v7 =	vld [tilespmem:s20+$0xFFFFFFA0]  }
0x178: {  	v57 =	vld [tilespmem:s9+$0xFFFFFFA0]  }
0x179: {  	v10 =	vmax.f32 v10, $0.0e+00;
	v5 =	vld [tilespmem:s13+$0xFFFFFF60];
	v1 =	vadd.f32 v56, v1  }
0x17a: {  	[tilespmem:s7+$0xFFFFFF10] =	vst v10;
	v2 =	vld [tilespmem:s12+$0xFFFFFFE0]  }
0x17b: {  	v3 =	vadd.f32 v3, v4;
	v4 =	vld [tilespmem:s20+$0xFFFFFF20];
	v1 =	vmax.f32 v1, $0.0e+00  }
0x17c: {  	[tilespmem:s7+$0xA0] =	vst v1;
	v1 =	vld [tilespmem:s9+$0xFFFFFF20]  }
0x17d: {  	v7 =	vadd.f32 v57, v7;
	v3 =	vmax.f32 v3, $0.0e+00;
	v60 =	vld [tilespmem:s20+$0xB0]  }
0x17e: {  	v0 =	vadd.f32 v5, v0;
	[tilespmem:s7+$0x10] =	vst v3;
	v3 =	vld [tilespmem:s9+$0xB0]  }
0x17f: {  	v5 =	vmax.f32 v7, $0.0e+00;
	v7 =	vld [tilespmem:s20+$0x20]  }
0x180: {  	v0 =	vmax.f32 v0, $0.0e+00;
	[tilespmem:s7+$0xFFFFFFA0] =	vst v5;
	v5 =	vld [tilespmem:s9+$0x20]  }
0x181: {  	[tilespmem:s19+$0xFFFFFF60] =	vst v0;
	v0 =	vld [tilespmem:s9+$0xFFFFFFB0];
	v1 =	vadd.f32 v1, v4  }
0x182: {  	v4 =	vld [tilespmem:s20+$0xFFFFFFB0]  }
0x183: {  	v61 =	vld [tilespmem:s12+$0xFFFFFF70];
	v3 =	vadd.f32 v3, v60;
	v1 =	vmax.f32 v1, $0.0e+00  }
0x184: {  	[tilespmem:s7+$0xFFFFFF20] =	vst v1;
	v1 =	vld [tilespmem:s13+$0xFFFFFF70]  }
0x185: {  	v5 =	vadd.f32 v5, v7;
	v3 =	vmax.f32 v3, $0.0e+00;
	v7 =	vld [tilespmem:s20+$0xFFFFFF30]  }
0x186: {  	[tilespmem:s7+$0xB0] =	vst v3;
	v3 =	vld [tilespmem:s9+$0xFFFFFF30]  }
0x187: {  	v0 =	vadd.f32 v0, v4;
	v4 =	vmax.f32 v5, $0.0e+00;
	v5 =	vld [tilespmem:s20+$0xC0]  }
0x188: {  	[tilespmem:s7+$0x20] =	vst v4;
	v4 =	vld [tilespmem:s9+$0xC0]  }
0x189: {  	v2 =	vadd.f32 v6, v2;
	v0 =	vmax.f32 v0, $0.0e+00;
	v6 =	vld [tilespmem:s20+$0x30]  }
0x18a: {  	[tilespmem:s7+$0xFFFFFFB0] =	vst v0;
	v0 =	vld [tilespmem:s9+$0x30]  }
0x18b: {  	v2 =	vmax.f32 v2, $0.0e+00;
	v3 =	vadd.f32 v3, v7;
	v7 =	vld [tilespmem:s20+$0xFFFFFFC0]  }
0x18c: {  	[tilespmem:s19+$0xFFFFFFE0] =	vst v2;
	v2 =	vld [tilespmem:s9+$0xFFFFFFC0]  }
0x18d: {  	v3 =	vmax.f32 v3, $0.0e+00;
	v4 =	vadd.f32 v4, v5;
	v5 =	vld [tilespmem:s12+$0xFFFFFFF0]  }
0x18e: {  	[tilespmem:s7+$0xFFFFFF30] =	vst v3;
	v3 =	vld [tilespmem:s13+$0xFFFFFFF0]  }
0x18f: {  	v0 =	vadd.f32 v0, v6;
	v6 =	vld [tilespmem:s20+$0xFFFFFF40];
	v4 =	vmax.f32 v4, $0.0e+00  }
0x190: {  	[tilespmem:s7+$0xC0] =	vst v4;
	v4 =	vld [tilespmem:s9+$0xFFFFFF40]  }
0x191: {  	v2 =	vadd.f32 v2, v7;
	v0 =	vmax.f32 v0, $0.0e+00;
	v7 =	vld [tilespmem:s20+$0xD0]  }
0x192: {  	[tilespmem:s7+$0x30] =	vst v0;
	v0 =	vld [tilespmem:s9+$0xD0]  }
0x193: {  	v10 =	vadd.f32 v59, v58;
	v2 =	vmax.f32 v2, $0.0e+00;
	v62 =	vld [tilespmem:s20+$0x40]  }
0x194: {  	[tilespmem:s7+$0xFFFFFFC0] =	vst v2;
	v2 =	vld [tilespmem:s9+$0x40]  }
0x195: {  	v10 =	vmax.f32 v10, $0.0e+00;
	v63 =	vld [tilespmem:s9+$0xFFFFFFD0];
	v4 =	vadd.f32 v4, v6  }
0x196: {  	v8 =	vadd.f32 v52, v8;
	[tilespmem:s19+$0x60] =	vst v10;
	v6 =	vld [tilespmem:s20+$0xFFFFFFD0]  }
0x197: {  	v10 =	vld [tilespmem:s13+$0x70];
	v4 =	vmax.f32 v4, $0.0e+00;
	v0 =	vadd.f32 v0, v7  }
0x198: {  	v8 =	vmax.f32 v8, $0.0e+00;
	v1 =	vadd.f32 v1, v61;
	v7 =	vld [tilespmem:s12+$0x70];
	[tilespmem:s7+$0xFFFFFF40] =	vst v4  }
0x199: {  	[tilespmem:s19+$0xF0] =	vst v8;
	v8 =	vadd.f32 v2, v62;
	v2 =	vld [tilespmem:s20+$0xFFFFFF50];
	v0 =	vmax.f32 v0, $0.0e+00  }
0x19a: {  	v1 =	vmax.f32 v1, $0.0e+00;
	v3 =	vadd.f32 v3, v5;
	v4 =	vld [tilespmem:s9+$0xFFFFFF50];
	[tilespmem:s7+$0xD0] =	vst v0  }
0x19b: {  	[tilespmem:s19+$0xFFFFFF70] =	vst v1;
	v0 =	vadd.f32 v63, v6;
	v5 =	vmax.f32 v8, $0.0e+00;
	v1 =	vld [tilespmem:s20+$0xE0]  }
0x19c: {  	v6 =	vmax.f32 v3, $0.0e+00;
	[tilespmem:s7+$0x40] =	vst v5;
	v3 =	vld [tilespmem:s9+$0xE0]  }
0x19d: {  	[tilespmem:s19+$0xFFFFFFF0] =	vst v6;
	v6 =	vmax.f32 v0, $0.0e+00;
	v5 =	vld [tilespmem:s20+$0x50];
	v0 =	vadd.f32 v10, v7  }
0x19e: {  	s11 =	simm.s32 $0x5800;
	s13 =	simm.s32 $0x3200;
	s12 =	simm.s32 $0x4;
	[tilespmem:s7+$0xFFFFFFD0] =	vst v6;
	v6 =	vld [tilespmem:s9+$0x50]  }
.LBB2_5:
0x19f: {  	v7 =	vld [tilespmem:s13+$0x80];
	v2 =	vadd.f32 v4, v2;
	s9 =	sadd.s32 $0x200, s9;
	v0 =	vmax.f32 v0, $0.0e+00  }
0x1a0: {  	v4 =	vld [tilespmem:s9+$0x80];
	[tilespmem:s19+$0x70] =	vst v0;
	s19 =	smov.u32 s7  }
0x1a1: {  	v0 =	vld [tilespmem:s9+$0xFFFFFF00];
	v2 =	vmax.f32 v2, $0.0e+00;
	v1 =	vadd.f32 v3, v1  }
0x1a2: {  	v3 =	vld [tilespmem:s13+$0xFFFFFF80];
	[tilespmem:s7+$0xFFFFFF50] =	vst v2  }
0x1a3: {  	v2 =	vld [tilespmem:s9+$0xFFFFFF80];
	v5 =	vadd.f32 v6, v5;
	v1 =	vmax.f32 v1, $0.0e+00  }
0x1a4: {  	v6 =	vld [tilespmem:s13+$0x0];
	[tilespmem:s7+$0xE0] =	vst v1  }
0x1a5: {  	v1 =	vadd.f32 v4, v7;
	v4 =	vmax.f32 v5, $0.0e+00;
	v5 =	vld [tilespmem:s20+$0xF0]  }
0x1a6: {  	[tilespmem:s7+$0x50] =	vst v4;
	v4 =	vld [tilespmem:s11+$0xF0]  }
0x1a7: {  	s12 =	sadd.s32 $0x4, s12;
	s7 =	sadd.s32 $0x200, s7;
	v7 =	vld [tilespmem:s9+$0x0];
	v1 =	vmax.f32 v1, $0.0e+00  }
0x1a8: {  	p0 =	slt.u32 s12, $0x24;
	v8 =	vld [tilespmem:s13+$0xFFFFFF00];
	v2 =	vadd.f32 v2, v3;
	[tilespmem:s7+$0x80] =	vst v1  }
0x1a9: {  	v1 =	vld [tilespmem:s13+$0x90]  }
0x1aa: {  	v2 =	vmax.f32 v2, $0.0e+00;
	v3 =	vld [tilespmem:s9+$0x90]  }
0x1ab: {  	[tilespmem:s7+$0xFFFFFF80] =	vst v2;
	v2 =	vld [tilespmem:s20+$0xFFFFFF60];
	v4 =	vadd.f32 v4, v5  }
0x1ac: {  	v5 =	vld [tilespmem:s13+$0xFFFFFF90];
	v6 =	vadd.f32 v7, v6  }
0x1ad: {  	v0 =	vadd.f32 v0, v8;
	v7 =	vld [tilespmem:s9+$0xFFFFFF90];
	v4 =	vmax.f32 v4, $0.0e+00  }
0x1ae: {  	v6 =	vmax.f32 v6, $0.0e+00;
	v8 =	vld [tilespmem:s11+$0xFFFFFF60];
	[tilespmem:s19+$0xF0] =	vst v4  }
0x1af: {  	v0 =	vmax.f32 v0, $0.0e+00;
	[tilespmem:s7+$0x0] =	vst v6;
	v1 =	vadd.f32 v3, v1;
	v3 =	vld [tilespmem:s20+$0xFFFFFFE0]  }
0x1b0: {  	[tilespmem:s7+$0xFFFFFF00] =	vst v0;
	v0 =	vld [tilespmem:s13+$0x10]  }
0x1b1: {  	v4 =	vld [tilespmem:s13+$0xFFFFFF10];
	v1 =	vmax.f32 v1, $0.0e+00  }
0x1b2: {  	v6 =	vld [tilespmem:s9+$0xFFFFFF10];
	v5 =	vadd.f32 v7, v5;
	[tilespmem:s7+$0x90] =	vst v1  }
0x1b3: {  	v1 =	vld [tilespmem:s13+$0xA0];
	v2 =	vadd.f32 v8, v2  }
0x1b4: {  	v5 =	vmax.f32 v5, $0.0e+00;
	v7 =	vld [tilespmem:s9+$0xA0]  }
0x1b5: {  	[tilespmem:s7+$0xFFFFFF90] =	vst v5;
	v5 =	vld [tilespmem:s9+$0x10];
	v2 =	vmax.f32 v2, $0.0e+00  }
0x1b6: {  	v8 =	vld [tilespmem:s13+$0xFFFFFFA0];
	[tilespmem:s19+$0xFFFFFF60] =	vst v2  }
0x1b7: {  	v2 =	vadd.f32 v6, v4;
	v4 =	vld [tilespmem:s9+$0xFFFFFFA0]  }
0x1b8: {  	v6 =	vld [tilespmem:s11+$0xFFFFFFE0]  }
0x1b9: {  	v2 =	vmax.f32 v2, $0.0e+00;
	v1 =	vadd.f32 v7, v1;
	v7 =	vld [tilespmem:s20+$0x60]  }
0x1ba: {  	[tilespmem:s7+$0xFFFFFF10] =	vst v2;
	v0 =	vadd.f32 v5, v0;
	v2 =	vld [tilespmem:s11+$0x60]  }
0x1bb: {  	v5 =	vld [tilespmem:s13+$0xFFFFFF20];
	v1 =	vmax.f32 v1, $0.0e+00  }
0x1bc: {  	v9 =	vld [tilespmem:s9+$0xFFFFFF20];
	v4 =	vadd.f32 v4, v8;
	v0 =	vmax.f32 v0, $0.0e+00;
	[tilespmem:s7+$0xA0] =	vst v1  }
0x1bd: {  	[tilespmem:s7+$0x10] =	vst v0;
	v0 =	vld [tilespmem:s13+$0xB0];
	v1 =	vadd.f32 v6, v3  }
0x1be: {  	v3 =	vmax.f32 v4, $0.0e+00;
	v4 =	vld [tilespmem:s9+$0xB0]  }
0x1bf: {  	[tilespmem:s7+$0xFFFFFFA0] =	vst v3;
	v3 =	vld [tilespmem:s13+$0x20];
	v1 =	vmax.f32 v1, $0.0e+00;
	v2 =	vadd.f32 v2, v7  }
0x1c0: {  	v6 =	vld [tilespmem:s9+$0x20];
	[tilespmem:s19+$0xFFFFFFE0] =	vst v1  }
0x1c1: {  	v1 =	vadd.f32 v9, v5;
	v5 =	vld [tilespmem:s13+$0xFFFFFFB0];
	v2 =	vmax.f32 v2, $0.0e+00  }
0x1c2: {  	v7 =	vld [tilespmem:s9+$0xFFFFFFB0];
	[tilespmem:s19+$0x60] =	vst v2  }
0x1c3: {  	v1 =	vmax.f32 v1, $0.0e+00;
	v0 =	vadd.f32 v4, v0;
	v2 =	vld [tilespmem:s20+$0xFFFFFF70]  }
0x1c4: {  	[tilespmem:s7+$0xFFFFFF20] =	vst v1;
	v1 =	vld [tilespmem:s11+$0xFFFFFF70]  }
0x1c5: {  	v4 =	vld [tilespmem:s13+$0xFFFFFF30];
	v3 =	vadd.f32 v6, v3;
	v0 =	vmax.f32 v0, $0.0e+00  }
0x1c6: {  	v6 =	vld [tilespmem:s9+$0xFFFFFF30];
	[tilespmem:s7+$0xB0] =	vst v0  }
0x1c7: {  	v0 =	vadd.f32 v7, v5;
	v3 =	vmax.f32 v3, $0.0e+00;
	v5 =	vld [tilespmem:s13+$0xC0]  }
0x1c8: {  	[tilespmem:s7+$0x20] =	vst v3;
	v3 =	vld [tilespmem:s9+$0xC0]  }
0x1c9: {  	v0 =	vmax.f32 v0, $0.0e+00;
	v7 =	vld [tilespmem:s13+$0x30];
	v1 =	vadd.f32 v1, v2  }
0x1ca: {  	[tilespmem:s7+$0xFFFFFFB0] =	vst v0;
	v0 =	vld [tilespmem:s9+$0x30]  }
0x1cb: {  	v2 =	vadd.f32 v6, v4;
	v4 =	vld [tilespmem:s13+$0xFFFFFFC0];
	v1 =	vmax.f32 v1, $0.0e+00  }
0x1cc: {  	v6 =	vld [tilespmem:s9+$0xFFFFFFC0];
	[tilespmem:s19+$0xFFFFFF70] =	vst v1  }
0x1cd: {  	v1 =	vmax.f32 v2, $0.0e+00;
	v2 =	vadd.f32 v3, v5;
	v3 =	vld [tilespmem:s20+$0xFFFFFFF0]  }
0x1ce: {  	[tilespmem:s7+$0xFFFFFF30] =	vst v1;
	v1 =	vld [tilespmem:s11+$0xFFFFFFF0]  }
0x1cf: {  	v5 =	vld [tilespmem:s13+$0xFFFFFF40];
	v0 =	vadd.f32 v0, v7;
	v2 =	vmax.f32 v2, $0.0e+00  }
0x1d0: {  	v7 =	vld [tilespmem:s9+$0xFFFFFF40];
	[tilespmem:s7+$0xC0] =	vst v2  }
0x1d1: {  	v2 =	vadd.f32 v6, v4;
	v0 =	vmax.f32 v0, $0.0e+00;
	v4 =	vld [tilespmem:s13+$0xD0]  }
0x1d2: {  	[tilespmem:s7+$0x30] =	vst v0;
	v0 =	vld [tilespmem:s9+$0xD0]  }
0x1d3: {  	v2 =	vmax.f32 v2, $0.0e+00;
	v6 =	vld [tilespmem:s13+$0x40];
	v1 =	vadd.f32 v1, v3  }
0x1d4: {  	[tilespmem:s7+$0xFFFFFFC0] =	vst v2;
	v3 =	vld [tilespmem:s9+$0x40]  }
0x1d5: {  	v2 =	vadd.f32 v7, v5;
	v5 =	vld [tilespmem:s13+$0xFFFFFFD0];
	v1 =	vmax.f32 v1, $0.0e+00  }
0x1d6: {  	v7 =	vld [tilespmem:s9+$0xFFFFFFD0];
	[tilespmem:s19+$0xFFFFFFF0] =	vst v1  }
0x1d7: {  	v1 =	vmax.f32 v2, $0.0e+00;
	v0 =	vadd.f32 v0, v4;
	v8 =	vld [tilespmem:s20+$0x70];
	s20 =	smov.u32 s13  }
0x1d8: {  	[tilespmem:s7+$0xFFFFFF40] =	vst v1;
	v9 =	vld [tilespmem:s11+$0x70];
	s11 =	smov.u32 s9  }
0x1d9: {  	v2 =	vld [tilespmem:s13+$0xFFFFFF50];
	v1 =	vadd.f32 v3, v6;
	v0 =	vmax.f32 v0, $0.0e+00  }
.Ltmp3:
0x1da: {  	v4 =	vld [tilespmem:s9+$0xFFFFFF50];
	[tilespmem:s7+$0xD0] =	vst v0;
	(pc) =	sbr.rel @p0 .LBB2_5-.Ltmp3, $4  }
0x1db: {  	v0 =	vadd.f32 v7, v5;
	v3 =	vmax.f32 v1, $0.0e+00;
	v1 =	vld [tilespmem:s13+$0xE0]  }
0x1dc: {  	[tilespmem:s7+$0x40] =	vst v3;
	v3 =	vld [tilespmem:s9+$0xE0]  }
0x1dd: {  	v6 =	vmax.f32 v0, $0.0e+00;
	v5 =	vld [tilespmem:s13+$0x50];
	v0 =	vadd.f32 v9, v8  }
0x1de: {  	s13 =	sadd.s32 $0x200, s13;
	[tilespmem:s7+$0xFFFFFFD0] =	vst v6;
	v6 =	vld [tilespmem:s9+$0x50]  }
0x1df: {  	_ =	sdelay $0x1  }
0x1e0: {  	v2 =	vadd.f32 v4, v2;
	_ =	sdelay $0x1  }
0x1e1: {  	v50 =	vld [tilespmem:s20+$0xFFFFFFE0];
	v2 =	vmax.f32 v2, $0.0e+00;
	v47 =	vadd.f32 v6, v5  }
0x1e2: {  	v51 =	vld [tilespmem:s11+$0xFFFFFFE0];
	[tilespmem:s7+$0xFFFFFF50] =	vst v2  }
0x1e3: {  	v48 =	vld [tilespmem:s20+$0xFFFFFF60];
	v2 =	vmax.f32 v47, $0.0e+00  }
0x1e4: {  	v49 =	vld [tilespmem:s11+$0xFFFFFF60];
	[tilespmem:s7+$0x50] =	vst v2  }
0x1e5: {  	v1 =	vadd.f32 v3, v1;
	v52 =	vld [tilespmem:s20+$0x60]  }
0x1e6: {  	v7 =	vld [tilespmem:s11+$0x60]  }
0x1e7: {  	v1 =	vmax.f32 v1, $0.0e+00;
	v2 =	vadd.f32 v51, v50  }
0x1e8: {  	[tilespmem:s7+$0xE0] =	vst v1  }
0x1e9: {  	v1 =	vld [tilespmem:s20+$0xF0];
	v4 =	vadd.f32 v49, v48;
	v2 =	vmax.f32 v2, $0.0e+00  }
0x1ea: {  	v53 =	vld [tilespmem:s11+$0xF0];
	[tilespmem:s7+$0xFFFFFFE0] =	vst v2  }
0x1eb: {  	v4 =	vmax.f32 v4, $0.0e+00;
	v55 =	vld [tilespmem:s20+$0xFFFFFFF0];
	v3 =	vadd.f32 v7, v52  }
0x1ec: {  	v56 =	vld [tilespmem:s11+$0xFFFFFFF0];
	[tilespmem:s7+$0xFFFFFF60] =	vst v4  }
0x1ed: {  	v4 =	vld [tilespmem:s20+$0xFFFFFF70];
	v3 =	vmax.f32 v3, $0.0e+00  }
0x1ee: {  	v54 =	vld [tilespmem:s11+$0xFFFFFF70];
	[tilespmem:s7+$0x60] =	vst v3  }
0x1ef: {  	v57 =	vld [tilespmem:s20+$0x70]  }
0x1f0: {  	v8 =	vld [tilespmem:s11+$0x70];
	_ =	sdelay $0x1  }
0x1f1: {  	v1 =	vadd.f32 v53, v1  }
0x1f2: {  	v0 =	vmax.f32 v0, $0.0e+00;
	v59 =	vadd.f32 v56, v55  }
0x1f3: {  	[tilespmem:s19+$0x70] =	vst v0;
	v58 =	vmax.f32 v1, $0.0e+00;
	v2 =	vadd.f32 v54, v4  }
.Ltmp4:
0x1f4: {  	[tilespmem:s7+$0xF0] =	vst v58;
	v62 =	vmax.f32 v59, $0.0e+00;
	v61 =	vadd.f32 v8, v57;
	(pc) =	sbr.rel @p1 .LBB2_8-.Ltmp4, $4  }
0x1f5: {  	[tilespmem:s7+$0xFFFFFFF0] =	vst v62;
	v60 =	vmax.f32 v2, $0.0e+00  }
0x1f6: {  	[tilespmem:s7+$0xFFFFFF70] =	vst v60;
	v63 =	vmax.f32 v61, $0.0e+00  }
0x1f7: {  	s20 =	sadd.s32 $0xCA8, s17;
	[tilespmem:s7+$0x70] =	vst v63  }
0x1f8: {  	[spmem:s4] =	stream.indirect.scatter.add.f32 [tilespmem:s29], [sflag:$0x6], $0x80, s20, s18, $0xb8;
	[tilespmem:$0x1D100] =	vst v63  }
0x1f9: {  	s7 =	smul.u32 $0x50, s0;
	_ =	sdelay $0x1  }
0x1fa: {  	s7 =	sadd.s32 $0x78, s7  }
0x1fb: {  	[tilespmem:s21], [sflag:$0x2] =	stream.indirect.gather [hbm4b:s2+s18], $0x80, s7, s18, $0xb8;
	[tilespmem:$0x1D100] =	vst v63  }
.Ltmp5:
0x1fc: {  	_ = 	snop;
	(pc) =	sbr.rel .LBB2_2-.Ltmp5, $4  }
0x1fd: {  	s7 =	sadd.s32 s3, s7  }
0x1fe: {  	s7 =	sshll.u32 s7, $0x4  }
0x1ff: {  	s0 =	sadd.s32 $0x1, s0;
	s7 =	sadd.s32 s6, s7  }
0x200: {  	[tilespmem:s22], [sflag:$0x4] =	stream.linear.gather [hbm4b:s7+s5], $0x1400, $0x38;
	[tilespmem:$0x1D100] =	vst v63  }
.LBB2_9:
0x201: {  	_ =	sfence.sel $0x180000  }
0x202: {  	[bflag:$0x0] =	sbarrier.arrive $0xFFFF  }
0x203: {  	_ =	strace $0x90000047  }
0x204: {  	s0 =	stileid.u32;
	[bflag:$0x2] =	sbarrier.arrive $0xFFFF  }
0x205: {  	p0 =	sne.s32 s0, $0x0;
	s0 =	rddreg [dreg:$0x3]  }
0x206: {  	s0 =	sadd.s32 @!p0 $0x100000, s0  }
0x207: {  	[sflag:s0] =	ssyncadd.tile.s32 @!p0 $0x1;
	_ =	shalt  }
.Lfunc_end2:
_tile_overlayer_lowered:
.L_overlay_start_2:
0x208: {  	(tag) =	ssettag $0x2  }
0x209: {  	s0 =	rddreg [dreg:$0x0];
	s2 =	stileid.u32  }
0x20a: {  	s1 =	rddreg [dreg:$0x1];
	p0 =	sne.s32 s2, $0x0  }
0x20b: {  	s3 =	rddreg [dreg:$0x2];
	[bflag:$0x3] =	sbarrier.arrive $0xFFFF;
	s2 =	simm.s32 @!p0 $0x1C07  }
0x20c: {  	[timem:s3], [sflag:s2] =	dma.local @!p0 [hbm:s0], s1  }
0x20d: {  	s0 =	simm.s32 @!p0 $0x7  }
0x20e: {  	_ =	swait.ge @!p0 [sflag:s0], s1  }
0x20f: {  	s1 =	ssub.s32 @!p0 $0x0, s1;
	[sflag:s0] =	ssyncset.done @!p0 $0x0  }
0x210: {  	[sflag:s0] =	ssyncadd.s32 @!p0 s1  }
0x211: {  	[bflag:$0x3] =	sbarrier.arrive $0xFFFF  }
0x212: {  	_ =	shalt  }

</sc_bundles>
